<compile_context>
chip_gen: v7x
topology: tpu7x:2x2x1
jax: 0.10.2.dev20260603
libtpu: 0.0.44.dev20260713+nightly
codegen_flags: <defaults>
</compile_context>

<pallas_src>
import functools

import jax
import jax.numpy as jnp
from jax import lax
from jax.experimental import pallas as pl
from jax.experimental.pallas import tpu as pltpu
from jax.experimental.pallas import tpu_sc as plsc

NUM_CORES = 2
NUM_SUBCORES = 16
NUM_WORKERS = NUM_CORES * NUM_SUBCORES
LANES = 16

BATCH = 4096
HIST = 50
EMB = 32

PADDED = 128
ROWS_PER_WORKER = BATCH // NUM_WORKERS
ROWS_PER_GATHER = 2
IDX_PER_GATHER = ROWS_PER_GATHER * HIST
GATHERS = ROWS_PER_WORKER // ROWS_PER_GATHER

_SCALE = 1.0 / HIST


def _reduce_group(buf, row0, out_v, out_row):
    for half in range(EMB // LANES):
        sl = pl.ds(half * LANES, LANES)
        acc = buf[row0, sl]
        for k in range(1, HIST):
            acc = acc + buf[row0 + k, sl]
        out_v[out_row, sl] = acc * _SCALE


def _emb_mean_body(x_hbm, w_hbm, out_hbm, idx_v, buf_a, buf_b, out_v,
                   sem_a, sem_b):
    wid = lax.axis_index("s") * NUM_CORES + lax.axis_index("c")

    pltpu.sync_copy(x_hbm.at[wid], idx_v)

    def start(j, buf, sem):
        pltpu.make_async_copy(w_hbm.at[idx_v.at[j]], buf, sem).start()

    def wait(j, buf, sem):
        pltpu.make_async_copy(w_hbm.at[idx_v.at[j]], buf, sem).wait()

    def reduce_buf(buf, j):
        for r in range(ROWS_PER_GATHER):
            _reduce_group(buf, r * HIST, out_v, j * ROWS_PER_GATHER + r)

    start(0, buf_a, sem_a)

    @pl.loop(0, GATHERS, step=2)
    def _(j):
        start(j + 1, buf_b, sem_b)
        wait(j, buf_a, sem_a)
        reduce_buf(buf_a, j)

        @pl.when(j + 2 < GATHERS)
        def _():
            start(j + 2, buf_a, sem_a)

        wait(j + 1, buf_b, sem_b)
        reduce_buf(buf_b, j + 1)

    pltpu.sync_copy(out_v, out_hbm.at[pl.ds(wid * ROWS_PER_WORKER,
                                            ROWS_PER_WORKER)])


_TB = 65536
_QT = _TB // 4
_TGRID = (1000000 + _TB - 1) // _TB
_OUT_ROWS = _TGRID * _QT


def _transpose_body(x_ref, o_ref):
    x = x_ref[...]
    stacked = jnp.concatenate(
        [x[:, c * _QT:(c + 1) * _QT] for c in range(4)], axis=0)
    o_ref[...] = stacked.T


def _prepare_table(wt):
    return pl.pallas_call(
        _transpose_body,
        grid=(_TGRID,),
        in_specs=[pl.BlockSpec((EMB, _TB), lambda j: (0, j))],
        out_specs=pl.BlockSpec((_QT, PADDED), lambda j: (j, 0)),
        out_shape=jax.ShapeDtypeStruct((_OUT_ROWS, PADDED), jnp.float32),
    )(wt)


@jax.jit
def _emb_mean(x, w):
    mesh = plsc.VectorSubcoreMesh(core_axis_name="c", subcore_axis_name="s")
    fn = pl.kernel(
        _emb_mean_body,
        out_type=jax.ShapeDtypeStruct((BATCH, EMB), jnp.float32),
        mesh=mesh,
        scratch_types=[
            pltpu.VMEM((GATHERS, IDX_PER_GATHER), jnp.int32),
            pltpu.VMEM((IDX_PER_GATHER, EMB), jnp.float32),
            pltpu.VMEM((IDX_PER_GATHER, EMB), jnp.float32),
            pltpu.VMEM((ROWS_PER_WORKER, EMB), jnp.float32),
            pltpu.SemaphoreType.DMA,
            pltpu.SemaphoreType.DMA,
        ],
        compiler_params=pltpu.CompilerParams(use_tc_tiling_on_sc=False),
    )
    return fn(x, w)


def kernel(X, W):
    xi = X.astype(jnp.int32)
    j, m = xi // _TB, xi % _TB
    c, p = m // _QT, m % _QT
    x = (4 * (j * _QT + p) + c).reshape(NUM_WORKERS, GATHERS, IDX_PER_GATHER)
    w_lin = _prepare_table(W.T).reshape(4 * _OUT_ROWS, EMB)
    return _emb_mean(x, w_lin)

# --- scband reference (transcript-rebuilt; emitter-appended) ---
"""Pipeline reference for scband-embedding-unit-layer-27934467293440 (READ-ONLY COPY).

The authoritative reference and input builder live on the scoring server;
editing this copy changes nothing except your own understanding.
"""

import jax, jax.numpy as jnp
import numpy as np

FEATURES_SIZE = 1000000
EMBEDDING_SIZE = 32
BATCH = 4096
HIST_LEN = 50


def setup_inputs(seed: int = 0) -> dict:
    key = jax.random.key(seed)
    k_idx, k_w = jax.random.split(key)
    X = jax.random.randint(k_idx, (BATCH, HIST_LEN), 0, FEATURES_SIZE, dtype=jnp.int64 if jax.config.jax_enable_x64 else jnp.int32)
    # torch.nn.init.normal_(weight, std=0.0001)
    W = jax.random.normal(k_w, (FEATURES_SIZE, EMBEDDING_SIZE), dtype=jnp.float32) * 0.0001
    return {"X": X, "W": W}


def reference(X, W):
    # _tmp = self._embedding(X)  -> gather rows of the embedding table
    _tmp = jnp.take(W, X, axis=0)  # [B, L, D]
    # meaning=True branch: mean over dim=1
    return jnp.mean(_tmp, axis=1)  # [B, D]

if __name__ == "__main__":
    import jax
    _d = setup_inputs()
    print(jax.jit(kernel)(*tuple(_d.values())))

</pallas_src>

<mosaic_0001>
#map = affine_map<(d0, d1) -> (0, 0, 0)>
#map1 = affine_map<(d0, d1) -> (0, 0)>
module attributes {stable_mosaic.version = 14 : i64} {
  func.func @_emb_mean_body(%arg0: i32, %arg1: i32, %arg2: memref<32x64x100xi32, #tpu.memory_space<hbm>>, %arg3: memref<1048576x32xf32, #tpu.memory_space<hbm>>, %arg4: memref<4096x32xf32, #tpu.memory_space<hbm>>, %arg5: memref<64x100xi32, #tpu.memory_space<vmem>>, %arg6: memref<100x32xf32, #tpu.memory_space<vmem>>, %arg7: memref<100x32xf32, #tpu.memory_space<vmem>>, %arg8: memref<128x32xf32, #tpu.memory_space<vmem>>, %arg9: memref<!tpu.dma_semaphore, #tpu.memory_space<semaphore_mem>>, %arg10: memref<!tpu.dma_semaphore, #tpu.memory_space<semaphore_mem>>) attributes {dimension_semantics = [#tpu.dimension_semantics<core_parallel>, #tpu.dimension_semantics<subcore_parallel>], iteration_bounds = array<i64: 2, 16>, scalar_prefetch = 0 : i64, scratch_operands = 6 : i64, tpu.core_type = #tpu.core_type<sc_vector_subcore>, window_params = [{transform_indices = #map}, {transform_indices = #map1}, {transform_indices = #map1}]} {
    %mul3A = arith.constant 2 : i32
    %mul3A_0 = arith.muli %arg1, %mul3A : i32
    %add3A = arith.addi %mul3A_0, %arg0 : i32
    "tpu.region"() ({
      %run_scoped3A = tpu.sem_alloc : memref<!tpu.dma_semaphore, #tpu.memory_space<semaphore_mem>>
      %dma_start3A_13 = arith.constant 0 : i32
      %dma_start3A_14 = arith.constant 0 : i32
      %dma_start3A_15 = tpu.memref_slice %arg2[%add3A, %dma_start3A_13, %dma_start3A_14] : memref<32x64x100xi32, #tpu.memory_space<hbm>> -> memref<1x64x100xi32, #tpu.memory_space<hbm>>
      %dma_start3A_16 = tpu.memref_squeeze %dma_start3A_15 : memref<1x64x100xi32, #tpu.memory_space<hbm>> -> memref<64x100xi32, #tpu.memory_space<hbm>>
      %dma_start3A_17 = arith.constant 0 : i32
      %dma_start3A_18 = arith.constant 0 : i32
      %dma_start3A_19 = tpu.memref_slice %arg2[%add3A, %dma_start3A_17, %dma_start3A_18] : memref<32x64x100xi32, #tpu.memory_space<hbm>> -> memref<1x64x100xi32, #tpu.memory_space<hbm>>
      %dma_start3A_20 = tpu.memref_squeeze %dma_start3A_19 : memref<1x64x100xi32, #tpu.memory_space<hbm>> -> memref<64x100xi32, #tpu.memory_space<hbm>>
      tpu.enqueue_dma source(%dma_start3A_20 : memref<64x100xi32, #tpu.memory_space<hbm>>) target(%arg5 : memref<64x100xi32, #tpu.memory_space<vmem>>) target_semaphore(%run_scoped3A : memref<!tpu.dma_semaphore, #tpu.memory_space<semaphore_mem>>)
      %dma_wait3A = arith.constant 0 : i32
      %dma_wait3A_21 = arith.constant 0 : i32
      %dma_wait3A_22 = tpu.memref_slice %arg2[%add3A, %dma_wait3A, %dma_wait3A_21] : memref<32x64x100xi32, #tpu.memory_space<hbm>> -> memref<1x64x100xi32, #tpu.memory_space<hbm>>
      %dma_wait3A_23 = tpu.memref_squeeze %dma_wait3A_22 : memref<1x64x100xi32, #tpu.memory_space<hbm>> -> memref<64x100xi32, #tpu.memory_space<hbm>>
      %dma_wait3A_24 = arith.constant 0 : i32
      %dma_wait3A_25 = arith.constant 0 : i32
      %dma_wait3A_26 = tpu.memref_slice %arg2[%add3A, %dma_wait3A_24, %dma_wait3A_25] : memref<32x64x100xi32, #tpu.memory_space<hbm>> -> memref<1x64x100xi32, #tpu.memory_space<hbm>>
      %dma_wait3A_27 = tpu.memref_squeeze %dma_wait3A_26 : memref<1x64x100xi32, #tpu.memory_space<hbm>> -> memref<64x100xi32, #tpu.memory_space<hbm>>
      tpu.wait_dma2 semaphore(%run_scoped3A : memref<!tpu.dma_semaphore, #tpu.memory_space<semaphore_mem>>) src(%dma_wait3A_27 : memref<64x100xi32, #tpu.memory_space<hbm>>) dst(%arg5 : memref<64x100xi32, #tpu.memory_space<vmem>>)
      tpu.yield
    }) : () -> ()
    %dma_start3A = arith.constant 0 : i32
    %dma_start3A_1 = arith.constant 0 : i32
    %dma_start3A_2 = tpu.memref_slice %arg5[%dma_start3A, %dma_start3A_1] : memref<64x100xi32, #tpu.memory_space<vmem>> -> memref<1x100xi32, #tpu.memory_space<vmem>>
    %dma_start3A_3 = tpu.memref_squeeze %dma_start3A_2 : memref<1x100xi32, #tpu.memory_space<vmem>> -> memref<100xi32, #tpu.memory_space<vmem>>
    %dma_start3A_4 = arith.constant 0 : i32
    %dma_start3A_5 = arith.constant 0 : i32
    %dma_start3A_6 = tpu.memref_slice %arg3[%dma_start3A_4, %dma_start3A_5] : memref<1048576x32xf32, #tpu.memory_space<hbm>> -> memref<1048576x32xf32, #tpu.memory_space<hbm>>
    tpu.enqueue_indirect_dma source(%dma_start3A_6 : memref<1048576x32xf32, #tpu.memory_space<hbm>>) target(%arg6 : memref<100x32xf32, #tpu.memory_space<vmem>>) offsets(%dma_start3A_3 : memref<100xi32, #tpu.memory_space<vmem>>) semaphore(%arg9 : memref<!tpu.dma_semaphore, #tpu.memory_space<semaphore_mem>>)
    %scan3A = arith.constant 0 : i32
    %scan3A_7 = arith.constant 32 : i32
    %scan3A_8 = arith.addi %scan3A, %scan3A_7 : i32
    %scan3A_9 = arith.constant 1 : i32
    scf.for %scan3A_13 = %scan3A to %scan3A_8 step %scan3A_9  : i32 {
      %mul3A_14 = arith.constant 2 : i32
      %mul3A_15 = arith.muli %scan3A_13, %mul3A_14 : i32
      %add3A_16 = arith.constant 0 : i32
      %add3A_17 = arith.addi %add3A_16, %mul3A_15 : i32
      %add3A_18 = arith.constant 1 : i32
      %add3A_19 = arith.addi %add3A_17, %add3A_18 : i32
      %dma_start3A_20 = arith.constant 0 : i32
      %dma_start3A_21 = tpu.memref_slice %arg5[%add3A_19, %dma_start3A_20] : memref<64x100xi32, #tpu.memory_space<vmem>> -> memref<1x100xi32, #tpu.memory_space<vmem>>
      %dma_start3A_22 = tpu.memref_squeeze %dma_start3A_21 : memref<1x100xi32, #tpu.memory_space<vmem>> -> memref<100xi32, #tpu.memory_space<vmem>>
      %dma_start3A_23 = arith.constant 0 : i32
      %dma_start3A_24 = arith.constant 0 : i32
      %dma_start3A_25 = tpu.memref_slice %arg3[%dma_start3A_23, %dma_start3A_24] : memref<1048576x32xf32, #tpu.memory_space<hbm>> -> memref<1048576x32xf32, #tpu.memory_space<hbm>>
      tpu.enqueue_indirect_dma source(%dma_start3A_25 : memref<1048576x32xf32, #tpu.memory_space<hbm>>) target(%arg7 : memref<100x32xf32, #tpu.memory_space<vmem>>) offsets(%dma_start3A_22 : memref<100xi32, #tpu.memory_space<vmem>>) semaphore(%arg10 : memref<!tpu.dma_semaphore, #tpu.memory_space<semaphore_mem>>)
      %dma_wait3A = arith.constant 0 : i32
      %dma_wait3A_26 = tpu.memref_slice %arg5[%add3A_17, %dma_wait3A] : memref<64x100xi32, #tpu.memory_space<vmem>> -> memref<1x100xi32, #tpu.memory_space<vmem>>
      %dma_wait3A_27 = tpu.memref_squeeze %dma_wait3A_26 : memref<1x100xi32, #tpu.memory_space<vmem>> -> memref<100xi32, #tpu.memory_space<vmem>>
      %dma_wait3A_28 = arith.constant 0 : i32
      %dma_wait3A_29 = arith.constant 0 : i32
      %dma_wait3A_30 = tpu.memref_slice %arg3[%dma_wait3A_28, %dma_wait3A_29] : memref<1048576x32xf32, #tpu.memory_space<hbm>> -> memref<1048576x32xf32, #tpu.memory_space<hbm>>
      tpu.wait_indirect_dma semaphore(%arg9 : memref<!tpu.dma_semaphore, #tpu.memory_space<semaphore_mem>>) src(%dma_wait3A_30 : memref<1048576x32xf32, #tpu.memory_space<hbm>>) dst(%arg6 : memref<100x32xf32, #tpu.memory_space<vmem>>)
      %mul3A_31 = arith.constant 2 : i32
      %mul3A_32 = arith.muli %add3A_17, %mul3A_31 : i32
      %add3A_33 = arith.constant 0 : i32
      %add3A_34 = arith.addi %mul3A_32, %add3A_33 : i32
      %get3A = arith.constant 0 : i32
      %get3A_35 = arith.index_cast %get3A : i32 to index
      %get3A_36 = arith.constant 0 : index
      %get3A_37 = tpu.vector_load %arg6[%get3A_35, %get3A_36] {strides = array<i32>} : memref<100x32xf32, #tpu.memory_space<vmem>>, vector<1x16xf32>,
      %get3A_38 = vector.shape_cast %get3A_37 : vector<1x16xf32> to vector<16xf32>
      %get3A_39 = arith.constant 1 : i32
      %get3A_40 = arith.index_cast %get3A_39 : i32 to index
      %get3A_41 = arith.constant 0 : index
      %get3A_42 = tpu.vector_load %arg6[%get3A_40, %get3A_41] {strides = array<i32>} : memref<100x32xf32, #tpu.memory_space<vmem>>, vector<1x16xf32>,
      %get3A_43 = vector.shape_cast %get3A_42 : vector<1x16xf32> to vector<16xf32>
      %add3A_44 = arith.addf %get3A_38, %get3A_43 : vector<16xf32>
      %get3A_45 = arith.constant 2 : i32
      %get3A_46 = arith.index_cast %get3A_45 : i32 to index
      %get3A_47 = arith.constant 0 : index
      %get3A_48 = tpu.vector_load %arg6[%get3A_46, %get3A_47] {strides = array<i32>} : memref<100x32xf32, #tpu.memory_space<vmem>>, vector<1x16xf32>,
      %get3A_49 = vector.shape_cast %get3A_48 : vector<1x16xf32> to vector<16xf32>
      %add3A_50 = arith.addf %add3A_44, %get3A_49 : vector<16xf32>
      %get3A_51 = arith.constant 3 : i32
      %get3A_52 = arith.index_cast %get3A_51 : i32 to index
      %get3A_53 = arith.constant 0 : index
      %get3A_54 = tpu.vector_load %arg6[%get3A_52, %get3A_53] {strides = array<i32>} : memref<100x32xf32, #tpu.memory_space<vmem>>, vector<1x16xf32>,
      %get3A_55 = vector.shape_cast %get3A_54 : vector<1x16xf32> to vector<16xf32>
      %add3A_56 = arith.addf %add3A_50, %get3A_55 : vector<16xf32>
      %get3A_57 = arith.constant 4 : i32
      %get3A_58 = arith.index_cast %get3A_57 : i32 to index
      %get3A_59 = arith.constant 0 : index
      %get3A_60 = tpu.vector_load %arg6[%get3A_58, %get3A_59] {strides = array<i32>} : memref<100x32xf32, #tpu.memory_space<vmem>>, vector<1x16xf32>,
      %get3A_61 = vector.shape_cast %get3A_60 : vector<1x16xf32> to vector<16xf32>
      %add3A_62 = arith.addf %add3A_56, %get3A_61 : vector<16xf32>
      %get3A_63 = arith.constant 5 : i32
      %get3A_64 = arith.index_cast %get3A_63 : i32 to index
      %get3A_65 = arith.constant 0 : index
      %get3A_66 = tpu.vector_load %arg6[%get3A_64, %get3A_65] {strides = array<i32>} : memref<100x32xf32, #tpu.memory_space<vmem>>, vector<1x16xf32>,
      %get3A_67 = vector.shape_cast %get3A_66 : vector<1x16xf32> to vector<16xf32>
      %add3A_68 = arith.addf %add3A_62, %get3A_67 : vector<16xf32>
      %get3A_69 = arith.constant 6 : i32
      %get3A_70 = arith.index_cast %get3A_69 : i32 to index
      %get3A_71 = arith.constant 0 : index
      %get3A_72 = tpu.vector_load %arg6[%get3A_70, %get3A_71] {strides = array<i32>} : memref<100x32xf32, #tpu.memory_space<vmem>>, vector<1x16xf32>,
      %get3A_73 = vector.shape_cast %get3A_72 : vector<1x16xf32> to vector<16xf32>
      %add3A_74 = arith.addf %add3A_68, %get3A_73 : vector<16xf32>
      %get3A_75 = arith.constant 7 : i32
      %get3A_76 = arith.index_cast %get3A_75 : i32 to index
      %get3A_77 = arith.constant 0 : index
      %get3A_78 = tpu.vector_load %arg6[%get3A_76, %get3A_77] {strides = array<i32>} : memref<100x32xf32, #tpu.memory_space<vmem>>, vector<1x16xf32>,
      %get3A_79 = vector.shape_cast %get3A_78 : vector<1x16xf32> to vector<16xf32>
      %add3A_80 = arith.addf %add3A_74, %get3A_79 : vector<16xf32>
      %get3A_81 = arith.constant 8 : i32
      %get3A_82 = arith.index_cast %get3A_81 : i32 to index
      %get3A_83 = arith.constant 0 : index
      %get3A_84 = tpu.vector_load %arg6[%get3A_82, %get3A_83] {strides = array<i32>} : memref<100x32xf32, #tpu.memory_space<vmem>>, vector<1x16xf32>,
      %get3A_85 = vector.shape_cast %get3A_84 : vector<1x16xf32> to vector<16xf32>
      %add3A_86 = arith.addf %add3A_80, %get3A_85 : vector<16xf32>
      %get3A_87 = arith.constant 9 : i32
      %get3A_88 = arith.index_cast %get3A_87 : i32 to index
      %get3A_89 = arith.constant 0 : index
      %get3A_90 = tpu.vector_load %arg6[%get3A_88, %get3A_89] {strides = array<i32>} : memref<100x32xf32, #tpu.memory_space<vmem>>, vector<1x16xf32>,
      %get3A_91 = vector.shape_cast %get3A_90 : vector<1x16xf32> to vector<16xf32>
      %add3A_92 = arith.addf %add3A_86, %get3A_91 : vector<16xf32>
      %get3A_93 = arith.constant 10 : i32
      %get3A_94 = arith.index_cast %get3A_93 : i32 to index
      %get3A_95 = arith.constant 0 : index
      %get3A_96 = tpu.vector_load %arg6[%get3A_94, %get3A_95] {strides = array<i32>} : memref<100x32xf32, #tpu.memory_space<vmem>>, vector<1x16xf32>,
      %get3A_97 = vector.shape_cast %get3A_96 : vector<1x16xf32> to vector<16xf32>
      %add3A_98 = arith.addf %add3A_92, %get3A_97 : vector<16xf32>
      %get3A_99 = arith.constant 11 : i32
      %get3A_100 = arith.index_cast %get3A_99 : i32 to index
      %get3A_101 = arith.constant 0 : index
      %get3A_102 = tpu.vector_load %arg6[%get3A_100, %get3A_101] {strides = array<i32>} : memref<100x32xf32, #tpu.memory_space<vmem>>, vector<1x16xf32>,
      %get3A_103 = vector.shape_cast %get3A_102 : vector<1x16xf32> to vector<16xf32>
      %add3A_104 = arith.addf %add3A_98, %get3A_103 : vector<16xf32>
      %get3A_105 = arith.constant 12 : i32
      %get3A_106 = arith.index_cast %get3A_105 : i32 to index
      %get3A_107 = arith.constant 0 : index
      %get3A_108 = tpu.vector_load %arg6[%get3A_106, %get3A_107] {strides = array<i32>} : memref<100x32xf32, #tpu.memory_space<vmem>>, vector<1x16xf32>,
      %get3A_109 = vector.shape_cast %get3A_108 : vector<1x16xf32> to vector<16xf32>
      %add3A_110 = arith.addf %add3A_104, %get3A_109 : vector<16xf32>
      %get3A_111 = arith.constant 13 : i32
      %get3A_112 = arith.index_cast %get3A_111 : i32 to index
      %get3A_113 = arith.constant 0 : index
      %get3A_114 = tpu.vector_load %arg6[%get3A_112, %get3A_113] {strides = array<i32>} : memref<100x32xf32, #tpu.memory_space<vmem>>, vector<1x16xf32>,
      %get3A_115 = vector.shape_cast %get3A_114 : vector<1x16xf32> to vector<16xf32>
      %add3A_116 = arith.addf %add3A_110, %get3A_115 : vector<16xf32>
      %get3A_117 = arith.constant 14 : i32
      %get3A_118 = arith.index_cast %get3A_117 : i32 to index
      %get3A_119 = arith.constant 0 : index
      %get3A_120 = tpu.vector_load %arg6[%get3A_118, %get3A_119] {strides = array<i32>} : memref<100x32xf32, #tpu.memory_space<vmem>>, vector<1x16xf32>,
      %get3A_121 = vector.shape_cast %get3A_120 : vector<1x16xf32> to vector<16xf32>
      %add3A_122 = arith.addf %add3A_116, %get3A_121 : vector<16xf32>
      %get3A_123 = arith.constant 15 : i32
      %get3A_124 = arith.index_cast %get3A_123 : i32 to index
      %get3A_125 = arith.constant 0 : index
      %get3A_126 = tpu.vector_load %arg6[%get3A_124, %get3A_125] {strides = array<i32>} : memref<100x32xf32, #tpu.memory_space<vmem>>, vector<1x16xf32>,
      %get3A_127 = vector.shape_cast %get3A_126 : vector<1x16xf32> to vector<16xf32>
      %add3A_128 = arith.addf %add3A_122, %get3A_127 : vector<16xf32>
      %get3A_129 = arith.constant 16 : i32
      %get3A_130 = arith.index_cast %get3A_129 : i32 to index
      %get3A_131 = arith.constant 0 : index
      %get3A_132 = tpu.vector_load %arg6[%get3A_130, %get3A_131] {strides = array<i32>} : memref<100x32xf32, #tpu.memory_space<vmem>>, vector<1x16xf32>,
      %get3A_133 = vector.shape_cast %get3A_132 : vector<1x16xf32> to vector<16xf32>
      %add3A_134 = arith.addf %add3A_128, %get3A_133 : vector<16xf32>
      %get3A_135 = arith.constant 17 : i32
      %get3A_136 = arith.index_cast %get3A_135 : i32 to index
      %get3A_137 = arith.constant 0 : index
      %get3A_138 = tpu.vector_load %arg6[%get3A_136, %get3A_137] {strides = array<i32>} : memref<100x32xf32, #tpu.memory_space<vmem>>, vector<1x16xf32>,
      %get3A_139 = vector.shape_cast %get3A_138 : vector<1x16xf32> to vector<16xf32>
      %add3A_140 = arith.addf %add3A_134, %get3A_139 : vector<16xf32>
      %get3A_141 = arith.constant 18 : i32
      %get3A_142 = arith.index_cast %get3A_141 : i32 to index
      %get3A_143 = arith.constant 0 : index
      %get3A_144 = tpu.vector_load %arg6[%get3A_142, %get3A_143] {strides = array<i32>} : memref<100x32xf32, #tpu.memory_space<vmem>>, vector<1x16xf32>,
      %get3A_145 = vector.shape_cast %get3A_144 : vector<1x16xf32> to vector<16xf32>
      %add3A_146 = arith.addf %add3A_140, %get3A_145 : vector<16xf32>
      %get3A_147 = arith.constant 19 : i32
      %get3A_148 = arith.index_cast %get3A_147 : i32 to index
      %get3A_149 = arith.constant 0 : index
      %get3A_150 = tpu.vector_load %arg6[%get3A_148, %get3A_149] {strides = array<i32>} : memref<100x32xf32, #tpu.memory_space<vmem>>, vector<1x16xf32>,
      %get3A_151 = vector.shape_cast %get3A_150 : vector<1x16xf32> to vector<16xf32>
      %add3A_152 = arith.addf %add3A_146, %get3A_151 : vector<16xf32>
      %get3A_153 = arith.constant 20 : i32
      %get3A_154 = arith.index_cast %get3A_153 : i32 to index
      %get3A_155 = arith.constant 0 : index
      %get3A_156 = tpu.vector_load %arg6[%get3A_154, %get3A_155] {strides = array<i32>} : memref<100x32xf32, #tpu.memory_space<vmem>>, vector<1x16xf32>,
      %get3A_157 = vector.shape_cast %get3A_156 : vector<1x16xf32> to vector<16xf32>
      %add3A_158 = arith.addf %add3A_152, %get3A_157 : vector<16xf32>
      %get3A_159 = arith.constant 21 : i32
      %get3A_160 = arith.index_cast %get3A_159 : i32 to index
      %get3A_161 = arith.constant 0 : index
      %get3A_162 = tpu.vector_load %arg6[%get3A_160, %get3A_161] {strides = array<i32>} : memref<100x32xf32, #tpu.memory_space<vmem>>, vector<1x16xf32>,
      %get3A_163 = vector.shape_cast %get3A_162 : vector<1x16xf32> to vector<16xf32>
      %add3A_164 = arith.addf %add3A_158, %get3A_163 : vector<16xf32>
      %get3A_165 = arith.constant 22 : i32
      %get3A_166 = arith.index_cast %get3A_165 : i32 to index
      %get3A_167 = arith.constant 0 : index
      %get3A_168 = tpu.vector_load %arg6[%get3A_166, %get3A_167] {strides = array<i32>} : memref<100x32xf32, #tpu.memory_space<vmem>>, vector<1x16xf32>,
      %get3A_169 = vector.shape_cast %get3A_168 : vector<1x16xf32> to vector<16xf32>
      %add3A_170 = arith.addf %add3A_164, %get3A_169 : vector<16xf32>
      %get3A_171 = arith.constant 23 : i32
      %get3A_172 = arith.index_cast %get3A_171 : i32 to index
      %get3A_173 = arith.constant 0 : index
      %get3A_174 = tpu.vector_load %arg6[%get3A_172, %get3A_173] {strides = array<i32>} : memref<100x32xf32, #tpu.memory_space<vmem>>, vector<1x16xf32>,
      %get3A_175 = vector.shape_cast %get3A_174 : vector<1x16xf32> to vector<16xf32>
      %add3A_176 = arith.addf %add3A_170, %get3A_175 : vector<16xf32>
      %get3A_177 = arith.constant 24 : i32
      %get3A_178 = arith.index_cast %get3A_177 : i32 to index
      %get3A_179 = arith.constant 0 : index
      %get3A_180 = tpu.vector_load %arg6[%get3A_178, %get3A_179] {strides = array<i32>} : memref<100x32xf32, #tpu.memory_space<vmem>>, vector<1x16xf32>,
      %get3A_181 = vector.shape_cast %get3A_180 : vector<1x16xf32> to vector<16xf32>
      %add3A_182 = arith.addf %add3A_176, %get3A_181 : vector<16xf32>
      %get3A_183 = arith.constant 25 : i32
      %get3A_184 = arith.index_cast %get3A_183 : i32 to index
      %get3A_185 = arith.constant 0 : index
      %get3A_186 = tpu.vector_load %arg6[%get3A_184, %get3A_185] {strides = array<i32>} : memref<100x32xf32, #tpu.memory_space<vmem>>, vector<1x16xf32>,
      %get3A_187 = vector.shape_cast %get3A_186 : vector<1x16xf32> to vector<16xf32>
      %add3A_188 = arith.addf %add3A_182, %get3A_187 : vector<16xf32>
      %get3A_189 = arith.constant 26 : i32
      %get3A_190 = arith.index_cast %get3A_189 : i32 to index
      %get3A_191 = arith.constant 0 : index
      %get3A_192 = tpu.vector_load %arg6[%get3A_190, %get3A_191] {strides = array<i32>} : memref<100x32xf32, #tpu.memory_space<vmem>>, vector<1x16xf32>,
      %get3A_193 = vector.shape_cast %get3A_192 : vector<1x16xf32> to vector<16xf32>
      %add3A_194 = arith.addf %add3A_188, %get3A_193 : vector<16xf32>
      %get3A_195 = arith.constant 27 : i32
      %get3A_196 = arith.index_cast %get3A_195 : i32 to index
      %get3A_197 = arith.constant 0 : index
      %get3A_198 = tpu.vector_load %arg6[%get3A_196, %get3A_197] {strides = array<i32>} : memref<100x32xf32, #tpu.memory_space<vmem>>, vector<1x16xf32>,
      %get3A_199 = vector.shape_cast %get3A_198 : vector<1x16xf32> to vector<16xf32>
      %add3A_200 = arith.addf %add3A_194, %get3A_199 : vector<16xf32>
      %get3A_201 = arith.constant 28 : i32
      %get3A_202 = arith.index_cast %get3A_201 : i32 to index
      %get3A_203 = arith.constant 0 : index
      %get3A_204 = tpu.vector_load %arg6[%get3A_202, %get3A_203] {strides = array<i32>} : memref<100x32xf32, #tpu.memory_space<vmem>>, vector<1x16xf32>,
      %get3A_205 = vector.shape_cast %get3A_204 : vector<1x16xf32> to vector<16xf32>
      %add3A_206 = arith.addf %add3A_200, %get3A_205 : vector<16xf32>
      %get3A_207 = arith.constant 29 : i32
      %get3A_208 = arith.index_cast %get3A_207 : i32 to index
      %get3A_209 = arith.constant 0 : index
      %get3A_210 = tpu.vector_load %arg6[%get3A_208, %get3A_209] {strides = array<i32>} : memref<100x32xf32, #tpu.memory_space<vmem>>, vector<1x16xf32>,
      %get3A_211 = vector.shape_cast %get3A_210 : vector<1x16xf32> to vector<16xf32>
      %add3A_212 = arith.addf %add3A_206, %get3A_211 : vector<16xf32>
      %get3A_213 = arith.constant 30 : i32
      %get3A_214 = arith.index_cast %get3A_213 : i32 to index
      %get3A_215 = arith.constant 0 : index
      %get3A_216 = tpu.vector_load %arg6[%get3A_214, %get3A_215] {strides = array<i32>} : memref<100x32xf32, #tpu.memory_space<vmem>>, vector<1x16xf32>,
      %get3A_217 = vector.shape_cast %get3A_216 : vector<1x16xf32> to vector<16xf32>
      %add3A_218 = arith.addf %add3A_212, %get3A_217 : vector<16xf32>
      %get3A_219 = arith.constant 31 : i32
      %get3A_220 = arith.index_cast %get3A_219 : i32 to index
      %get3A_221 = arith.constant 0 : index
      %get3A_222 = tpu.vector_load %arg6[%get3A_220, %get3A_221] {strides = array<i32>} : memref<100x32xf32, #tpu.memory_space<vmem>>, vector<1x16xf32>,
      %get3A_223 = vector.shape_cast %get3A_222 : vector<1x16xf32> to vector<16xf32>
      %add3A_224 = arith.addf %add3A_218, %get3A_223 : vector<16xf32>
      %get3A_225 = arith.constant 32 : i32
      %get3A_226 = arith.index_cast %get3A_225 : i32 to index
      %get3A_227 = arith.constant 0 : index
      %get3A_228 = tpu.vector_load %arg6[%get3A_226, %get3A_227] {strides = array<i32>} : memref<100x32xf32, #tpu.memory_space<vmem>>, vector<1x16xf32>,
      %get3A_229 = vector.shape_cast %get3A_228 : vector<1x16xf32> to vector<16xf32>
      %add3A_230 = arith.addf %add3A_224, %get3A_229 : vector<16xf32>
      %get3A_231 = arith.constant 33 : i32
      %get3A_232 = arith.index_cast %get3A_231 : i32 to index
      %get3A_233 = arith.constant 0 : index
      %get3A_234 = tpu.vector_load %arg6[%get3A_232, %get3A_233] {strides = array<i32>} : memref<100x32xf32, #tpu.memory_space<vmem>>, vector<1x16xf32>,
      %get3A_235 = vector.shape_cast %get3A_234 : vector<1x16xf32> to vector<16xf32>
      %add3A_236 = arith.addf %add3A_230, %get3A_235 : vector<16xf32>
      %get3A_237 = arith.constant 34 : i32
      %get3A_238 = arith.index_cast %get3A_237 : i32 to index
      %get3A_239 = arith.constant 0 : index
      %get3A_240 = tpu.vector_load %arg6[%get3A_238, %get3A_239] {strides = array<i32>} : memref<100x32xf32, #tpu.memory_space<vmem>>, vector<1x16xf32>,
      %get3A_241 = vector.shape_cast %get3A_240 : vector<1x16xf32> to vector<16xf32>
      %add3A_242 = arith.addf %add3A_236, %get3A_241 : vector<16xf32>
      %get3A_243 = arith.constant 35 : i32
      %get3A_244 = arith.index_cast %get3A_243 : i32 to index
      %get3A_245 = arith.constant 0 : index
      %get3A_246 = tpu.vector_load %arg6[%get3A_244, %get3A_245] {strides = array<i32>} : memref<100x32xf32, #tpu.memory_space<vmem>>, vector<1x16xf32>,
      %get3A_247 = vector.shape_cast %get3A_246 : vector<1x16xf32> to vector<16xf32>
      %add3A_248 = arith.addf %add3A_242, %get3A_247 : vector<16xf32>
      %get3A_249 = arith.constant 36 : i32
      %get3A_250 = arith.index_cast %get3A_249 : i32 to index
      %get3A_251 = arith.constant 0 : index
      %get3A_252 = tpu.vector_load %arg6[%get3A_250, %get3A_251] {strides = array<i32>} : memref<100x32xf32, #tpu.memory_space<vmem>>, vector<1x16xf32>,
      %get3A_253 = vector.shape_cast %get3A_252 : vector<1x16xf32> to vector<16xf32>
      %add3A_254 = arith.addf %add3A_248, %get3A_253 : vector<16xf32>
      %get3A_255 = arith.constant 37 : i32
      %get3A_256 = arith.index_cast %get3A_255 : i32 to index
      %get3A_257 = arith.constant 0 : index
      %get3A_258 = tpu.vector_load %arg6[%get3A_256, %get3A_257] {strides = array<i32>} : memref<100x32xf32, #tpu.memory_space<vmem>>, vector<1x16xf32>,
      %get3A_259 = vector.shape_cast %get3A_258 : vector<1x16xf32> to vector<16xf32>
      %add3A_260 = arith.addf %add3A_254, %get3A_259 : vector<16xf32>
      %get3A_261 = arith.constant 38 : i32
      %get3A_262 = arith.index_cast %get3A_261 : i32 to index
      %get3A_263 = arith.constant 0 : index
      %get3A_264 = tpu.vector_load %arg6[%get3A_262, %get3A_263] {strides = array<i32>} : memref<100x32xf32, #tpu.memory_space<vmem>>, vector<1x16xf32>,
      %get3A_265 = vector.shape_cast %get3A_264 : vector<1x16xf32> to vector<16xf32>
      %add3A_266 = arith.addf %add3A_260, %get3A_265 : vector<16xf32>
      %get3A_267 = arith.constant 39 : i32
      %get3A_268 = arith.index_cast %get3A_267 : i32 to index
      %get3A_269 = arith.constant 0 : index
      %get3A_270 = tpu.vector_load %arg6[%get3A_268, %get3A_269] {strides = array<i32>} : memref<100x32xf32, #tpu.memory_space<vmem>>, vector<1x16xf32>,
      %get3A_271 = vector.shape_cast %get3A_270 : vector<1x16xf32> to vector<16xf32>
      %add3A_272 = arith.addf %add3A_266, %get3A_271 : vector<16xf32>
      %get3A_273 = arith.constant 40 : i32
      %get3A_274 = arith.index_cast %get3A_273 : i32 to index
      %get3A_275 = arith.constant 0 : index
      %get3A_276 = tpu.vector_load %arg6[%get3A_274, %get3A_275] {strides = array<i32>} : memref<100x32xf32, #tpu.memory_space<vmem>>, vector<1x16xf32>,
      %get3A_277 = vector.shape_cast %get3A_276 : vector<1x16xf32> to vector<16xf32>
      %add3A_278 = arith.addf %add3A_272, %get3A_277 : vector<16xf32>
      %get3A_279 = arith.constant 41 : i32
      %get3A_280 = arith.index_cast %get3A_279 : i32 to index
      %get3A_281 = arith.constant 0 : index
      %get3A_282 = tpu.vector_load %arg6[%get3A_280, %get3A_281] {strides = array<i32>} : memref<100x32xf32, #tpu.memory_space<vmem>>, vector<1x16xf32>,
      %get3A_283 = vector.shape_cast %get3A_282 : vector<1x16xf32> to vector<16xf32>
      %add3A_284 = arith.addf %add3A_278, %get3A_283 : vector<16xf32>
      %get3A_285 = arith.constant 42 : i32
      %get3A_286 = arith.index_cast %get3A_285 : i32 to index
      %get3A_287 = arith.constant 0 : index
      %get3A_288 = tpu.vector_load %arg6[%get3A_286, %get3A_287] {strides = array<i32>} : memref<100x32xf32, #tpu.memory_space<vmem>>, vector<1x16xf32>,
      %get3A_289 = vector.shape_cast %get3A_288 : vector<1x16xf32> to vector<16xf32>
      %add3A_290 = arith.addf %add3A_284, %get3A_289 : vector<16xf32>
      %get3A_291 = arith.constant 43 : i32
      %get3A_292 = arith.index_cast %get3A_291 : i32 to index
      %get3A_293 = arith.constant 0 : index
      %get3A_294 = tpu.vector_load %arg6[%get3A_292, %get3A_293] {strides = array<i32>} : memref<100x32xf32, #tpu.memory_space<vmem>>, vector<1x16xf32>,
      %get3A_295 = vector.shape_cast %get3A_294 : vector<1x16xf32> to vector<16xf32>
      %add3A_296 = arith.addf %add3A_290, %get3A_295 : vector<16xf32>
      %get3A_297 = arith.constant 44 : i32
      %get3A_298 = arith.index_cast %get3A_297 : i32 to index
      %get3A_299 = arith.constant 0 : index
      %get3A_300 = tpu.vector_load %arg6[%get3A_298, %get3A_299] {strides = array<i32>} : memref<100x32xf32, #tpu.memory_space<vmem>>, vector<1x16xf32>,
      %get3A_301 = vector.shape_cast %get3A_300 : vector<1x16xf32> to vector<16xf32>
      %add3A_302 = arith.addf %add3A_296, %get3A_301 : vector<16xf32>
      %get3A_303 = arith.constant 45 : i32
      %get3A_304 = arith.index_cast %get3A_303 : i32 to index
      %get3A_305 = arith.constant 0 : index
      %get3A_306 = tpu.vector_load %arg6[%get3A_304, %get3A_305] {strides = array<i32>} : memref<100x32xf32, #tpu.memory_space<vmem>>, vector<1x16xf32>,
      %get3A_307 = vector.shape_cast %get3A_306 : vector<1x16xf32> to vector<16xf32>
      %add3A_308 = arith.addf %add3A_302, %get3A_307 : vector<16xf32>
      %get3A_309 = arith.constant 46 : i32
      %get3A_310 = arith.index_cast %get3A_309 : i32 to index
      %get3A_311 = arith.constant 0 : index
      %get3A_312 = tpu.vector_load %arg6[%get3A_310, %get3A_311] {strides = array<i32>} : memref<100x32xf32, #tpu.memory_space<vmem>>, vector<1x16xf32>,
      %get3A_313 = vector.shape_cast %get3A_312 : vector<1x16xf32> to vector<16xf32>
      %add3A_314 = arith.addf %add3A_308, %get3A_313 : vector<16xf32>
      %get3A_315 = arith.constant 47 : i32
      %get3A_316 = arith.index_cast %get3A_315 : i32 to index
      %get3A_317 = arith.constant 0 : index
      %get3A_318 = tpu.vector_load %arg6[%get3A_316, %get3A_317] {strides = array<i32>} : memref<100x32xf32, #tpu.memory_space<vmem>>, vector<1x16xf32>,
      %get3A_319 = vector.shape_cast %get3A_318 : vector<1x16xf32> to vector<16xf32>
      %add3A_320 = arith.addf %add3A_314, %get3A_319 : vector<16xf32>
      %get3A_321 = arith.constant 48 : i32
      %get3A_322 = arith.index_cast %get3A_321 : i32 to index
      %get3A_323 = arith.constant 0 : index
      %get3A_324 = tpu.vector_load %arg6[%get3A_322, %get3A_323] {strides = array<i32>} : memref<100x32xf32, #tpu.memory_space<vmem>>, vector<1x16xf32>,
      %get3A_325 = vector.shape_cast %get3A_324 : vector<1x16xf32> to vector<16xf32>
      %add3A_326 = arith.addf %add3A_320, %get3A_325 : vector<16xf32>
      %get3A_327 = arith.constant 49 : i32
      %get3A_328 = arith.index_cast %get3A_327 : i32 to index
      %get3A_329 = arith.constant 0 : index
      %get3A_330 = tpu.vector_load %arg6[%get3A_328, %get3A_329] {strides = array<i32>} : memref<100x32xf32, #tpu.memory_space<vmem>>, vector<1x16xf32>,
      %get3A_331 = vector.shape_cast %get3A_330 : vector<1x16xf32> to vector<16xf32>
      %add3A_332 = arith.addf %add3A_326, %get3A_331 : vector<16xf32>
      %mul3A_333 = arith.constant 2.000000e-02 : f32
      %mul3A_334 = vector.broadcast %mul3A_333 : f32 to vector<16xf32>
      %mul3A_335 = arith.mulf %add3A_332, %mul3A_334 : vector<16xf32>
      %swap3A = arith.index_cast %add3A_34 : i32 to index
      %swap3A_336 = arith.constant 0 : index
      %swap3A_337 = tpu.vector_load %arg8[%swap3A, %swap3A_336] {strides = array<i32>} : memref<128x32xf32, #tpu.memory_space<vmem>>, vector<1x16xf32>,
      %swap3A_338 = vector.shape_cast %swap3A_337 : vector<1x16xf32> to vector<16xf32>
      %swap3A_339 = vector.shape_cast %mul3A_335 : vector<16xf32> to vector<1x16xf32>
      tpu.vector_store %arg8[%swap3A, %swap3A_336], %swap3A_339 {strides = array<i32>} : memref<128x32xf32, #tpu.memory_space<vmem>>, vector<1x16xf32>,
      %get3A_340 = arith.constant 0 : i32
      %get3A_341 = arith.index_cast %get3A_340 : i32 to index
      %get3A_342 = arith.constant 16 : index
      %get3A_343 = tpu.vector_load %arg6[%get3A_341, %get3A_342] {strides = array<i32>} : memref<100x32xf32, #tpu.memory_space<vmem>>, vector<1x16xf32>,
      %get3A_344 = vector.shape_cast %get3A_343 : vector<1x16xf32> to vector<16xf32>
      %get3A_345 = arith.constant 1 : i32
      %get3A_346 = arith.index_cast %get3A_345 : i32 to index
      %get3A_347 = arith.constant 16 : index
      %get3A_348 = tpu.vector_load %arg6[%get3A_346, %get3A_347] {strides = array<i32>} : memref<100x32xf32, #tpu.memory_space<vmem>>, vector<1x16xf32>,
      %get3A_349 = vector.shape_cast %get3A_348 : vector<1x16xf32> to vector<16xf32>
      %add3A_350 = arith.addf %get3A_344, %get3A_349 : vector<16xf32>
      %get3A_351 = arith.constant 2 : i32
      %get3A_352 = arith.index_cast %get3A_351 : i32 to index
      %get3A_353 = arith.constant 16 : index
      %get3A_354 = tpu.vector_load %arg6[%get3A_352, %get3A_353] {strides = array<i32>} : memref<100x32xf32, #tpu.memory_space<vmem>>, vector<1x16xf32>,
      %get3A_355 = vector.shape_cast %get3A_354 : vector<1x16xf32> to vector<16xf32>
      %add3A_356 = arith.addf %add3A_350, %get3A_355 : vector<16xf32>
      %get3A_357 = arith.constant 3 : i32
      %get3A_358 = arith.index_cast %get3A_357 : i32 to index
      %get3A_359 = arith.constant 16 : index
      %get3A_360 = tpu.vector_load %arg6[%get3A_358, %get3A_359] {strides = array<i32>} : memref<100x32xf32, #tpu.memory_space<vmem>>, vector<1x16xf32>,
      %get3A_361 = vector.shape_cast %get3A_360 : vector<1x16xf32> to vector<16xf32>
      %add3A_362 = arith.addf %add3A_356, %get3A_361 : vector<16xf32>
      %get3A_363 = arith.constant 4 : i32
      %get3A_364 = arith.index_cast %get3A_363 : i32 to index
      %get3A_365 = arith.constant 16 : index
      %get3A_366 = tpu.vector_load %arg6[%get3A_364, %get3A_365] {strides = array<i32>} : memref<100x32xf32, #tpu.memory_space<vmem>>, vector<1x16xf32>,
      %get3A_367 = vector.shape_cast %get3A_366 : vector<1x16xf32> to vector<16xf32>
      %add3A_368 = arith.addf %add3A_362, %get3A_367 : vector<16xf32>
      %get3A_369 = arith.constant 5 : i32
      %get3A_370 = arith.index_cast %get3A_369 : i32 to index
      %get3A_371 = arith.constant 16 : index
      %get3A_372 = tpu.vector_load %arg6[%get3A_370, %get3A_371] {strides = array<i32>} : memref<100x32xf32, #tpu.memory_space<vmem>>, vector<1x16xf32>,
      %get3A_373 = vector.shape_cast %get3A_372 : vector<1x16xf32> to vector<16xf32>
      %add3A_374 = arith.addf %add3A_368, %get3A_373 : vector<16xf32>
      %get3A_375 = arith.constant 6 : i32
      %get3A_376 = arith.index_cast %get3A_375 : i32 to index
      %get3A_377 = arith.constant 16 : index
      %get3A_378 = tpu.vector_load %arg6[%get3A_376, %get3A_377] {strides = array<i32>} : memref<100x32xf32, #tpu.memory_space<vmem>>, vector<1x16xf32>,
      %get3A_379 = vector.shape_cast %get3A_378 : vector<1x16xf32> to vector<16xf32>
      %add3A_380 = arith.addf %add3A_374, %get3A_379 : vector<16xf32>
      %get3A_381 = arith.constant 7 : i32
      %get3A_382 = arith.index_cast %get3A_381 : i32 to index
      %get3A_383 = arith.constant 16 : index
      %get3A_384 = tpu.vector_load %arg6[%get3A_382, %get3A_383] {strides = array<i32>} : memref<100x32xf32, #tpu.memory_space<vmem>>, vector<1x16xf32>,
      %get3A_385 = vector.shape_cast %get3A_384 : vector<1x16xf32> to vector<16xf32>
      %add3A_386 = arith.addf %add3A_380, %get3A_385 : vector<16xf32>
      %get3A_387 = arith.constant 8 : i32
      %get3A_388 = arith.index_cast %get3A_387 : i32 to index
      %get3A_389 = arith.constant 16 : index
      %get3A_390 = tpu.vector_load %arg6[%get3A_388, %get3A_389] {strides = array<i32>} : memref<100x32xf32, #tpu.memory_space<vmem>>, vector<1x16xf32>,
      %get3A_391 = vector.shape_cast %get3A_390 : vector<1x16xf32> to vector<16xf32>
      %add3A_392 = arith.addf %add3A_386, %get3A_391 : vector<16xf32>
      %get3A_393 = arith.constant 9 : i32
      %get3A_394 = arith.index_cast %get3A_393 : i32 to index
      %get3A_395 = arith.constant 16 : index
      %get3A_396 = tpu.vector_load %arg6[%get3A_394, %get3A_395] {strides = array<i32>} : memref<100x32xf32, #tpu.memory_space<vmem>>, vector<1x16xf32>,
      %get3A_397 = vector.shape_cast %get3A_396 : vector<1x16xf32> to vector<16xf32>
      %add3A_398 = arith.addf %add3A_392, %get3A_397 : vector<16xf32>
      %get3A_399 = arith.constant 10 : i32
      %get3A_400 = arith.index_cast %get3A_399 : i32 to index
      %get3A_401 = arith.constant 16 : index
      %get3A_402 = tpu.vector_load %arg6[%get3A_400, %get3A_401] {strides = array<i32>} : memref<100x32xf32, #tpu.memory_space<vmem>>, vector<1x16xf32>,
      %get3A_403 = vector.shape_cast %get3A_402 : vector<1x16xf32> to vector<16xf32>
      %add3A_404 = arith.addf %add3A_398, %get3A_403 : vector<16xf32>
      %get3A_405 = arith.constant 11 : i32
      %get3A_406 = arith.index_cast %get3A_405 : i32 to index
      %get3A_407 = arith.constant 16 : index
      %get3A_408 = tpu.vector_load %arg6[%get3A_406, %get3A_407] {strides = array<i32>} : memref<100x32xf32, #tpu.memory_space<vmem>>, vector<1x16xf32>,
      %get3A_409 = vector.shape_cast %get3A_408 : vector<1x16xf32> to vector<16xf32>
      %add3A_410 = arith.addf %add3A_404, %get3A_409 : vector<16xf32>
      %get3A_411 = arith.constant 12 : i32
      %get3A_412 = arith.index_cast %get3A_411 : i32 to index
      %get3A_413 = arith.constant 16 : index
      %get3A_414 = tpu.vector_load %arg6[%get3A_412, %get3A_413] {strides = array<i32>} : memref<100x32xf32, #tpu.memory_space<vmem>>, vector<1x16xf32>,
      %get3A_415 = vector.shape_cast %get3A_414 : vector<1x16xf32> to vector<16xf32>
      %add3A_416 = arith.addf %add3A_410, %get3A_415 : vector<16xf32>
      %get3A_417 = arith.constant 13 : i32
      %get3A_418 = arith.index_cast %get3A_417 : i32 to index
      %get3A_419 = arith.constant 16 : index
      %get3A_420 = tpu.vector_load %arg6[%get3A_418, %get3A_419] {strides = array<i32>} : memref<100x32xf32, #tpu.memory_space<vmem>>, vector<1x16xf32>,
      %get3A_421 = vector.shape_cast %get3A_420 : vector<1x16xf32> to vector<16xf32>
      %add3A_422 = arith.addf %add3A_416, %get3A_421 : vector<16xf32>
      %get3A_423 = arith.constant 14 : i32
      %get3A_424 = arith.index_cast %get3A_423 : i32 to index
      %get3A_425 = arith.constant 16 : index
      %get3A_426 = tpu.vector_load %arg6[%get3A_424, %get3A_425] {strides = array<i32>} : memref<100x32xf32, #tpu.memory_space<vmem>>, vector<1x16xf32>,
      %get3A_427 = vector.shape_cast %get3A_426 : vector<1x16xf32> to vector<16xf32>
      %add3A_428 = arith.addf %add3A_422, %get3A_427 : vector<16xf32>
      %get3A_429 = arith.constant 15 : i32
      %get3A_430 = arith.index_cast %get3A_429 : i32 to index
      %get3A_431 = arith.constant 16 : index
      %get3A_432 = tpu.vector_load %arg6[%get3A_430, %get3A_431] {strides = array<i32>} : memref<100x32xf32, #tpu.memory_space<vmem>>, vector<1x16xf32>,
      %get3A_433 = vector.shape_cast %get3A_432 : vector<1x16xf32> to vector<16xf32>
      %add3A_434 = arith.addf %add3A_428, %get3A_433 : vector<16xf32>
      %get3A_435 = arith.constant 16 : i32
      %get3A_436 = arith.index_cast %get3A_435 : i32 to index
      %get3A_437 = arith.constant 16 : index
      %get3A_438 = tpu.vector_load %arg6[%get3A_436, %get3A_437] {strides = array<i32>} : memref<100x32xf32, #tpu.memory_space<vmem>>, vector<1x16xf32>,
      %get3A_439 = vector.shape_cast %get3A_438 : vector<1x16xf32> to vector<16xf32>
      %add3A_440 = arith.addf %add3A_434, %get3A_439 : vector<16xf32>
      %get3A_441 = arith.constant 17 : i32
      %get3A_442 = arith.index_cast %get3A_441 : i32 to index
      %get3A_443 = arith.constant 16 : index
      %get3A_444 = tpu.vector_load %arg6[%get3A_442, %get3A_443] {strides = array<i32>} : memref<100x32xf32, #tpu.memory_space<vmem>>, vector<1x16xf32>,
      %get3A_445 = vector.shape_cast %get3A_444 : vector<1x16xf32> to vector<16xf32>
      %add3A_446 = arith.addf %add3A_440, %get3A_445 : vector<16xf32>
      %get3A_447 = arith.constant 18 : i32
      %get3A_448 = arith.index_cast %get3A_447 : i32 to index
      %get3A_449 = arith.constant 16 : index
      %get3A_450 = tpu.vector_load %arg6[%get3A_448, %get3A_449] {strides = array<i32>} : memref<100x32xf32, #tpu.memory_space<vmem>>, vector<1x16xf32>,
      %get3A_451 = vector.shape_cast %get3A_450 : vector<1x16xf32> to vector<16xf32>
      %add3A_452 = arith.addf %add3A_446, %get3A_451 : vector<16xf32>
      %get3A_453 = arith.constant 19 : i32
      %get3A_454 = arith.index_cast %get3A_453 : i32 to index
      %get3A_455 = arith.constant 16 : index
      %get3A_456 = tpu.vector_load %arg6[%get3A_454, %get3A_455] {strides = array<i32>} : memref<100x32xf32, #tpu.memory_space<vmem>>, vector<1x16xf32>,
      %get3A_457 = vector.shape_cast %get3A_456 : vector<1x16xf32> to vector<16xf32>
      %add3A_458 = arith.addf %add3A_452, %get3A_457 : vector<16xf32>
      %get3A_459 = arith.constant 20 : i32
      %get3A_460 = arith.index_cast %get3A_459 : i32 to index
      %get3A_461 = arith.constant 16 : index
      %get3A_462 = tpu.vector_load %arg6[%get3A_460, %get3A_461] {strides = array<i32>} : memref<100x32xf32, #tpu.memory_space<vmem>>, vector<1x16xf32>,
      %get3A_463 = vector.shape_cast %get3A_462 : vector<1x16xf32> to vector<16xf32>
      %add3A_464 = arith.addf %add3A_458, %get3A_463 : vector<16xf32>
      %get3A_465 = arith.constant 21 : i32
      %get3A_466 = arith.index_cast %get3A_465 : i32 to index
      %get3A_467 = arith.constant 16 : index
      %get3A_468 = tpu.vector_load %arg6[%get3A_466, %get3A_467] {strides = array<i32>} : memref<100x32xf32, #tpu.memory_space<vmem>>, vector<1x16xf32>,
      %get3A_469 = vector.shape_cast %get3A_468 : vector<1x16xf32> to vector<16xf32>
      %add3A_470 = arith.addf %add3A_464, %get3A_469 : vector<16xf32>
      %get3A_471 = arith.constant 22 : i32
      %get3A_472 = arith.index_cast %get3A_471 : i32 to index
      %get3A_473 = arith.constant 16 : index
      %get3A_474 = tpu.vector_load %arg6[%get3A_472, %get3A_473] {strides = array<i32>} : memref<100x32xf32, #tpu.memory_space<vmem>>, vector<1x16xf32>,
      %get3A_475 = vector.shape_cast %get3A_474 : vector<1x16xf32> to vector<16xf32>
      %add3A_476 = arith.addf %add3A_470, %get3A_475 : vector<16xf32>
      %get3A_477 = arith.constant 23 : i32
      %get3A_478 = arith.index_cast %get3A_477 : i32 to index
      %get3A_479 = arith.constant 16 : index
      %get3A_480 = tpu.vector_load %arg6[%get3A_478, %get3A_479] {strides = array<i32>} : memref<100x32xf32, #tpu.memory_space<vmem>>, vector<1x16xf32>,
      %get3A_481 = vector.shape_cast %get3A_480 : vector<1x16xf32> to vector<16xf32>
      %add3A_482 = arith.addf %add3A_476, %get3A_481 : vector<16xf32>
      %get3A_483 = arith.constant 24 : i32
      %get3A_484 = arith.index_cast %get3A_483 : i32 to index
      %get3A_485 = arith.constant 16 : index
      %get3A_486 = tpu.vector_load %arg6[%get3A_484, %get3A_485] {strides = array<i32>} : memref<100x32xf32, #tpu.memory_space<vmem>>, vector<1x16xf32>,
      %get3A_487 = vector.shape_cast %get3A_486 : vector<1x16xf32> to vector<16xf32>
      %add3A_488 = arith.addf %add3A_482, %get3A_487 : vector<16xf32>
      %get3A_489 = arith.constant 25 : i32
      %get3A_490 = arith.index_cast %get3A_489 : i32 to index
      %get3A_491 = arith.constant 16 : index
      %get3A_492 = tpu.vector_load %arg6[%get3A_490, %get3A_491] {strides = array<i32>} : memref<100x32xf32, #tpu.memory_space<vmem>>, vector<1x16xf32>,
      %get3A_493 = vector.shape_cast %get3A_492 : vector<1x16xf32> to vector<16xf32>
      %add3A_494 = arith.addf %add3A_488, %get3A_493 : vector<16xf32>
      %get3A_495 = arith.constant 26 : i32
      %get3A_496 = arith.index_cast %get3A_495 : i32 to index
      %get3A_497 = arith.constant 16 : index
      %get3A_498 = tpu.vector_load %arg6[%get3A_496, %get3A_497] {strides = array<i32>} : memref<100x32xf32, #tpu.memory_space<vmem>>, vector<1x16xf32>,
      %get3A_499 = vector.shape_cast %get3A_498 : vector<1x16xf32> to vector<16xf32>
      %add3A_500 = arith.addf %add3A_494, %get3A_499 : vector<16xf32>
      %get3A_501 = arith.constant 27 : i32
      %get3A_502 = arith.index_cast %get3A_501 : i32 to index
      %get3A_503 = arith.constant 16 : index
      %get3A_504 = tpu.vector_load %arg6[%get3A_502, %get3A_503] {strides = array<i32>} : memref<100x32xf32, #tpu.memory_space<vmem>>, vector<1x16xf32>,
      %get3A_505 = vector.shape_cast %get3A_504 : vector<1x16xf32> to vector<16xf32>
      %add3A_506 = arith.addf %add3A_500, %get3A_505 : vector<16xf32>
      %get3A_507 = arith.constant 28 : i32
      %get3A_508 = arith.index_cast %get3A_507 : i32 to index
      %get3A_509 = arith.constant 16 : index
      %get3A_510 = tpu.vector_load %arg6[%get3A_508, %get3A_509] {strides = array<i32>} : memref<100x32xf32, #tpu.memory_space<vmem>>, vector<1x16xf32>,
      %get3A_511 = vector.shape_cast %get3A_510 : vector<1x16xf32> to vector<16xf32>
      %add3A_512 = arith.addf %add3A_506, %get3A_511 : vector<16xf32>
      %get3A_513 = arith.constant 29 : i32
      %get3A_514 = arith.index_cast %get3A_513 : i32 to index
      %get3A_515 = arith.constant 16 : index
      %get3A_516 = tpu.vector_load %arg6[%get3A_514, %get3A_515] {strides = array<i32>} : memref<100x32xf32, #tpu.memory_space<vmem>>, vector<1x16xf32>,
      %get3A_517 = vector.shape_cast %get3A_516 : vector<1x16xf32> to vector<16xf32>
      %add3A_518 = arith.addf %add3A_512, %get3A_517 : vector<16xf32>
      %get3A_519 = arith.constant 30 : i32
      %get3A_520 = arith.index_cast %get3A_519 : i32 to index
      %get3A_521 = arith.constant 16 : index
      %get3A_522 = tpu.vector_load %arg6[%get3A_520, %get3A_521] {strides = array<i32>} : memref<100x32xf32, #tpu.memory_space<vmem>>, vector<1x16xf32>,
      %get3A_523 = vector.shape_cast %get3A_522 : vector<1x16xf32> to vector<16xf32>
      %add3A_524 = arith.addf %add3A_518, %get3A_523 : vector<16xf32>
      %get3A_525 = arith.constant 31 : i32
      %get3A_526 = arith.index_cast %get3A_525 : i32 to index
      %get3A_527 = arith.constant 16 : index
      %get3A_528 = tpu.vector_load %arg6[%get3A_526, %get3A_527] {strides = array<i32>} : memref<100x32xf32, #tpu.memory_space<vmem>>, vector<1x16xf32>,
      %get3A_529 = vector.shape_cast %get3A_528 : vector<1x16xf32> to vector<16xf32>
      %add3A_530 = arith.addf %add3A_524, %get3A_529 : vector<16xf32>
      %get3A_531 = arith.constant 32 : i32
      %get3A_532 = arith.index_cast %get3A_531 : i32 to index
      %get3A_533 = arith.constant 16 : index
      %get3A_534 = tpu.vector_load %arg6[%get3A_532, %get3A_533] {strides = array<i32>} : memref<100x32xf32, #tpu.memory_space<vmem>>, vector<1x16xf32>,
      %get3A_535 = vector.shape_cast %get3A_534 : vector<1x16xf32> to vector<16xf32>
      %add3A_536 = arith.addf %add3A_530, %get3A_535 : vector<16xf32>
      %get3A_537 = arith.constant 33 : i32
      %get3A_538 = arith.index_cast %get3A_537 : i32 to index
      %get3A_539 = arith.constant 16 : index
      %get3A_540 = tpu.vector_load %arg6[%get3A_538, %get3A_539] {strides = array<i32>} : memref<100x32xf32, #tpu.memory_space<vmem>>, vector<1x16xf32>,
      %get3A_541 = vector.shape_cast %get3A_540 : vector<1x16xf32> to vector<16xf32>
      %add3A_542 = arith.addf %add3A_536, %get3A_541 : vector<16xf32>
      %get3A_543 = arith.constant 34 : i32
      %get3A_544 = arith.index_cast %get3A_543 : i32 to index
      %get3A_545 = arith.constant 16 : index
      %get3A_546 = tpu.vector_load %arg6[%get3A_544, %get3A_545] {strides = array<i32>} : memref<100x32xf32, #tpu.memory_space<vmem>>, vector<1x16xf32>,
      %get3A_547 = vector.shape_cast %get3A_546 : vector<1x16xf32> to vector<16xf32>
      %add3A_548 = arith.addf %add3A_542, %get3A_547 : vector<16xf32>
      %get3A_549 = arith.constant 35 : i32
      %get3A_550 = arith.index_cast %get3A_549 : i32 to index
      %get3A_551 = arith.constant 16 : index
      %get3A_552 = tpu.vector_load %arg6[%get3A_550, %get3A_551] {strides = array<i32>} : memref<100x32xf32, #tpu.memory_space<vmem>>, vector<1x16xf32>,
      %get3A_553 = vector.shape_cast %get3A_552 : vector<1x16xf32> to vector<16xf32>
      %add3A_554 = arith.addf %add3A_548, %get3A_553 : vector<16xf32>
      %get3A_555 = arith.constant 36 : i32
      %get3A_556 = arith.index_cast %get3A_555 : i32 to index
      %get3A_557 = arith.constant 16 : index
      %get3A_558 = tpu.vector_load %arg6[%get3A_556, %get3A_557] {strides = array<i32>} : memref<100x32xf32, #tpu.memory_space<vmem>>, vector<1x16xf32>,
      %get3A_559 = vector.shape_cast %get3A_558 : vector<1x16xf32> to vector<16xf32>
      %add3A_560 = arith.addf %add3A_554, %get3A_559 : vector<16xf32>
      %get3A_561 = arith.constant 37 : i32
      %get3A_562 = arith.index_cast %get3A_561 : i32 to index
      %get3A_563 = arith.constant 16 : index
      %get3A_564 = tpu.vector_load %arg6[%get3A_562, %get3A_563] {strides = array<i32>} : memref<100x32xf32, #tpu.memory_space<vmem>>, vector<1x16xf32>,
      %get3A_565 = vector.shape_cast %get3A_564 : vector<1x16xf32> to vector<16xf32>
      %add3A_566 = arith.addf %add3A_560, %get3A_565 : vector<16xf32>
      %get3A_567 = arith.constant 38 : i32
      %get3A_568 = arith.index_cast %get3A_567 : i32 to index
      %get3A_569 = arith.constant 16 : index
      %get3A_570 = tpu.vector_load %arg6[%get3A_568, %get3A_569] {strides = array<i32>} : memref<100x32xf32, #tpu.memory_space<vmem>>, vector<1x16xf32>,
      %get3A_571 = vector.shape_cast %get3A_570 : vector<1x16xf32> to vector<16xf32>
      %add3A_572 = arith.addf %add3A_566, %get3A_571 : vector<16xf32>
      %get3A_573 = arith.constant 39 : i32
      %get3A_574 = arith.index_cast %get3A_573 : i32 to index
      %get3A_575 = arith.constant 16 : index
      %get3A_576 = tpu.vector_load %arg6[%get3A_574, %get3A_575] {strides = array<i32>} : memref<100x32xf32, #tpu.memory_space<vmem>>, vector<1x16xf32>,
      %get3A_577 = vector.shape_cast %get3A_576 : vector<1x16xf32> to vector<16xf32>
      %add3A_578 = arith.addf %add3A_572, %get3A_577 : vector<16xf32>
      %get3A_579 = arith.constant 40 : i32
      %get3A_580 = arith.index_cast %get3A_579 : i32 to index
      %get3A_581 = arith.constant 16 : index
      %get3A_582 = tpu.vector_load %arg6[%get3A_580, %get3A_581] {strides = array<i32>} : memref<100x32xf32, #tpu.memory_space<vmem>>, vector<1x16xf32>,
      %get3A_583 = vector.shape_cast %get3A_582 : vector<1x16xf32> to vector<16xf32>
      %add3A_584 = arith.addf %add3A_578, %get3A_583 : vector<16xf32>
      %get3A_585 = arith.constant 41 : i32
      %get3A_586 = arith.index_cast %get3A_585 : i32 to index
      %get3A_587 = arith.constant 16 : index
      %get3A_588 = tpu.vector_load %arg6[%get3A_586, %get3A_587] {strides = array<i32>} : memref<100x32xf32, #tpu.memory_space<vmem>>, vector<1x16xf32>,
      %get3A_589 = vector.shape_cast %get3A_588 : vector<1x16xf32> to vector<16xf32>
      %add3A_590 = arith.addf %add3A_584, %get3A_589 : vector<16xf32>
      %get3A_591 = arith.constant 42 : i32
      %get3A_592 = arith.index_cast %get3A_591 : i32 to index
      %get3A_593 = arith.constant 16 : index
      %get3A_594 = tpu.vector_load %arg6[%get3A_592, %get3A_593] {strides = array<i32>} : memref<100x32xf32, #tpu.memory_space<vmem>>, vector<1x16xf32>,
      %get3A_595 = vector.shape_cast %get3A_594 : vector<1x16xf32> to vector<16xf32>
      %add3A_596 = arith.addf %add3A_590, %get3A_595 : vector<16xf32>
      %get3A_597 = arith.constant 43 : i32
      %get3A_598 = arith.index_cast %get3A_597 : i32 to index
      %get3A_599 = arith.constant 16 : index
      %get3A_600 = tpu.vector_load %arg6[%get3A_598, %get3A_599] {strides = array<i32>} : memref<100x32xf32, #tpu.memory_space<vmem>>, vector<1x16xf32>,
      %get3A_601 = vector.shape_cast %get3A_600 : vector<1x16xf32> to vector<16xf32>
      %add3A_602 = arith.addf %add3A_596, %get3A_601 : vector<16xf32>
      %get3A_603 = arith.constant 44 : i32
      %get3A_604 = arith.index_cast %get3A_603 : i32 to index
      %get3A_605 = arith.constant 16 : index
      %get3A_606 = tpu.vector_load %arg6[%get3A_604, %get3A_605] {strides = array<i32>} : memref<100x32xf32, #tpu.memory_space<vmem>>, vector<1x16xf32>,
      %get3A_607 = vector.shape_cast %get3A_606 : vector<1x16xf32> to vector<16xf32>
      %add3A_608 = arith.addf %add3A_602, %get3A_607 : vector<16xf32>
      %get3A_609 = arith.constant 45 : i32
      %get3A_610 = arith.index_cast %get3A_609 : i32 to index
      %get3A_611 = arith.constant 16 : index
      %get3A_612 = tpu.vector_load %arg6[%get3A_610, %get3A_611] {strides = array<i32>} : memref<100x32xf32, #tpu.memory_space<vmem>>, vector<1x16xf32>,
      %get3A_613 = vector.shape_cast %get3A_612 : vector<1x16xf32> to vector<16xf32>
      %add3A_614 = arith.addf %add3A_608, %get3A_613 : vector<16xf32>
      %get3A_615 = arith.constant 46 : i32
      %get3A_616 = arith.index_cast %get3A_615 : i32 to index
      %get3A_617 = arith.constant 16 : index
      %get3A_618 = tpu.vector_load %arg6[%get3A_616, %get3A_617] {strides = array<i32>} : memref<100x32xf32, #tpu.memory_space<vmem>>, vector<1x16xf32>,
      %get3A_619 = vector.shape_cast %get3A_618 : vector<1x16xf32> to vector<16xf32>
      %add3A_620 = arith.addf %add3A_614, %get3A_619 : vector<16xf32>
      %get3A_621 = arith.constant 47 : i32
      %get3A_622 = arith.index_cast %get3A_621 : i32 to index
      %get3A_623 = arith.constant 16 : index
      %get3A_624 = tpu.vector_load %arg6[%get3A_622, %get3A_623] {strides = array<i32>} : memref<100x32xf32, #tpu.memory_space<vmem>>, vector<1x16xf32>,
      %get3A_625 = vector.shape_cast %get3A_624 : vector<1x16xf32> to vector<16xf32>
      %add3A_626 = arith.addf %add3A_620, %get3A_625 : vector<16xf32>
      %get3A_627 = arith.constant 48 : i32
      %get3A_628 = arith.index_cast %get3A_627 : i32 to index
      %get3A_629 = arith.constant 16 : index
      %get3A_630 = tpu.vector_load %arg6[%get3A_628, %get3A_629] {strides = array<i32>} : memref<100x32xf32, #tpu.memory_space<vmem>>, vector<1x16xf32>,
      %get3A_631 = vector.shape_cast %get3A_630 : vector<1x16xf32> to vector<16xf32>
      %add3A_632 = arith.addf %add3A_626, %get3A_631 : vector<16xf32>
      %get3A_633 = arith.constant 49 : i32
      %get3A_634 = arith.index_cast %get3A_633 : i32 to index
      %get3A_635 = arith.constant 16 : index
      %get3A_636 = tpu.vector_load %arg6[%get3A_634, %get3A_635] {strides = array<i32>} : memref<100x32xf32, #tpu.memory_space<vmem>>, vector<1x16xf32>,
      %get3A_637 = vector.shape_cast %get3A_636 : vector<1x16xf32> to vector<16xf32>
      %add3A_638 = arith.addf %add3A_632, %get3A_637 : vector<16xf32>
      %mul3A_639 = arith.constant 2.000000e-02 : f32
      %mul3A_640 = vector.broadcast %mul3A_639 : f32 to vector<16xf32>
      %mul3A_641 = arith.mulf %add3A_638, %mul3A_640 : vector<16xf32>
      %swap3A_642 = arith.index_cast %add3A_34 : i32 to index
      %swap3A_643 = arith.constant 16 : index
      %swap3A_644 = tpu.vector_load %arg8[%swap3A_642, %swap3A_643] {strides = array<i32>} : memref<128x32xf32, #tpu.memory_space<vmem>>, vector<1x16xf32>,
      %swap3A_645 = vector.shape_cast %swap3A_644 : vector<1x16xf32> to vector<16xf32>
      %swap3A_646 = vector.shape_cast %mul3A_641 : vector<16xf32> to vector<1x16xf32>
      tpu.vector_store %arg8[%swap3A_642, %swap3A_643], %swap3A_646 {strides = array<i32>} : memref<128x32xf32, #tpu.memory_space<vmem>>, vector<1x16xf32>,
      %mul3A_647 = arith.constant 2 : i32
      %mul3A_648 = arith.muli %add3A_17, %mul3A_647 : i32
      %add3A_649 = arith.constant 1 : i32
      %add3A_650 = arith.addi %mul3A_648, %add3A_649 : i32
      %get3A_651 = arith.constant 50 : i32
      %get3A_652 = arith.index_cast %get3A_651 : i32 to index
      %get3A_653 = arith.constant 0 : index
      %get3A_654 = tpu.vector_load %arg6[%get3A_652, %get3A_653] {strides = array<i32>} : memref<100x32xf32, #tpu.memory_space<vmem>>, vector<1x16xf32>,
      %get3A_655 = vector.shape_cast %get3A_654 : vector<1x16xf32> to vector<16xf32>
      %get3A_656 = arith.constant 51 : i32
      %get3A_657 = arith.index_cast %get3A_656 : i32 to index
      %get3A_658 = arith.constant 0 : index
      %get3A_659 = tpu.vector_load %arg6[%get3A_657, %get3A_658] {strides = array<i32>} : memref<100x32xf32, #tpu.memory_space<vmem>>, vector<1x16xf32>,
      %get3A_660 = vector.shape_cast %get3A_659 : vector<1x16xf32> to vector<16xf32>
      %add3A_661 = arith.addf %get3A_655, %get3A_660 : vector<16xf32>
      %get3A_662 = arith.constant 52 : i32
      %get3A_663 = arith.index_cast %get3A_662 : i32 to index
      %get3A_664 = arith.constant 0 : index
      %get3A_665 = tpu.vector_load %arg6[%get3A_663, %get3A_664] {strides = array<i32>} : memref<100x32xf32, #tpu.memory_space<vmem>>, vector<1x16xf32>,
      %get3A_666 = vector.shape_cast %get3A_665 : vector<1x16xf32> to vector<16xf32>
      %add3A_667 = arith.addf %add3A_661, %get3A_666 : vector<16xf32>
      %get3A_668 = arith.constant 53 : i32
      %get3A_669 = arith.index_cast %get3A_668 : i32 to index
      %get3A_670 = arith.constant 0 : index
      %get3A_671 = tpu.vector_load %arg6[%get3A_669, %get3A_670] {strides = array<i32>} : memref<100x32xf32, #tpu.memory_space<vmem>>, vector<1x16xf32>,
      %get3A_672 = vector.shape_cast %get3A_671 : vector<1x16xf32> to vector<16xf32>
      %add3A_673 = arith.addf %add3A_667, %get3A_672 : vector<16xf32>
      %get3A_674 = arith.constant 54 : i32
      %get3A_675 = arith.index_cast %get3A_674 : i32 to index
      %get3A_676 = arith.constant 0 : index
      %get3A_677 = tpu.vector_load %arg6[%get3A_675, %get3A_676] {strides = array<i32>} : memref<100x32xf32, #tpu.memory_space<vmem>>, vector<1x16xf32>,
      %get3A_678 = vector.shape_cast %get3A_677 : vector<1x16xf32> to vector<16xf32>
      %add3A_679 = arith.addf %add3A_673, %get3A_678 : vector<16xf32>
      %get3A_680 = arith.constant 55 : i32
      %get3A_681 = arith.index_cast %get3A_680 : i32 to index
      %get3A_682 = arith.constant 0 : index
      %get3A_683 = tpu.vector_load %arg6[%get3A_681, %get3A_682] {strides = array<i32>} : memref<100x32xf32, #tpu.memory_space<vmem>>, vector<1x16xf32>,
      %get3A_684 = vector.shape_cast %get3A_683 : vector<1x16xf32> to vector<16xf32>
      %add3A_685 = arith.addf %add3A_679, %get3A_684 : vector<16xf32>
      %get3A_686 = arith.constant 56 : i32
      %get3A_687 = arith.index_cast %get3A_686 : i32 to index
      %get3A_688 = arith.constant 0 : index
      %get3A_689 = tpu.vector_load %arg6[%get3A_687, %get3A_688] {strides = array<i32>} : memref<100x32xf32, #tpu.memory_space<vmem>>, vector<1x16xf32>,
      %get3A_690 = vector.shape_cast %get3A_689 : vector<1x16xf32> to vector<16xf32>
      %add3A_691 = arith.addf %add3A_685, %get3A_690 : vector<16xf32>
      %get3A_692 = arith.constant 57 : i32
      %get3A_693 = arith.index_cast %get3A_692 : i32 to index
      %get3A_694 = arith.constant 0 : index
      %get3A_695 = tpu.vector_load %arg6[%get3A_693, %get3A_694] {strides = array<i32>} : memref<100x32xf32, #tpu.memory_space<vmem>>, vector<1x16xf32>,
      %get3A_696 = vector.shape_cast %get3A_695 : vector<1x16xf32> to vector<16xf32>
      %add3A_697 = arith.addf %add3A_691, %get3A_696 : vector<16xf32>
      %get3A_698 = arith.constant 58 : i32
      %get3A_699 = arith.index_cast %get3A_698 : i32 to index
      %get3A_700 = arith.constant 0 : index
      %get3A_701 = tpu.vector_load %arg6[%get3A_699, %get3A_700] {strides = array<i32>} : memref<100x32xf32, #tpu.memory_space<vmem>>, vector<1x16xf32>,
      %get3A_702 = vector.shape_cast %get3A_701 : vector<1x16xf32> to vector<16xf32>
      %add3A_703 = arith.addf %add3A_697, %get3A_702 : vector<16xf32>
      %get3A_704 = arith.constant 59 : i32
      %get3A_705 = arith.index_cast %get3A_704 : i32 to index
      %get3A_706 = arith.constant 0 : index
      %get3A_707 = tpu.vector_load %arg6[%get3A_705, %get3A_706] {strides = array<i32>} : memref<100x32xf32, #tpu.memory_space<vmem>>, vector<1x16xf32>,
      %get3A_708 = vector.shape_cast %get3A_707 : vector<1x16xf32> to vector<16xf32>
      %add3A_709 = arith.addf %add3A_703, %get3A_708 : vector<16xf32>
      %get3A_710 = arith.constant 60 : i32
      %get3A_711 = arith.index_cast %get3A_710 : i32 to index
      %get3A_712 = arith.constant 0 : index
      %get3A_713 = tpu.vector_load %arg6[%get3A_711, %get3A_712] {strides = array<i32>} : memref<100x32xf32, #tpu.memory_space<vmem>>, vector<1x16xf32>,
      %get3A_714 = vector.shape_cast %get3A_713 : vector<1x16xf32> to vector<16xf32>
      %add3A_715 = arith.addf %add3A_709, %get3A_714 : vector<16xf32>
      %get3A_716 = arith.constant 61 : i32
      %get3A_717 = arith.index_cast %get3A_716 : i32 to index
      %get3A_718 = arith.constant 0 : index
      %get3A_719 = tpu.vector_load %arg6[%get3A_717, %get3A_718] {strides = array<i32>} : memref<100x32xf32, #tpu.memory_space<vmem>>, vector<1x16xf32>,
      %get3A_720 = vector.shape_cast %get3A_719 : vector<1x16xf32> to vector<16xf32>
      %add3A_721 = arith.addf %add3A_715, %get3A_720 : vector<16xf32>
      %get3A_722 = arith.constant 62 : i32
      %get3A_723 = arith.index_cast %get3A_722 : i32 to index
      %get3A_724 = arith.constant 0 : index
      %get3A_725 = tpu.vector_load %arg6[%get3A_723, %get3A_724] {strides = array<i32>} : memref<100x32xf32, #tpu.memory_space<vmem>>, vector<1x16xf32>,
      %get3A_726 = vector.shape_cast %get3A_725 : vector<1x16xf32> to vector<16xf32>
      %add3A_727 = arith.addf %add3A_721, %get3A_726 : vector<16xf32>
      %get3A_728 = arith.constant 63 : i32
      %get3A_729 = arith.index_cast %get3A_728 : i32 to index
      %get3A_730 = arith.constant 0 : index
      %get3A_731 = tpu.vector_load %arg6[%get3A_729, %get3A_730] {strides = array<i32>} : memref<100x32xf32, #tpu.memory_space<vmem>>, vector<1x16xf32>,
      %get3A_732 = vector.shape_cast %get3A_731 : vector<1x16xf32> to vector<16xf32>
      %add3A_733 = arith.addf %add3A_727, %get3A_732 : vector<16xf32>
      %get3A_734 = arith.constant 64 : i32
      %get3A_735 = arith.index_cast %get3A_734 : i32 to index
      %get3A_736 = arith.constant 0 : index
      %get3A_737 = tpu.vector_load %arg6[%get3A_735, %get3A_736] {strides = array<i32>} : memref<100x32xf32, #tpu.memory_space<vmem>>, vector<1x16xf32>,
      %get3A_738 = vector.shape_cast %get3A_737 : vector<1x16xf32> to vector<16xf32>
      %add3A_739 = arith.addf %add3A_733, %get3A_738 : vector<16xf32>
      %get3A_740 = arith.constant 65 : i32
      %get3A_741 = arith.index_cast %get3A_740 : i32 to index
      %get3A_742 = arith.constant 0 : index
      %get3A_743 = tpu.vector_load %arg6[%get3A_741, %get3A_742] {strides = array<i32>} : memref<100x32xf32, #tpu.memory_space<vmem>>, vector<1x16xf32>,
      %get3A_744 = vector.shape_cast %get3A_743 : vector<1x16xf32> to vector<16xf32>
      %add3A_745 = arith.addf %add3A_739, %get3A_744 : vector<16xf32>
      %get3A_746 = arith.constant 66 : i32
      %get3A_747 = arith.index_cast %get3A_746 : i32 to index
      %get3A_748 = arith.constant 0 : index
      %get3A_749 = tpu.vector_load %arg6[%get3A_747, %get3A_748] {strides = array<i32>} : memref<100x32xf32, #tpu.memory_space<vmem>>, vector<1x16xf32>,
      %get3A_750 = vector.shape_cast %get3A_749 : vector<1x16xf32> to vector<16xf32>
      %add3A_751 = arith.addf %add3A_745, %get3A_750 : vector<16xf32>
      %get3A_752 = arith.constant 67 : i32
      %get3A_753 = arith.index_cast %get3A_752 : i32 to index
      %get3A_754 = arith.constant 0 : index
      %get3A_755 = tpu.vector_load %arg6[%get3A_753, %get3A_754] {strides = array<i32>} : memref<100x32xf32, #tpu.memory_space<vmem>>, vector<1x16xf32>,
      %get3A_756 = vector.shape_cast %get3A_755 : vector<1x16xf32> to vector<16xf32>
      %add3A_757 = arith.addf %add3A_751, %get3A_756 : vector<16xf32>
      %get3A_758 = arith.constant 68 : i32
      %get3A_759 = arith.index_cast %get3A_758 : i32 to index
      %get3A_760 = arith.constant 0 : index
      %get3A_761 = tpu.vector_load %arg6[%get3A_759, %get3A_760] {strides = array<i32>} : memref<100x32xf32, #tpu.memory_space<vmem>>, vector<1x16xf32>,
      %get3A_762 = vector.shape_cast %get3A_761 : vector<1x16xf32> to vector<16xf32>
      %add3A_763 = arith.addf %add3A_757, %get3A_762 : vector<16xf32>
      %get3A_764 = arith.constant 69 : i32
      %get3A_765 = arith.index_cast %get3A_764 : i32 to index
      %get3A_766 = arith.constant 0 : index
      %get3A_767 = tpu.vector_load %arg6[%get3A_765, %get3A_766] {strides = array<i32>} : memref<100x32xf32, #tpu.memory_space<vmem>>, vector<1x16xf32>,
      %get3A_768 = vector.shape_cast %get3A_767 : vector<1x16xf32> to vector<16xf32>
      %add3A_769 = arith.addf %add3A_763, %get3A_768 : vector<16xf32>
      %get3A_770 = arith.constant 70 : i32
      %get3A_771 = arith.index_cast %get3A_770 : i32 to index
      %get3A_772 = arith.constant 0 : index
      %get3A_773 = tpu.vector_load %arg6[%get3A_771, %get3A_772] {strides = array<i32>} : memref<100x32xf32, #tpu.memory_space<vmem>>, vector<1x16xf32>,
      %get3A_774 = vector.shape_cast %get3A_773 : vector<1x16xf32> to vector<16xf32>
      %add3A_775 = arith.addf %add3A_769, %get3A_774 : vector<16xf32>
      %get3A_776 = arith.constant 71 : i32
      %get3A_777 = arith.index_cast %get3A_776 : i32 to index
      %get3A_778 = arith.constant 0 : index
      %get3A_779 = tpu.vector_load %arg6[%get3A_777, %get3A_778] {strides = array<i32>} : memref<100x32xf32, #tpu.memory_space<vmem>>, vector<1x16xf32>,
      %get3A_780 = vector.shape_cast %get3A_779 : vector<1x16xf32> to vector<16xf32>
      %add3A_781 = arith.addf %add3A_775, %get3A_780 : vector<16xf32>
      %get3A_782 = arith.constant 72 : i32
      %get3A_783 = arith.index_cast %get3A_782 : i32 to index
      %get3A_784 = arith.constant 0 : index
      %get3A_785 = tpu.vector_load %arg6[%get3A_783, %get3A_784] {strides = array<i32>} : memref<100x32xf32, #tpu.memory_space<vmem>>, vector<1x16xf32>,
      %get3A_786 = vector.shape_cast %get3A_785 : vector<1x16xf32> to vector<16xf32>
      %add3A_787 = arith.addf %add3A_781, %get3A_786 : vector<16xf32>
      %get3A_788 = arith.constant 73 : i32
      %get3A_789 = arith.index_cast %get3A_788 : i32 to index
      %get3A_790 = arith.constant 0 : index
      %get3A_791 = tpu.vector_load %arg6[%get3A_789, %get3A_790] {strides = array<i32>} : memref<100x32xf32, #tpu.memory_space<vmem>>, vector<1x16xf32>,
      %get3A_792 = vector.shape_cast %get3A_791 : vector<1x16xf32> to vector<16xf32>
      %add3A_793 = arith.addf %add3A_787, %get3A_792 : vector<16xf32>
      %get3A_794 = arith.constant 74 : i32
      %get3A_795 = arith.index_cast %get3A_794 : i32 to index
      %get3A_796 = arith.constant 0 : index
      %get3A_797 = tpu.vector_load %arg6[%get3A_795, %get3A_796] {strides = array<i32>} : memref<100x32xf32, #tpu.memory_space<vmem>>, vector<1x16xf32>,
      %get3A_798 = vector.shape_cast %get3A_797 : vector<1x16xf32> to vector<16xf32>
      %add3A_799 = arith.addf %add3A_793, %get3A_798 : vector<16xf32>
      %get3A_800 = arith.constant 75 : i32
      %get3A_801 = arith.index_cast %get3A_800 : i32 to index
      %get3A_802 = arith.constant 0 : index
      %get3A_803 = tpu.vector_load %arg6[%get3A_801, %get3A_802] {strides = array<i32>} : memref<100x32xf32, #tpu.memory_space<vmem>>, vector<1x16xf32>,
      %get3A_804 = vector.shape_cast %get3A_803 : vector<1x16xf32> to vector<16xf32>
      %add3A_805 = arith.addf %add3A_799, %get3A_804 : vector<16xf32>
      %get3A_806 = arith.constant 76 : i32
      %get3A_807 = arith.index_cast %get3A_806 : i32 to index
      %get3A_808 = arith.constant 0 : index
      %get3A_809 = tpu.vector_load %arg6[%get3A_807, %get3A_808] {strides = array<i32>} : memref<100x32xf32, #tpu.memory_space<vmem>>, vector<1x16xf32>,
      %get3A_810 = vector.shape_cast %get3A_809 : vector<1x16xf32> to vector<16xf32>
      %add3A_811 = arith.addf %add3A_805, %get3A_810 : vector<16xf32>
      %get3A_812 = arith.constant 77 : i32
      %get3A_813 = arith.index_cast %get3A_812 : i32 to index
      %get3A_814 = arith.constant 0 : index
      %get3A_815 = tpu.vector_load %arg6[%get3A_813, %get3A_814] {strides = array<i32>} : memref<100x32xf32, #tpu.memory_space<vmem>>, vector<1x16xf32>,
      %get3A_816 = vector.shape_cast %get3A_815 : vector<1x16xf32> to vector<16xf32>
      %add3A_817 = arith.addf %add3A_811, %get3A_816 : vector<16xf32>
      %get3A_818 = arith.constant 78 : i32
      %get3A_819 = arith.index_cast %get3A_818 : i32 to index
      %get3A_820 = arith.constant 0 : index
      %get3A_821 = tpu.vector_load %arg6[%get3A_819, %get3A_820] {strides = array<i32>} : memref<100x32xf32, #tpu.memory_space<vmem>>, vector<1x16xf32>,
      %get3A_822 = vector.shape_cast %get3A_821 : vector<1x16xf32> to vector<16xf32>
      %add3A_823 = arith.addf %add3A_817, %get3A_822 : vector<16xf32>
      %get3A_824 = arith.constant 79 : i32
      %get3A_825 = arith.index_cast %get3A_824 : i32 to index
      %get3A_826 = arith.constant 0 : index
      %get3A_827 = tpu.vector_load %arg6[%get3A_825, %get3A_826] {strides = array<i32>} : memref<100x32xf32, #tpu.memory_space<vmem>>, vector<1x16xf32>,
      %get3A_828 = vector.shape_cast %get3A_827 : vector<1x16xf32> to vector<16xf32>
      %add3A_829 = arith.addf %add3A_823, %get3A_828 : vector<16xf32>
      %get3A_830 = arith.constant 80 : i32
      %get3A_831 = arith.index_cast %get3A_830 : i32 to index
      %get3A_832 = arith.constant 0 : index
      %get3A_833 = tpu.vector_load %arg6[%get3A_831, %get3A_832] {strides = array<i32>} : memref<100x32xf32, #tpu.memory_space<vmem>>, vector<1x16xf32>,
      %get3A_834 = vector.shape_cast %get3A_833 : vector<1x16xf32> to vector<16xf32>
      %add3A_835 = arith.addf %add3A_829, %get3A_834 : vector<16xf32>
      %get3A_836 = arith.constant 81 : i32
      %get3A_837 = arith.index_cast %get3A_836 : i32 to index
      %get3A_838 = arith.constant 0 : index
      %get3A_839 = tpu.vector_load %arg6[%get3A_837, %get3A_838] {strides = array<i32>} : memref<100x32xf32, #tpu.memory_space<vmem>>, vector<1x16xf32>,
      %get3A_840 = vector.shape_cast %get3A_839 : vector<1x16xf32> to vector<16xf32>
      %add3A_841 = arith.addf %add3A_835, %get3A_840 : vector<16xf32>
      %get3A_842 = arith.constant 82 : i32
      %get3A_843 = arith.index_cast %get3A_842 : i32 to index
      %get3A_844 = arith.constant 0 : index
      %get3A_845 = tpu.vector_load %arg6[%get3A_843, %get3A_844] {strides = array<i32>} : memref<100x32xf32, #tpu.memory_space<vmem>>, vector<1x16xf32>,
      %get3A_846 = vector.shape_cast %get3A_845 : vector<1x16xf32> to vector<16xf32>
      %add3A_847 = arith.addf %add3A_841, %get3A_846 : vector<16xf32>
      %get3A_848 = arith.constant 83 : i32
      %get3A_849 = arith.index_cast %get3A_848 : i32 to index
      %get3A_850 = arith.constant 0 : index
      %get3A_851 = tpu.vector_load %arg6[%get3A_849, %get3A_850] {strides = array<i32>} : memref<100x32xf32, #tpu.memory_space<vmem>>, vector<1x16xf32>,
      %get3A_852 = vector.shape_cast %get3A_851 : vector<1x16xf32> to vector<16xf32>
      %add3A_853 = arith.addf %add3A_847, %get3A_852 : vector<16xf32>
      %get3A_854 = arith.constant 84 : i32
      %get3A_855 = arith.index_cast %get3A_854 : i32 to index
      %get3A_856 = arith.constant 0 : index
      %get3A_857 = tpu.vector_load %arg6[%get3A_855, %get3A_856] {strides = array<i32>} : memref<100x32xf32, #tpu.memory_space<vmem>>, vector<1x16xf32>,
      %get3A_858 = vector.shape_cast %get3A_857 : vector<1x16xf32> to vector<16xf32>
      %add3A_859 = arith.addf %add3A_853, %get3A_858 : vector<16xf32>
      %get3A_860 = arith.constant 85 : i32
      %get3A_861 = arith.index_cast %get3A_860 : i32 to index
      %get3A_862 = arith.constant 0 : index
      %get3A_863 = tpu.vector_load %arg6[%get3A_861, %get3A_862] {strides = array<i32>} : memref<100x32xf32, #tpu.memory_space<vmem>>, vector<1x16xf32>,
      %get3A_864 = vector.shape_cast %get3A_863 : vector<1x16xf32> to vector<16xf32>
      %add3A_865 = arith.addf %add3A_859, %get3A_864 : vector<16xf32>
      %get3A_866 = arith.constant 86 : i32
      %get3A_867 = arith.index_cast %get3A_866 : i32 to index
      %get3A_868 = arith.constant 0 : index
      %get3A_869 = tpu.vector_load %arg6[%get3A_867, %get3A_868] {strides = array<i32>} : memref<100x32xf32, #tpu.memory_space<vmem>>, vector<1x16xf32>,
      %get3A_870 = vector.shape_cast %get3A_869 : vector<1x16xf32> to vector<16xf32>
      %add3A_871 = arith.addf %add3A_865, %get3A_870 : vector<16xf32>
      %get3A_872 = arith.constant 87 : i32
      %get3A_873 = arith.index_cast %get3A_872 : i32 to index
      %get3A_874 = arith.constant 0 : index
      %get3A_875 = tpu.vector_load %arg6[%get3A_873, %get3A_874] {strides = array<i32>} : memref<100x32xf32, #tpu.memory_space<vmem>>, vector<1x16xf32>,
      %get3A_876 = vector.shape_cast %get3A_875 : vector<1x16xf32> to vector<16xf32>
      %add3A_877 = arith.addf %add3A_871, %get3A_876 : vector<16xf32>
      %get3A_878 = arith.constant 88 : i32
      %get3A_879 = arith.index_cast %get3A_878 : i32 to index
      %get3A_880 = arith.constant 0 : index
      %get3A_881 = tpu.vector_load %arg6[%get3A_879, %get3A_880] {strides = array<i32>} : memref<100x32xf32, #tpu.memory_space<vmem>>, vector<1x16xf32>,
      %get3A_882 = vector.shape_cast %get3A_881 : vector<1x16xf32> to vector<16xf32>
      %add3A_883 = arith.addf %add3A_877, %get3A_882 : vector<16xf32>
      %get3A_884 = arith.constant 89 : i32
      %get3A_885 = arith.index_cast %get3A_884 : i32 to index
      %get3A_886 = arith.constant 0 : index
      %get3A_887 = tpu.vector_load %arg6[%get3A_885, %get3A_886] {strides = array<i32>} : memref<100x32xf32, #tpu.memory_space<vmem>>, vector<1x16xf32>,
      %get3A_888 = vector.shape_cast %get3A_887 : vector<1x16xf32> to vector<16xf32>
      %add3A_889 = arith.addf %add3A_883, %get3A_888 : vector<16xf32>
      %get3A_890 = arith.constant 90 : i32
      %get3A_891 = arith.index_cast %get3A_890 : i32 to index
      %get3A_892 = arith.constant 0 : index
      %get3A_893 = tpu.vector_load %arg6[%get3A_891, %get3A_892] {strides = array<i32>} : memref<100x32xf32, #tpu.memory_space<vmem>>, vector<1x16xf32>,
      %get3A_894 = vector.shape_cast %get3A_893 : vector<1x16xf32> to vector<16xf32>
      %add3A_895 = arith.addf %add3A_889, %get3A_894 : vector<16xf32>
      %get3A_896 = arith.constant 91 : i32
      %get3A_897 = arith.index_cast %get3A_896 : i32 to index
      %get3A_898 = arith.constant 0 : index
      %get3A_899 = tpu.vector_load %arg6[%get3A_897, %get3A_898] {strides = array<i32>} : memref<100x32xf32, #tpu.memory_space<vmem>>, vector<1x16xf32>,
      %get3A_900 = vector.shape_cast %get3A_899 : vector<1x16xf32> to vector<16xf32>
      %add3A_901 = arith.addf %add3A_895, %get3A_900 : vector<16xf32>
      %get3A_902 = arith.constant 92 : i32
      %get3A_903 = arith.index_cast %get3A_902 : i32 to index
      %get3A_904 = arith.constant 0 : index
      %get3A_905 = tpu.vector_load %arg6[%get3A_903, %get3A_904] {strides = array<i32>} : memref<100x32xf32, #tpu.memory_space<vmem>>, vector<1x16xf32>,
      %get3A_906 = vector.shape_cast %get3A_905 : vector<1x16xf32> to vector<16xf32>
      %add3A_907 = arith.addf %add3A_901, %get3A_906 : vector<16xf32>
      %get3A_908 = arith.constant 93 : i32
      %get3A_909 = arith.index_cast %get3A_908 : i32 to index
      %get3A_910 = arith.constant 0 : index
      %get3A_911 = tpu.vector_load %arg6[%get3A_909, %get3A_910] {strides = array<i32>} : memref<100x32xf32, #tpu.memory_space<vmem>>, vector<1x16xf32>,
      %get3A_912 = vector.shape_cast %get3A_911 : vector<1x16xf32> to vector<16xf32>
      %add3A_913 = arith.addf %add3A_907, %get3A_912 : vector<16xf32>
      %get3A_914 = arith.constant 94 : i32
      %get3A_915 = arith.index_cast %get3A_914 : i32 to index
      %get3A_916 = arith.constant 0 : index
      %get3A_917 = tpu.vector_load %arg6[%get3A_915, %get3A_916] {strides = array<i32>} : memref<100x32xf32, #tpu.memory_space<vmem>>, vector<1x16xf32>,
      %get3A_918 = vector.shape_cast %get3A_917 : vector<1x16xf32> to vector<16xf32>
      %add3A_919 = arith.addf %add3A_913, %get3A_918 : vector<16xf32>
      %get3A_920 = arith.constant 95 : i32
      %get3A_921 = arith.index_cast %get3A_920 : i32 to index
      %get3A_922 = arith.constant 0 : index
      %get3A_923 = tpu.vector_load %arg6[%get3A_921, %get3A_922] {strides = array<i32>} : memref<100x32xf32, #tpu.memory_space<vmem>>, vector<1x16xf32>,
      %get3A_924 = vector.shape_cast %get3A_923 : vector<1x16xf32> to vector<16xf32>
      %add3A_925 = arith.addf %add3A_919, %get3A_924 : vector<16xf32>
      %get3A_926 = arith.constant 96 : i32
      %get3A_927 = arith.index_cast %get3A_926 : i32 to index
      %get3A_928 = arith.constant 0 : index
      %get3A_929 = tpu.vector_load %arg6[%get3A_927, %get3A_928] {strides = array<i32>} : memref<100x32xf32, #tpu.memory_space<vmem>>, vector<1x16xf32>,
      %get3A_930 = vector.shape_cast %get3A_929 : vector<1x16xf32> to vector<16xf32>
      %add3A_931 = arith.addf %add3A_925, %get3A_930 : vector<16xf32>
      %get3A_932 = arith.constant 97 : i32
      %get3A_933 = arith.index_cast %get3A_932 : i32 to index
      %get3A_934 = arith.constant 0 : index
      %get3A_935 = tpu.vector_load %arg6[%get3A_933, %get3A_934] {strides = array<i32>} : memref<100x32xf32, #tpu.memory_space<vmem>>, vector<1x16xf32>,
      %get3A_936 = vector.shape_cast %get3A_935 : vector<1x16xf32> to vector<16xf32>
      %add3A_937 = arith.addf %add3A_931, %get3A_936 : vector<16xf32>
      %get3A_938 = arith.constant 98 : i32
      %get3A_939 = arith.index_cast %get3A_938 : i32 to index
      %get3A_940 = arith.constant 0 : index
      %get3A_941 = tpu.vector_load %arg6[%get3A_939, %get3A_940] {strides = array<i32>} : memref<100x32xf32, #tpu.memory_space<vmem>>, vector<1x16xf32>,
      %get3A_942 = vector.shape_cast %get3A_941 : vector<1x16xf32> to vector<16xf32>
      %add3A_943 = arith.addf %add3A_937, %get3A_942 : vector<16xf32>
      %get3A_944 = arith.constant 99 : i32
      %get3A_945 = arith.index_cast %get3A_944 : i32 to index
      %get3A_946 = arith.constant 0 : index
      %get3A_947 = tpu.vector_load %arg6[%get3A_945, %get3A_946] {strides = array<i32>} : memref<100x32xf32, #tpu.memory_space<vmem>>, vector<1x16xf32>,
      %get3A_948 = vector.shape_cast %get3A_947 : vector<1x16xf32> to vector<16xf32>
      %add3A_949 = arith.addf %add3A_943, %get3A_948 : vector<16xf32>
      %mul3A_950 = arith.constant 2.000000e-02 : f32
      %mul3A_951 = vector.broadcast %mul3A_950 : f32 to vector<16xf32>
      %mul3A_952 = arith.mulf %add3A_949, %mul3A_951 : vector<16xf32>
      %swap3A_953 = arith.index_cast %add3A_650 : i32 to index
      %swap3A_954 = arith.constant 0 : index
      %swap3A_955 = tpu.vector_load %arg8[%swap3A_953, %swap3A_954] {strides = array<i32>} : memref<128x32xf32, #tpu.memory_space<vmem>>, vector<1x16xf32>,
      %swap3A_956 = vector.shape_cast %swap3A_955 : vector<1x16xf32> to vector<16xf32>
      %swap3A_957 = vector.shape_cast %mul3A_952 : vector<16xf32> to vector<1x16xf32>
      tpu.vector_store %arg8[%swap3A_953, %swap3A_954], %swap3A_957 {strides = array<i32>} : memref<128x32xf32, #tpu.memory_space<vmem>>, vector<1x16xf32>,
      %get3A_958 = arith.constant 50 : i32
      %get3A_959 = arith.index_cast %get3A_958 : i32 to index
      %get3A_960 = arith.constant 16 : index
      %get3A_961 = tpu.vector_load %arg6[%get3A_959, %get3A_960] {strides = array<i32>} : memref<100x32xf32, #tpu.memory_space<vmem>>, vector<1x16xf32>,
      %get3A_962 = vector.shape_cast %get3A_961 : vector<1x16xf32> to vector<16xf32>
      %get3A_963 = arith.constant 51 : i32
      %get3A_964 = arith.index_cast %get3A_963 : i32 to index
      %get3A_965 = arith.constant 16 : index
      %get3A_966 = tpu.vector_load %arg6[%get3A_964, %get3A_965] {strides = array<i32>} : memref<100x32xf32, #tpu.memory_space<vmem>>, vector<1x16xf32>,
      %get3A_967 = vector.shape_cast %get3A_966 : vector<1x16xf32> to vector<16xf32>
      %add3A_968 = arith.addf %get3A_962, %get3A_967 : vector<16xf32>
      %get3A_969 = arith.constant 52 : i32
      %get3A_970 = arith.index_cast %get3A_969 : i32 to index
      %get3A_971 = arith.constant 16 : index
      %get3A_972 = tpu.vector_load %arg6[%get3A_970, %get3A_971] {strides = array<i32>} : memref<100x32xf32, #tpu.memory_space<vmem>>, vector<1x16xf32>,
      %get3A_973 = vector.shape_cast %get3A_972 : vector<1x16xf32> to vector<16xf32>
      %add3A_974 = arith.addf %add3A_968, %get3A_973 : vector<16xf32>
      %get3A_975 = arith.constant 53 : i32
      %get3A_976 = arith.index_cast %get3A_975 : i32 to index
      %get3A_977 = arith.constant 16 : index
      %get3A_978 = tpu.vector_load %arg6[%get3A_976, %get3A_977] {strides = array<i32>} : memref<100x32xf32, #tpu.memory_space<vmem>>, vector<1x16xf32>,
      %get3A_979 = vector.shape_cast %get3A_978 : vector<1x16xf32> to vector<16xf32>
      %add3A_980 = arith.addf %add3A_974, %get3A_979 : vector<16xf32>
      %get3A_981 = arith.constant 54 : i32
      %get3A_982 = arith.index_cast %get3A_981 : i32 to index
      %get3A_983 = arith.constant 16 : index
      %get3A_984 = tpu.vector_load %arg6[%get3A_982, %get3A_983] {strides = array<i32>} : memref<100x32xf32, #tpu.memory_space<vmem>>, vector<1x16xf32>,
      %get3A_985 = vector.shape_cast %get3A_984 : vector<1x16xf32> to vector<16xf32>
      %add3A_986 = arith.addf %add3A_980, %get3A_985 : vector<16xf32>
      %get3A_987 = arith.constant 55 : i32
      %get3A_988 = arith.index_cast %get3A_987 : i32 to index
      %get3A_989 = arith.constant 16 : index
      %get3A_990 = tpu.vector_load %arg6[%get3A_988, %get3A_989] {strides = array<i32>} : memref<100x32xf32, #tpu.memory_space<vmem>>, vector<1x16xf32>,
      %get3A_991 = vector.shape_cast %get3A_990 : vector<1x16xf32> to vector<16xf32>
      %add3A_992 = arith.addf %add3A_986, %get3A_991 : vector<16xf32>
      %get3A_993 = arith.constant 56 : i32
      %get3A_994 = arith.index_cast %get3A_993 : i32 to index
      %get3A_995 = arith.constant 16 : index
      %get3A_996 = tpu.vector_load %arg6[%get3A_994, %get3A_995] {strides = array<i32>} : memref<100x32xf32, #tpu.memory_space<vmem>>, vector<1x16xf32>,
      %get3A_997 = vector.shape_cast %get3A_996 : vector<1x16xf32> to vector<16xf32>
      %add3A_998 = arith.addf %add3A_992, %get3A_997 : vector<16xf32>
      %get3A_999 = arith.constant 57 : i32
      %get3A_1000 = arith.index_cast %get3A_999 : i32 to index
      %get3A_1001 = arith.constant 16 : index
      %get3A_1002 = tpu.vector_load %arg6[%get3A_1000, %get3A_1001] {strides = array<i32>} : memref<100x32xf32, #tpu.memory_space<vmem>>, vector<1x16xf32>,
      %get3A_1003 = vector.shape_cast %get3A_1002 : vector<1x16xf32> to vector<16xf32>
      %add3A_1004 = arith.addf %add3A_998, %get3A_1003 : vector<16xf32>
      %get3A_1005 = arith.constant 58 : i32
      %get3A_1006 = arith.index_cast %get3A_1005 : i32 to index
      %get3A_1007 = arith.constant 16 : index
      %get3A_1008 = tpu.vector_load %arg6[%get3A_1006, %get3A_1007] {strides = array<i32>} : memref<100x32xf32, #tpu.memory_space<vmem>>, vector<1x16xf32>,
      %get3A_1009 = vector.shape_cast %get3A_1008 : vector<1x16xf32> to vector<16xf32>
      %add3A_1010 = arith.addf %add3A_1004, %get3A_1009 : vector<16xf32>
      %get3A_1011 = arith.constant 59 : i32
      %get3A_1012 = arith.index_cast %get3A_1011 : i32 to index
      %get3A_1013 = arith.constant 16 : index
      %get3A_1014 = tpu.vector_load %arg6[%get3A_1012, %get3A_1013] {strides = array<i32>} : memref<100x32xf32, #tpu.memory_space<vmem>>, vector<1x16xf32>,
      %get3A_1015 = vector.shape_cast %get3A_1014 : vector<1x16xf32> to vector<16xf32>
      %add3A_1016 = arith.addf %add3A_1010, %get3A_1015 : vector<16xf32>
      %get3A_1017 = arith.constant 60 : i32
      %get3A_1018 = arith.index_cast %get3A_1017 : i32 to index
      %get3A_1019 = arith.constant 16 : index
      %get3A_1020 = tpu.vector_load %arg6[%get3A_1018, %get3A_1019] {strides = array<i32>} : memref<100x32xf32, #tpu.memory_space<vmem>>, vector<1x16xf32>,
      %get3A_1021 = vector.shape_cast %get3A_1020 : vector<1x16xf32> to vector<16xf32>
      %add3A_1022 = arith.addf %add3A_1016, %get3A_1021 : vector<16xf32>
      %get3A_1023 = arith.constant 61 : i32
      %get3A_1024 = arith.index_cast %get3A_1023 : i32 to index
      %get3A_1025 = arith.constant 16 : index
      %get3A_1026 = tpu.vector_load %arg6[%get3A_1024, %get3A_1025] {strides = array<i32>} : memref<100x32xf32, #tpu.memory_space<vmem>>, vector<1x16xf32>,
      %get3A_1027 = vector.shape_cast %get3A_1026 : vector<1x16xf32> to vector<16xf32>
      %add3A_1028 = arith.addf %add3A_1022, %get3A_1027 : vector<16xf32>
      %get3A_1029 = arith.constant 62 : i32
      %get3A_1030 = arith.index_cast %get3A_1029 : i32 to index
      %get3A_1031 = arith.constant 16 : index
      %get3A_1032 = tpu.vector_load %arg6[%get3A_1030, %get3A_1031] {strides = array<i32>} : memref<100x32xf32, #tpu.memory_space<vmem>>, vector<1x16xf32>,
      %get3A_1033 = vector.shape_cast %get3A_1032 : vector<1x16xf32> to vector<16xf32>
      %add3A_1034 = arith.addf %add3A_1028, %get3A_1033 : vector<16xf32>
      %get3A_1035 = arith.constant 63 : i32
      %get3A_1036 = arith.index_cast %get3A_1035 : i32 to index
      %get3A_1037 = arith.constant 16 : index
      %get3A_1038 = tpu.vector_load %arg6[%get3A_1036, %get3A_1037] {strides = array<i32>} : memref<100x32xf32, #tpu.memory_space<vmem>>, vector<1x16xf32>,
      %get3A_1039 = vector.shape_cast %get3A_1038 : vector<1x16xf32> to vector<16xf32>
      %add3A_1040 = arith.addf %add3A_1034, %get3A_1039 : vector<16xf32>
      %get3A_1041 = arith.constant 64 : i32
      %get3A_1042 = arith.index_cast %get3A_1041 : i32 to index
      %get3A_1043 = arith.constant 16 : index
      %get3A_1044 = tpu.vector_load %arg6[%get3A_1042, %get3A_1043] {strides = array<i32>} : memref<100x32xf32, #tpu.memory_space<vmem>>, vector<1x16xf32>,
      %get3A_1045 = vector.shape_cast %get3A_1044 : vector<1x16xf32> to vector<16xf32>
      %add3A_1046 = arith.addf %add3A_1040, %get3A_1045 : vector<16xf32>
      %get3A_1047 = arith.constant 65 : i32
      %get3A_1048 = arith.index_cast %get3A_1047 : i32 to index
      %get3A_1049 = arith.constant 16 : index
      %get3A_1050 = tpu.vector_load %arg6[%get3A_1048, %get3A_1049] {strides = array<i32>} : memref<100x32xf32, #tpu.memory_space<vmem>>, vector<1x16xf32>,
      %get3A_1051 = vector.shape_cast %get3A_1050 : vector<1x16xf32> to vector<16xf32>
      %add3A_1052 = arith.addf %add3A_1046, %get3A_1051 : vector<16xf32>
      %get3A_1053 = arith.constant 66 : i32
      %get3A_1054 = arith.index_cast %get3A_1053 : i32 to index
      %get3A_1055 = arith.constant 16 : index
      %get3A_1056 = tpu.vector_load %arg6[%get3A_1054, %get3A_1055] {strides = array<i32>} : memref<100x32xf32, #tpu.memory_space<vmem>>, vector<1x16xf32>,
      %get3A_1057 = vector.shape_cast %get3A_1056 : vector<1x16xf32> to vector<16xf32>
      %add3A_1058 = arith.addf %add3A_1052, %get3A_1057 : vector<16xf32>
      %get3A_1059 = arith.constant 67 : i32
      %get3A_1060 = arith.index_cast %get3A_1059 : i32 to index
      %get3A_1061 = arith.constant 16 : index
      %get3A_1062 = tpu.vector_load %arg6[%get3A_1060, %get3A_1061] {strides = array<i32>} : memref<100x32xf32, #tpu.memory_space<vmem>>, vector<1x16xf32>,
      %get3A_1063 = vector.shape_cast %get3A_1062 : vector<1x16xf32> to vector<16xf32>
      %add3A_1064 = arith.addf %add3A_1058, %get3A_1063 : vector<16xf32>
      %get3A_1065 = arith.constant 68 : i32
      %get3A_1066 = arith.index_cast %get3A_1065 : i32 to index
      %get3A_1067 = arith.constant 16 : index
      %get3A_1068 = tpu.vector_load %arg6[%get3A_1066, %get3A_1067] {strides = array<i32>} : memref<100x32xf32, #tpu.memory_space<vmem>>, vector<1x16xf32>,
      %get3A_1069 = vector.shape_cast %get3A_1068 : vector<1x16xf32> to vector<16xf32>
      %add3A_1070 = arith.addf %add3A_1064, %get3A_1069 : vector<16xf32>
      %get3A_1071 = arith.constant 69 : i32
      %get3A_1072 = arith.index_cast %get3A_1071 : i32 to index
      %get3A_1073 = arith.constant 16 : index
      %get3A_1074 = tpu.vector_load %arg6[%get3A_1072, %get3A_1073] {strides = array<i32>} : memref<100x32xf32, #tpu.memory_space<vmem>>, vector<1x16xf32>,
      %get3A_1075 = vector.shape_cast %get3A_1074 : vector<1x16xf32> to vector<16xf32>
      %add3A_1076 = arith.addf %add3A_1070, %get3A_1075 : vector<16xf32>
      %get3A_1077 = arith.constant 70 : i32
      %get3A_1078 = arith.index_cast %get3A_1077 : i32 to index
      %get3A_1079 = arith.constant 16 : index
      %get3A_1080 = tpu.vector_load %arg6[%get3A_1078, %get3A_1079] {strides = array<i32>} : memref<100x32xf32, #tpu.memory_space<vmem>>, vector<1x16xf32>,
      %get3A_1081 = vector.shape_cast %get3A_1080 : vector<1x16xf32> to vector<16xf32>
      %add3A_1082 = arith.addf %add3A_1076, %get3A_1081 : vector<16xf32>
      %get3A_1083 = arith.constant 71 : i32
      %get3A_1084 = arith.index_cast %get3A_1083 : i32 to index
      %get3A_1085 = arith.constant 16 : index
      %get3A_1086 = tpu.vector_load %arg6[%get3A_1084, %get3A_1085] {strides = array<i32>} : memref<100x32xf32, #tpu.memory_space<vmem>>, vector<1x16xf32>,
      %get3A_1087 = vector.shape_cast %get3A_1086 : vector<1x16xf32> to vector<16xf32>
      %add3A_1088 = arith.addf %add3A_1082, %get3A_1087 : vector<16xf32>
      %get3A_1089 = arith.constant 72 : i32
      %get3A_1090 = arith.index_cast %get3A_1089 : i32 to index
      %get3A_1091 = arith.constant 16 : index
      %get3A_1092 = tpu.vector_load %arg6[%get3A_1090, %get3A_1091] {strides = array<i32>} : memref<100x32xf32, #tpu.memory_space<vmem>>, vector<1x16xf32>,
      %get3A_1093 = vector.shape_cast %get3A_1092 : vector<1x16xf32> to vector<16xf32>
      %add3A_1094 = arith.addf %add3A_1088, %get3A_1093 : vector<16xf32>
      %get3A_1095 = arith.constant 73 : i32
      %get3A_1096 = arith.index_cast %get3A_1095 : i32 to index
      %get3A_1097 = arith.constant 16 : index
      %get3A_1098 = tpu.vector_load %arg6[%get3A_1096, %get3A_1097] {strides = array<i32>} : memref<100x32xf32, #tpu.memory_space<vmem>>, vector<1x16xf32>,
      %get3A_1099 = vector.shape_cast %get3A_1098 : vector<1x16xf32> to vector<16xf32>
      %add3A_1100 = arith.addf %add3A_1094, %get3A_1099 : vector<16xf32>
      %get3A_1101 = arith.constant 74 : i32
      %get3A_1102 = arith.index_cast %get3A_1101 : i32 to index
      %get3A_1103 = arith.constant 16 : index
      %get3A_1104 = tpu.vector_load %arg6[%get3A_1102, %get3A_1103] {strides = array<i32>} : memref<100x32xf32, #tpu.memory_space<vmem>>, vector<1x16xf32>,
      %get3A_1105 = vector.shape_cast %get3A_1104 : vector<1x16xf32> to vector<16xf32>
      %add3A_1106 = arith.addf %add3A_1100, %get3A_1105 : vector<16xf32>
      %get3A_1107 = arith.constant 75 : i32
      %get3A_1108 = arith.index_cast %get3A_1107 : i32 to index
      %get3A_1109 = arith.constant 16 : index
      %get3A_1110 = tpu.vector_load %arg6[%get3A_1108, %get3A_1109] {strides = array<i32>} : memref<100x32xf32, #tpu.memory_space<vmem>>, vector<1x16xf32>,
      %get3A_1111 = vector.shape_cast %get3A_1110 : vector<1x16xf32> to vector<16xf32>
      %add3A_1112 = arith.addf %add3A_1106, %get3A_1111 : vector<16xf32>
      %get3A_1113 = arith.constant 76 : i32
      %get3A_1114 = arith.index_cast %get3A_1113 : i32 to index
      %get3A_1115 = arith.constant 16 : index
      %get3A_1116 = tpu.vector_load %arg6[%get3A_1114, %get3A_1115] {strides = array<i32>} : memref<100x32xf32, #tpu.memory_space<vmem>>, vector<1x16xf32>,
      %get3A_1117 = vector.shape_cast %get3A_1116 : vector<1x16xf32> to vector<16xf32>
      %add3A_1118 = arith.addf %add3A_1112, %get3A_1117 : vector<16xf32>
      %get3A_1119 = arith.constant 77 : i32
      %get3A_1120 = arith.index_cast %get3A_1119 : i32 to index
      %get3A_1121 = arith.constant 16 : index
      %get3A_1122 = tpu.vector_load %arg6[%get3A_1120, %get3A_1121] {strides = array<i32>} : memref<100x32xf32, #tpu.memory_space<vmem>>, vector<1x16xf32>,
      %get3A_1123 = vector.shape_cast %get3A_1122 : vector<1x16xf32> to vector<16xf32>
      %add3A_1124 = arith.addf %add3A_1118, %get3A_1123 : vector<16xf32>
      %get3A_1125 = arith.constant 78 : i32
      %get3A_1126 = arith.index_cast %get3A_1125 : i32 to index
      %get3A_1127 = arith.constant 16 : index
      %get3A_1128 = tpu.vector_load %arg6[%get3A_1126, %get3A_1127] {strides = array<i32>} : memref<100x32xf32, #tpu.memory_space<vmem>>, vector<1x16xf32>,
      %get3A_1129 = vector.shape_cast %get3A_1128 : vector<1x16xf32> to vector<16xf32>
      %add3A_1130 = arith.addf %add3A_1124, %get3A_1129 : vector<16xf32>
      %get3A_1131 = arith.constant 79 : i32
      %get3A_1132 = arith.index_cast %get3A_1131 : i32 to index
      %get3A_1133 = arith.constant 16 : index
      %get3A_1134 = tpu.vector_load %arg6[%get3A_1132, %get3A_1133] {strides = array<i32>} : memref<100x32xf32, #tpu.memory_space<vmem>>, vector<1x16xf32>,
      %get3A_1135 = vector.shape_cast %get3A_1134 : vector<1x16xf32> to vector<16xf32>
      %add3A_1136 = arith.addf %add3A_1130, %get3A_1135 : vector<16xf32>
      %get3A_1137 = arith.constant 80 : i32
      %get3A_1138 = arith.index_cast %get3A_1137 : i32 to index
      %get3A_1139 = arith.constant 16 : index
      %get3A_1140 = tpu.vector_load %arg6[%get3A_1138, %get3A_1139] {strides = array<i32>} : memref<100x32xf32, #tpu.memory_space<vmem>>, vector<1x16xf32>,
      %get3A_1141 = vector.shape_cast %get3A_1140 : vector<1x16xf32> to vector<16xf32>
      %add3A_1142 = arith.addf %add3A_1136, %get3A_1141 : vector<16xf32>
      %get3A_1143 = arith.constant 81 : i32
      %get3A_1144 = arith.index_cast %get3A_1143 : i32 to index
      %get3A_1145 = arith.constant 16 : index
      %get3A_1146 = tpu.vector_load %arg6[%get3A_1144, %get3A_1145] {strides = array<i32>} : memref<100x32xf32, #tpu.memory_space<vmem>>, vector<1x16xf32>,
      %get3A_1147 = vector.shape_cast %get3A_1146 : vector<1x16xf32> to vector<16xf32>
      %add3A_1148 = arith.addf %add3A_1142, %get3A_1147 : vector<16xf32>
      %get3A_1149 = arith.constant 82 : i32
      %get3A_1150 = arith.index_cast %get3A_1149 : i32 to index
      %get3A_1151 = arith.constant 16 : index
      %get3A_1152 = tpu.vector_load %arg6[%get3A_1150, %get3A_1151] {strides = array<i32>} : memref<100x32xf32, #tpu.memory_space<vmem>>, vector<1x16xf32>,
      %get3A_1153 = vector.shape_cast %get3A_1152 : vector<1x16xf32> to vector<16xf32>
      %add3A_1154 = arith.addf %add3A_1148, %get3A_1153 : vector<16xf32>
      %get3A_1155 = arith.constant 83 : i32
      %get3A_1156 = arith.index_cast %get3A_1155 : i32 to index
      %get3A_1157 = arith.constant 16 : index
      %get3A_1158 = tpu.vector_load %arg6[%get3A_1156, %get3A_1157] {strides = array<i32>} : memref<100x32xf32, #tpu.memory_space<vmem>>, vector<1x16xf32>,
      %get3A_1159 = vector.shape_cast %get3A_1158 : vector<1x16xf32> to vector<16xf32>
      %add3A_1160 = arith.addf %add3A_1154, %get3A_1159 : vector<16xf32>
      %get3A_1161 = arith.constant 84 : i32
      %get3A_1162 = arith.index_cast %get3A_1161 : i32 to index
      %get3A_1163 = arith.constant 16 : index
      %get3A_1164 = tpu.vector_load %arg6[%get3A_1162, %get3A_1163] {strides = array<i32>} : memref<100x32xf32, #tpu.memory_space<vmem>>, vector<1x16xf32>,
      %get3A_1165 = vector.shape_cast %get3A_1164 : vector<1x16xf32> to vector<16xf32>
      %add3A_1166 = arith.addf %add3A_1160, %get3A_1165 : vector<16xf32>
      %get3A_1167 = arith.constant 85 : i32
      %get3A_1168 = arith.index_cast %get3A_1167 : i32 to index
      %get3A_1169 = arith.constant 16 : index
      %get3A_1170 = tpu.vector_load %arg6[%get3A_1168, %get3A_1169] {strides = array<i32>} : memref<100x32xf32, #tpu.memory_space<vmem>>, vector<1x16xf32>,
      %get3A_1171 = vector.shape_cast %get3A_1170 : vector<1x16xf32> to vector<16xf32>
      %add3A_1172 = arith.addf %add3A_1166, %get3A_1171 : vector<16xf32>
      %get3A_1173 = arith.constant 86 : i32
      %get3A_1174 = arith.index_cast %get3A_1173 : i32 to index
      %get3A_1175 = arith.constant 16 : index
      %get3A_1176 = tpu.vector_load %arg6[%get3A_1174, %get3A_1175] {strides = array<i32>} : memref<100x32xf32, #tpu.memory_space<vmem>>, vector<1x16xf32>,
      %get3A_1177 = vector.shape_cast %get3A_1176 : vector<1x16xf32> to vector<16xf32>
      %add3A_1178 = arith.addf %add3A_1172, %get3A_1177 : vector<16xf32>
      %get3A_1179 = arith.constant 87 : i32
      %get3A_1180 = arith.index_cast %get3A_1179 : i32 to index
      %get3A_1181 = arith.constant 16 : index
      %get3A_1182 = tpu.vector_load %arg6[%get3A_1180, %get3A_1181] {strides = array<i32>} : memref<100x32xf32, #tpu.memory_space<vmem>>, vector<1x16xf32>,
      %get3A_1183 = vector.shape_cast %get3A_1182 : vector<1x16xf32> to vector<16xf32>
      %add3A_1184 = arith.addf %add3A_1178, %get3A_1183 : vector<16xf32>
      %get3A_1185 = arith.constant 88 : i32
      %get3A_1186 = arith.index_cast %get3A_1185 : i32 to index
      %get3A_1187 = arith.constant 16 : index
      %get3A_1188 = tpu.vector_load %arg6[%get3A_1186, %get3A_1187] {strides = array<i32>} : memref<100x32xf32, #tpu.memory_space<vmem>>, vector<1x16xf32>,
      %get3A_1189 = vector.shape_cast %get3A_1188 : vector<1x16xf32> to vector<16xf32>
      %add3A_1190 = arith.addf %add3A_1184, %get3A_1189 : vector<16xf32>
      %get3A_1191 = arith.constant 89 : i32
      %get3A_1192 = arith.index_cast %get3A_1191 : i32 to index
      %get3A_1193 = arith.constant 16 : index
      %get3A_1194 = tpu.vector_load %arg6[%get3A_1192, %get3A_1193] {strides = array<i32>} : memref<100x32xf32, #tpu.memory_space<vmem>>, vector<1x16xf32>,
      %get3A_1195 = vector.shape_cast %get3A_1194 : vector<1x16xf32> to vector<16xf32>
      %add3A_1196 = arith.addf %add3A_1190, %get3A_1195 : vector<16xf32>
      %get3A_1197 = arith.constant 90 : i32
      %get3A_1198 = arith.index_cast %get3A_1197 : i32 to index
      %get3A_1199 = arith.constant 16 : index
      %get3A_1200 = tpu.vector_load %arg6[%get3A_1198, %get3A_1199] {strides = array<i32>} : memref<100x32xf32, #tpu.memory_space<vmem>>, vector<1x16xf32>,
      %get3A_1201 = vector.shape_cast %get3A_1200 : vector<1x16xf32> to vector<16xf32>
      %add3A_1202 = arith.addf %add3A_1196, %get3A_1201 : vector<16xf32>
      %get3A_1203 = arith.constant 91 : i32
      %get3A_1204 = arith.index_cast %get3A_1203 : i32 to index
      %get3A_1205 = arith.constant 16 : index
      %get3A_1206 = tpu.vector_load %arg6[%get3A_1204, %get3A_1205] {strides = array<i32>} : memref<100x32xf32, #tpu.memory_space<vmem>>, vector<1x16xf32>,
      %get3A_1207 = vector.shape_cast %get3A_1206 : vector<1x16xf32> to vector<16xf32>
      %add3A_1208 = arith.addf %add3A_1202, %get3A_1207 : vector<16xf32>
      %get3A_1209 = arith.constant 92 : i32
      %get3A_1210 = arith.index_cast %get3A_1209 : i32 to index
      %get3A_1211 = arith.constant 16 : index
      %get3A_1212 = tpu.vector_load %arg6[%get3A_1210, %get3A_1211] {strides = array<i32>} : memref<100x32xf32, #tpu.memory_space<vmem>>, vector<1x16xf32>,
      %get3A_1213 = vector.shape_cast %get3A_1212 : vector<1x16xf32> to vector<16xf32>
      %add3A_1214 = arith.addf %add3A_1208, %get3A_1213 : vector<16xf32>
      %get3A_1215 = arith.constant 93 : i32
      %get3A_1216 = arith.index_cast %get3A_1215 : i32 to index
      %get3A_1217 = arith.constant 16 : index
      %get3A_1218 = tpu.vector_load %arg6[%get3A_1216, %get3A_1217] {strides = array<i32>} : memref<100x32xf32, #tpu.memory_space<vmem>>, vector<1x16xf32>,
      %get3A_1219 = vector.shape_cast %get3A_1218 : vector<1x16xf32> to vector<16xf32>
      %add3A_1220 = arith.addf %add3A_1214, %get3A_1219 : vector<16xf32>
      %get3A_1221 = arith.constant 94 : i32
      %get3A_1222 = arith.index_cast %get3A_1221 : i32 to index
      %get3A_1223 = arith.constant 16 : index
      %get3A_1224 = tpu.vector_load %arg6[%get3A_1222, %get3A_1223] {strides = array<i32>} : memref<100x32xf32, #tpu.memory_space<vmem>>, vector<1x16xf32>,
      %get3A_1225 = vector.shape_cast %get3A_1224 : vector<1x16xf32> to vector<16xf32>
      %add3A_1226 = arith.addf %add3A_1220, %get3A_1225 : vector<16xf32>
      %get3A_1227 = arith.constant 95 : i32
      %get3A_1228 = arith.index_cast %get3A_1227 : i32 to index
      %get3A_1229 = arith.constant 16 : index
      %get3A_1230 = tpu.vector_load %arg6[%get3A_1228, %get3A_1229] {strides = array<i32>} : memref<100x32xf32, #tpu.memory_space<vmem>>, vector<1x16xf32>,
      %get3A_1231 = vector.shape_cast %get3A_1230 : vector<1x16xf32> to vector<16xf32>
      %add3A_1232 = arith.addf %add3A_1226, %get3A_1231 : vector<16xf32>
      %get3A_1233 = arith.constant 96 : i32
      %get3A_1234 = arith.index_cast %get3A_1233 : i32 to index
      %get3A_1235 = arith.constant 16 : index
      %get3A_1236 = tpu.vector_load %arg6[%get3A_1234, %get3A_1235] {strides = array<i32>} : memref<100x32xf32, #tpu.memory_space<vmem>>, vector<1x16xf32>,
      %get3A_1237 = vector.shape_cast %get3A_1236 : vector<1x16xf32> to vector<16xf32>
      %add3A_1238 = arith.addf %add3A_1232, %get3A_1237 : vector<16xf32>
      %get3A_1239 = arith.constant 97 : i32
      %get3A_1240 = arith.index_cast %get3A_1239 : i32 to index
      %get3A_1241 = arith.constant 16 : index
      %get3A_1242 = tpu.vector_load %arg6[%get3A_1240, %get3A_1241] {strides = array<i32>} : memref<100x32xf32, #tpu.memory_space<vmem>>, vector<1x16xf32>,
      %get3A_1243 = vector.shape_cast %get3A_1242 : vector<1x16xf32> to vector<16xf32>
      %add3A_1244 = arith.addf %add3A_1238, %get3A_1243 : vector<16xf32>
      %get3A_1245 = arith.constant 98 : i32
      %get3A_1246 = arith.index_cast %get3A_1245 : i32 to index
      %get3A_1247 = arith.constant 16 : index
      %get3A_1248 = tpu.vector_load %arg6[%get3A_1246, %get3A_1247] {strides = array<i32>} : memref<100x32xf32, #tpu.memory_space<vmem>>, vector<1x16xf32>,
      %get3A_1249 = vector.shape_cast %get3A_1248 : vector<1x16xf32> to vector<16xf32>
      %add3A_1250 = arith.addf %add3A_1244, %get3A_1249 : vector<16xf32>
      %get3A_1251 = arith.constant 99 : i32
      %get3A_1252 = arith.index_cast %get3A_1251 : i32 to index
      %get3A_1253 = arith.constant 16 : index
      %get3A_1254 = tpu.vector_load %arg6[%get3A_1252, %get3A_1253] {strides = array<i32>} : memref<100x32xf32, #tpu.memory_space<vmem>>, vector<1x16xf32>,
      %get3A_1255 = vector.shape_cast %get3A_1254 : vector<1x16xf32> to vector<16xf32>
      %add3A_1256 = arith.addf %add3A_1250, %get3A_1255 : vector<16xf32>
      %mul3A_1257 = arith.constant 2.000000e-02 : f32
      %mul3A_1258 = vector.broadcast %mul3A_1257 : f32 to vector<16xf32>
      %mul3A_1259 = arith.mulf %add3A_1256, %mul3A_1258 : vector<16xf32>
      %swap3A_1260 = arith.index_cast %add3A_650 : i32 to index
      %swap3A_1261 = arith.constant 16 : index
      %swap3A_1262 = tpu.vector_load %arg8[%swap3A_1260, %swap3A_1261] {strides = array<i32>} : memref<128x32xf32, #tpu.memory_space<vmem>>, vector<1x16xf32>,
      %swap3A_1263 = vector.shape_cast %swap3A_1262 : vector<1x16xf32> to vector<16xf32>
      %swap3A_1264 = vector.shape_cast %mul3A_1259 : vector<16xf32> to vector<1x16xf32>
      tpu.vector_store %arg8[%swap3A_1260, %swap3A_1261], %swap3A_1264 {strides = array<i32>} : memref<128x32xf32, #tpu.memory_space<vmem>>, vector<1x16xf32>,
      %add3A_1265 = arith.constant 2 : i32
      %add3A_1266 = arith.addi %add3A_17, %add3A_1265 : i32
      %lt3A = arith.constant 64 : i32
      %lt3A_1267 = arith.cmpi slt, %add3A_1266, %lt3A : i32
      %convert_element_type3A = arith.extui %lt3A_1267 : i1 to i32
      %cond3A = arith.constant 0 : i32
      %cond3A_1268 = arith.cmpi ne, %convert_element_type3A, %cond3A : i32
      scf.if %cond3A_1268 {
        %add3A_2515 = arith.constant 2 : i32
        %add3A_2516 = arith.addi %add3A_17, %add3A_2515 : i32
        %dma_start3A_2517 = arith.constant 0 : i32
        %dma_start3A_2518 = tpu.memref_slice %arg5[%add3A_2516, %dma_start3A_2517] : memref<64x100xi32, #tpu.memory_space<vmem>> -> memref<1x100xi32, #tpu.memory_space<vmem>>
        %dma_start3A_2519 = tpu.memref_squeeze %dma_start3A_2518 : memref<1x100xi32, #tpu.memory_space<vmem>> -> memref<100xi32, #tpu.memory_space<vmem>>
        %dma_start3A_2520 = arith.constant 0 : i32
        %dma_start3A_2521 = arith.constant 0 : i32
        %dma_start3A_2522 = tpu.memref_slice %arg3[%dma_start3A_2520, %dma_start3A_2521] : memref<1048576x32xf32, #tpu.memory_space<hbm>> -> memref<1048576x32xf32, #tpu.memory_space<hbm>>
        tpu.enqueue_indirect_dma source(%dma_start3A_2522 : memref<1048576x32xf32, #tpu.memory_space<hbm>>) target(%arg6 : memref<100x32xf32, #tpu.memory_space<vmem>>) offsets(%dma_start3A_2519 : memref<100xi32, #tpu.memory_space<vmem>>) semaphore(%arg9 : memref<!tpu.dma_semaphore, #tpu.memory_space<semaphore_mem>>)
      } else {
      }
      %add3A_1269 = arith.constant 1 : i32
      %add3A_1270 = arith.addi %add3A_17, %add3A_1269 : i32
      %dma_wait3A_1271 = arith.constant 0 : i32
      %dma_wait3A_1272 = tpu.memref_slice %arg5[%add3A_1270, %dma_wait3A_1271] : memref<64x100xi32, #tpu.memory_space<vmem>> -> memref<1x100xi32, #tpu.memory_space<vmem>>
      %dma_wait3A_1273 = tpu.memref_squeeze %dma_wait3A_1272 : memref<1x100xi32, #tpu.memory_space<vmem>> -> memref<100xi32, #tpu.memory_space<vmem>>
      %dma_wait3A_1274 = arith.constant 0 : i32
      %dma_wait3A_1275 = arith.constant 0 : i32
      %dma_wait3A_1276 = tpu.memref_slice %arg3[%dma_wait3A_1274, %dma_wait3A_1275] : memref<1048576x32xf32, #tpu.memory_space<hbm>> -> memref<1048576x32xf32, #tpu.memory_space<hbm>>
      tpu.wait_indirect_dma semaphore(%arg10 : memref<!tpu.dma_semaphore, #tpu.memory_space<semaphore_mem>>) src(%dma_wait3A_1276 : memref<1048576x32xf32, #tpu.memory_space<hbm>>) dst(%arg7 : memref<100x32xf32, #tpu.memory_space<vmem>>)
      %add3A_1277 = arith.constant 1 : i32
      %add3A_1278 = arith.addi %add3A_17, %add3A_1277 : i32
      %mul3A_1279 = arith.constant 2 : i32
      %mul3A_1280 = arith.muli %add3A_1278, %mul3A_1279 : i32
      %add3A_1281 = arith.constant 0 : i32
      %add3A_1282 = arith.addi %mul3A_1280, %add3A_1281 : i32
      %get3A_1283 = arith.constant 0 : i32
      %get3A_1284 = arith.index_cast %get3A_1283 : i32 to index
      %get3A_1285 = arith.constant 0 : index
      %get3A_1286 = tpu.vector_load %arg7[%get3A_1284, %get3A_1285] {strides = array<i32>} : memref<100x32xf32, #tpu.memory_space<vmem>>, vector<1x16xf32>,
      %get3A_1287 = vector.shape_cast %get3A_1286 : vector<1x16xf32> to vector<16xf32>
      %get3A_1288 = arith.constant 1 : i32
      %get3A_1289 = arith.index_cast %get3A_1288 : i32 to index
      %get3A_1290 = arith.constant 0 : index
      %get3A_1291 = tpu.vector_load %arg7[%get3A_1289, %get3A_1290] {strides = array<i32>} : memref<100x32xf32, #tpu.memory_space<vmem>>, vector<1x16xf32>,
      %get3A_1292 = vector.shape_cast %get3A_1291 : vector<1x16xf32> to vector<16xf32>
      %add3A_1293 = arith.addf %get3A_1287, %get3A_1292 : vector<16xf32>
      %get3A_1294 = arith.constant 2 : i32
      %get3A_1295 = arith.index_cast %get3A_1294 : i32 to index
      %get3A_1296 = arith.constant 0 : index
      %get3A_1297 = tpu.vector_load %arg7[%get3A_1295, %get3A_1296] {strides = array<i32>} : memref<100x32xf32, #tpu.memory_space<vmem>>, vector<1x16xf32>,
      %get3A_1298 = vector.shape_cast %get3A_1297 : vector<1x16xf32> to vector<16xf32>
      %add3A_1299 = arith.addf %add3A_1293, %get3A_1298 : vector<16xf32>
      %get3A_1300 = arith.constant 3 : i32
      %get3A_1301 = arith.index_cast %get3A_1300 : i32 to index
      %get3A_1302 = arith.constant 0 : index
      %get3A_1303 = tpu.vector_load %arg7[%get3A_1301, %get3A_1302] {strides = array<i32>} : memref<100x32xf32, #tpu.memory_space<vmem>>, vector<1x16xf32>,
      %get3A_1304 = vector.shape_cast %get3A_1303 : vector<1x16xf32> to vector<16xf32>
      %add3A_1305 = arith.addf %add3A_1299, %get3A_1304 : vector<16xf32>
      %get3A_1306 = arith.constant 4 : i32
      %get3A_1307 = arith.index_cast %get3A_1306 : i32 to index
      %get3A_1308 = arith.constant 0 : index
      %get3A_1309 = tpu.vector_load %arg7[%get3A_1307, %get3A_1308] {strides = array<i32>} : memref<100x32xf32, #tpu.memory_space<vmem>>, vector<1x16xf32>,
      %get3A_1310 = vector.shape_cast %get3A_1309 : vector<1x16xf32> to vector<16xf32>
      %add3A_1311 = arith.addf %add3A_1305, %get3A_1310 : vector<16xf32>
      %get3A_1312 = arith.constant 5 : i32
      %get3A_1313 = arith.index_cast %get3A_1312 : i32 to index
      %get3A_1314 = arith.constant 0 : index
      %get3A_1315 = tpu.vector_load %arg7[%get3A_1313, %get3A_1314] {strides = array<i32>} : memref<100x32xf32, #tpu.memory_space<vmem>>, vector<1x16xf32>,
      %get3A_1316 = vector.shape_cast %get3A_1315 : vector<1x16xf32> to vector<16xf32>
      %add3A_1317 = arith.addf %add3A_1311, %get3A_1316 : vector<16xf32>
      %get3A_1318 = arith.constant 6 : i32
      %get3A_1319 = arith.index_cast %get3A_1318 : i32 to index
      %get3A_1320 = arith.constant 0 : index
      %get3A_1321 = tpu.vector_load %arg7[%get3A_1319, %get3A_1320] {strides = array<i32>} : memref<100x32xf32, #tpu.memory_space<vmem>>, vector<1x16xf32>,
      %get3A_1322 = vector.shape_cast %get3A_1321 : vector<1x16xf32> to vector<16xf32>
      %add3A_1323 = arith.addf %add3A_1317, %get3A_1322 : vector<16xf32>
      %get3A_1324 = arith.constant 7 : i32
      %get3A_1325 = arith.index_cast %get3A_1324 : i32 to index
      %get3A_1326 = arith.constant 0 : index
      %get3A_1327 = tpu.vector_load %arg7[%get3A_1325, %get3A_1326] {strides = array<i32>} : memref<100x32xf32, #tpu.memory_space<vmem>>, vector<1x16xf32>,
      %get3A_1328 = vector.shape_cast %get3A_1327 : vector<1x16xf32> to vector<16xf32>
      %add3A_1329 = arith.addf %add3A_1323, %get3A_1328 : vector<16xf32>
      %get3A_1330 = arith.constant 8 : i32
      %get3A_1331 = arith.index_cast %get3A_1330 : i32 to index
      %get3A_1332 = arith.constant 0 : index
      %get3A_1333 = tpu.vector_load %arg7[%get3A_1331, %get3A_1332] {strides = array<i32>} : memref<100x32xf32, #tpu.memory_space<vmem>>, vector<1x16xf32>,
      %get3A_1334 = vector.shape_cast %get3A_1333 : vector<1x16xf32> to vector<16xf32>
      %add3A_1335 = arith.addf %add3A_1329, %get3A_1334 : vector<16xf32>
      %get3A_1336 = arith.constant 9 : i32
      %get3A_1337 = arith.index_cast %get3A_1336 : i32 to index
      %get3A_1338 = arith.constant 0 : index
      %get3A_1339 = tpu.vector_load %arg7[%get3A_1337, %get3A_1338] {strides = array<i32>} : memref<100x32xf32, #tpu.memory_space<vmem>>, vector<1x16xf32>,
      %get3A_1340 = vector.shape_cast %get3A_1339 : vector<1x16xf32> to vector<16xf32>
      %add3A_1341 = arith.addf %add3A_1335, %get3A_1340 : vector<16xf32>
      %get3A_1342 = arith.constant 10 : i32
      %get3A_1343 = arith.index_cast %get3A_1342 : i32 to index
      %get3A_1344 = arith.constant 0 : index
      %get3A_1345 = tpu.vector_load %arg7[%get3A_1343, %get3A_1344] {strides = array<i32>} : memref<100x32xf32, #tpu.memory_space<vmem>>, vector<1x16xf32>,
      %get3A_1346 = vector.shape_cast %get3A_1345 : vector<1x16xf32> to vector<16xf32>
      %add3A_1347 = arith.addf %add3A_1341, %get3A_1346 : vector<16xf32>
      %get3A_1348 = arith.constant 11 : i32
      %get3A_1349 = arith.index_cast %get3A_1348 : i32 to index
      %get3A_1350 = arith.constant 0 : index
      %get3A_1351 = tpu.vector_load %arg7[%get3A_1349, %get3A_1350] {strides = array<i32>} : memref<100x32xf32, #tpu.memory_space<vmem>>, vector<1x16xf32>,
      %get3A_1352 = vector.shape_cast %get3A_1351 : vector<1x16xf32> to vector<16xf32>
      %add3A_1353 = arith.addf %add3A_1347, %get3A_1352 : vector<16xf32>
      %get3A_1354 = arith.constant 12 : i32
      %get3A_1355 = arith.index_cast %get3A_1354 : i32 to index
      %get3A_1356 = arith.constant 0 : index
      %get3A_1357 = tpu.vector_load %arg7[%get3A_1355, %get3A_1356] {strides = array<i32>} : memref<100x32xf32, #tpu.memory_space<vmem>>, vector<1x16xf32>,
      %get3A_1358 = vector.shape_cast %get3A_1357 : vector<1x16xf32> to vector<16xf32>
      %add3A_1359 = arith.addf %add3A_1353, %get3A_1358 : vector<16xf32>
      %get3A_1360 = arith.constant 13 : i32
      %get3A_1361 = arith.index_cast %get3A_1360 : i32 to index
      %get3A_1362 = arith.constant 0 : index
      %get3A_1363 = tpu.vector_load %arg7[%get3A_1361, %get3A_1362] {strides = array<i32>} : memref<100x32xf32, #tpu.memory_space<vmem>>, vector<1x16xf32>,
      %get3A_1364 = vector.shape_cast %get3A_1363 : vector<1x16xf32> to vector<16xf32>
      %add3A_1365 = arith.addf %add3A_1359, %get3A_1364 : vector<16xf32>
      %get3A_1366 = arith.constant 14 : i32
      %get3A_1367 = arith.index_cast %get3A_1366 : i32 to index
      %get3A_1368 = arith.constant 0 : index
      %get3A_1369 = tpu.vector_load %arg7[%get3A_1367, %get3A_1368] {strides = array<i32>} : memref<100x32xf32, #tpu.memory_space<vmem>>, vector<1x16xf32>,
      %get3A_1370 = vector.shape_cast %get3A_1369 : vector<1x16xf32> to vector<16xf32>
      %add3A_1371 = arith.addf %add3A_1365, %get3A_1370 : vector<16xf32>
      %get3A_1372 = arith.constant 15 : i32
      %get3A_1373 = arith.index_cast %get3A_1372 : i32 to index
      %get3A_1374 = arith.constant 0 : index
      %get3A_1375 = tpu.vector_load %arg7[%get3A_1373, %get3A_1374] {strides = array<i32>} : memref<100x32xf32, #tpu.memory_space<vmem>>, vector<1x16xf32>,
      %get3A_1376 = vector.shape_cast %get3A_1375 : vector<1x16xf32> to vector<16xf32>
      %add3A_1377 = arith.addf %add3A_1371, %get3A_1376 : vector<16xf32>
      %get3A_1378 = arith.constant 16 : i32
      %get3A_1379 = arith.index_cast %get3A_1378 : i32 to index
      %get3A_1380 = arith.constant 0 : index
      %get3A_1381 = tpu.vector_load %arg7[%get3A_1379, %get3A_1380] {strides = array<i32>} : memref<100x32xf32, #tpu.memory_space<vmem>>, vector<1x16xf32>,
      %get3A_1382 = vector.shape_cast %get3A_1381 : vector<1x16xf32> to vector<16xf32>
      %add3A_1383 = arith.addf %add3A_1377, %get3A_1382 : vector<16xf32>
      %get3A_1384 = arith.constant 17 : i32
      %get3A_1385 = arith.index_cast %get3A_1384 : i32 to index
      %get3A_1386 = arith.constant 0 : index
      %get3A_1387 = tpu.vector_load %arg7[%get3A_1385, %get3A_1386] {strides = array<i32>} : memref<100x32xf32, #tpu.memory_space<vmem>>, vector<1x16xf32>,
      %get3A_1388 = vector.shape_cast %get3A_1387 : vector<1x16xf32> to vector<16xf32>
      %add3A_1389 = arith.addf %add3A_1383, %get3A_1388 : vector<16xf32>
      %get3A_1390 = arith.constant 18 : i32
      %get3A_1391 = arith.index_cast %get3A_1390 : i32 to index
      %get3A_1392 = arith.constant 0 : index
      %get3A_1393 = tpu.vector_load %arg7[%get3A_1391, %get3A_1392] {strides = array<i32>} : memref<100x32xf32, #tpu.memory_space<vmem>>, vector<1x16xf32>,
      %get3A_1394 = vector.shape_cast %get3A_1393 : vector<1x16xf32> to vector<16xf32>
      %add3A_1395 = arith.addf %add3A_1389, %get3A_1394 : vector<16xf32>
      %get3A_1396 = arith.constant 19 : i32
      %get3A_1397 = arith.index_cast %get3A_1396 : i32 to index
      %get3A_1398 = arith.constant 0 : index
      %get3A_1399 = tpu.vector_load %arg7[%get3A_1397, %get3A_1398] {strides = array<i32>} : memref<100x32xf32, #tpu.memory_space<vmem>>, vector<1x16xf32>,
      %get3A_1400 = vector.shape_cast %get3A_1399 : vector<1x16xf32> to vector<16xf32>
      %add3A_1401 = arith.addf %add3A_1395, %get3A_1400 : vector<16xf32>
      %get3A_1402 = arith.constant 20 : i32
      %get3A_1403 = arith.index_cast %get3A_1402 : i32 to index
      %get3A_1404 = arith.constant 0 : index
      %get3A_1405 = tpu.vector_load %arg7[%get3A_1403, %get3A_1404] {strides = array<i32>} : memref<100x32xf32, #tpu.memory_space<vmem>>, vector<1x16xf32>,
      %get3A_1406 = vector.shape_cast %get3A_1405 : vector<1x16xf32> to vector<16xf32>
      %add3A_1407 = arith.addf %add3A_1401, %get3A_1406 : vector<16xf32>
      %get3A_1408 = arith.constant 21 : i32
      %get3A_1409 = arith.index_cast %get3A_1408 : i32 to index
      %get3A_1410 = arith.constant 0 : index
      %get3A_1411 = tpu.vector_load %arg7[%get3A_1409, %get3A_1410] {strides = array<i32>} : memref<100x32xf32, #tpu.memory_space<vmem>>, vector<1x16xf32>,
      %get3A_1412 = vector.shape_cast %get3A_1411 : vector<1x16xf32> to vector<16xf32>
      %add3A_1413 = arith.addf %add3A_1407, %get3A_1412 : vector<16xf32>
      %get3A_1414 = arith.constant 22 : i32
      %get3A_1415 = arith.index_cast %get3A_1414 : i32 to index
      %get3A_1416 = arith.constant 0 : index
      %get3A_1417 = tpu.vector_load %arg7[%get3A_1415, %get3A_1416] {strides = array<i32>} : memref<100x32xf32, #tpu.memory_space<vmem>>, vector<1x16xf32>,
      %get3A_1418 = vector.shape_cast %get3A_1417 : vector<1x16xf32> to vector<16xf32>
      %add3A_1419 = arith.addf %add3A_1413, %get3A_1418 : vector<16xf32>
      %get3A_1420 = arith.constant 23 : i32
      %get3A_1421 = arith.index_cast %get3A_1420 : i32 to index
      %get3A_1422 = arith.constant 0 : index
      %get3A_1423 = tpu.vector_load %arg7[%get3A_1421, %get3A_1422] {strides = array<i32>} : memref<100x32xf32, #tpu.memory_space<vmem>>, vector<1x16xf32>,
      %get3A_1424 = vector.shape_cast %get3A_1423 : vector<1x16xf32> to vector<16xf32>
      %add3A_1425 = arith.addf %add3A_1419, %get3A_1424 : vector<16xf32>
      %get3A_1426 = arith.constant 24 : i32
      %get3A_1427 = arith.index_cast %get3A_1426 : i32 to index
      %get3A_1428 = arith.constant 0 : index
      %get3A_1429 = tpu.vector_load %arg7[%get3A_1427, %get3A_1428] {strides = array<i32>} : memref<100x32xf32, #tpu.memory_space<vmem>>, vector<1x16xf32>,
      %get3A_1430 = vector.shape_cast %get3A_1429 : vector<1x16xf32> to vector<16xf32>
      %add3A_1431 = arith.addf %add3A_1425, %get3A_1430 : vector<16xf32>
      %get3A_1432 = arith.constant 25 : i32
      %get3A_1433 = arith.index_cast %get3A_1432 : i32 to index
      %get3A_1434 = arith.constant 0 : index
      %get3A_1435 = tpu.vector_load %arg7[%get3A_1433, %get3A_1434] {strides = array<i32>} : memref<100x32xf32, #tpu.memory_space<vmem>>, vector<1x16xf32>,
      %get3A_1436 = vector.shape_cast %get3A_1435 : vector<1x16xf32> to vector<16xf32>
      %add3A_1437 = arith.addf %add3A_1431, %get3A_1436 : vector<16xf32>
      %get3A_1438 = arith.constant 26 : i32
      %get3A_1439 = arith.index_cast %get3A_1438 : i32 to index
      %get3A_1440 = arith.constant 0 : index
      %get3A_1441 = tpu.vector_load %arg7[%get3A_1439, %get3A_1440] {strides = array<i32>} : memref<100x32xf32, #tpu.memory_space<vmem>>, vector<1x16xf32>,
      %get3A_1442 = vector.shape_cast %get3A_1441 : vector<1x16xf32> to vector<16xf32>
      %add3A_1443 = arith.addf %add3A_1437, %get3A_1442 : vector<16xf32>
      %get3A_1444 = arith.constant 27 : i32
      %get3A_1445 = arith.index_cast %get3A_1444 : i32 to index
      %get3A_1446 = arith.constant 0 : index
      %get3A_1447 = tpu.vector_load %arg7[%get3A_1445, %get3A_1446] {strides = array<i32>} : memref<100x32xf32, #tpu.memory_space<vmem>>, vector<1x16xf32>,
      %get3A_1448 = vector.shape_cast %get3A_1447 : vector<1x16xf32> to vector<16xf32>
      %add3A_1449 = arith.addf %add3A_1443, %get3A_1448 : vector<16xf32>
      %get3A_1450 = arith.constant 28 : i32
      %get3A_1451 = arith.index_cast %get3A_1450 : i32 to index
      %get3A_1452 = arith.constant 0 : index
      %get3A_1453 = tpu.vector_load %arg7[%get3A_1451, %get3A_1452] {strides = array<i32>} : memref<100x32xf32, #tpu.memory_space<vmem>>, vector<1x16xf32>,
      %get3A_1454 = vector.shape_cast %get3A_1453 : vector<1x16xf32> to vector<16xf32>
      %add3A_1455 = arith.addf %add3A_1449, %get3A_1454 : vector<16xf32>
      %get3A_1456 = arith.constant 29 : i32
      %get3A_1457 = arith.index_cast %get3A_1456 : i32 to index
      %get3A_1458 = arith.constant 0 : index
      %get3A_1459 = tpu.vector_load %arg7[%get3A_1457, %get3A_1458] {strides = array<i32>} : memref<100x32xf32, #tpu.memory_space<vmem>>, vector<1x16xf32>,
      %get3A_1460 = vector.shape_cast %get3A_1459 : vector<1x16xf32> to vector<16xf32>
      %add3A_1461 = arith.addf %add3A_1455, %get3A_1460 : vector<16xf32>
      %get3A_1462 = arith.constant 30 : i32
      %get3A_1463 = arith.index_cast %get3A_1462 : i32 to index
      %get3A_1464 = arith.constant 0 : index
      %get3A_1465 = tpu.vector_load %arg7[%get3A_1463, %get3A_1464] {strides = array<i32>} : memref<100x32xf32, #tpu.memory_space<vmem>>, vector<1x16xf32>,
      %get3A_1466 = vector.shape_cast %get3A_1465 : vector<1x16xf32> to vector<16xf32>
      %add3A_1467 = arith.addf %add3A_1461, %get3A_1466 : vector<16xf32>
      %get3A_1468 = arith.constant 31 : i32
      %get3A_1469 = arith.index_cast %get3A_1468 : i32 to index
      %get3A_1470 = arith.constant 0 : index
      %get3A_1471 = tpu.vector_load %arg7[%get3A_1469, %get3A_1470] {strides = array<i32>} : memref<100x32xf32, #tpu.memory_space<vmem>>, vector<1x16xf32>,
      %get3A_1472 = vector.shape_cast %get3A_1471 : vector<1x16xf32> to vector<16xf32>
      %add3A_1473 = arith.addf %add3A_1467, %get3A_1472 : vector<16xf32>
      %get3A_1474 = arith.constant 32 : i32
      %get3A_1475 = arith.index_cast %get3A_1474 : i32 to index
      %get3A_1476 = arith.constant 0 : index
      %get3A_1477 = tpu.vector_load %arg7[%get3A_1475, %get3A_1476] {strides = array<i32>} : memref<100x32xf32, #tpu.memory_space<vmem>>, vector<1x16xf32>,
      %get3A_1478 = vector.shape_cast %get3A_1477 : vector<1x16xf32> to vector<16xf32>
      %add3A_1479 = arith.addf %add3A_1473, %get3A_1478 : vector<16xf32>
      %get3A_1480 = arith.constant 33 : i32
      %get3A_1481 = arith.index_cast %get3A_1480 : i32 to index
      %get3A_1482 = arith.constant 0 : index
      %get3A_1483 = tpu.vector_load %arg7[%get3A_1481, %get3A_1482] {strides = array<i32>} : memref<100x32xf32, #tpu.memory_space<vmem>>, vector<1x16xf32>,
      %get3A_1484 = vector.shape_cast %get3A_1483 : vector<1x16xf32> to vector<16xf32>
      %add3A_1485 = arith.addf %add3A_1479, %get3A_1484 : vector<16xf32>
      %get3A_1486 = arith.constant 34 : i32
      %get3A_1487 = arith.index_cast %get3A_1486 : i32 to index
      %get3A_1488 = arith.constant 0 : index
      %get3A_1489 = tpu.vector_load %arg7[%get3A_1487, %get3A_1488] {strides = array<i32>} : memref<100x32xf32, #tpu.memory_space<vmem>>, vector<1x16xf32>,
      %get3A_1490 = vector.shape_cast %get3A_1489 : vector<1x16xf32> to vector<16xf32>
      %add3A_1491 = arith.addf %add3A_1485, %get3A_1490 : vector<16xf32>
      %get3A_1492 = arith.constant 35 : i32
      %get3A_1493 = arith.index_cast %get3A_1492 : i32 to index
      %get3A_1494 = arith.constant 0 : index
      %get3A_1495 = tpu.vector_load %arg7[%get3A_1493, %get3A_1494] {strides = array<i32>} : memref<100x32xf32, #tpu.memory_space<vmem>>, vector<1x16xf32>,
      %get3A_1496 = vector.shape_cast %get3A_1495 : vector<1x16xf32> to vector<16xf32>
      %add3A_1497 = arith.addf %add3A_1491, %get3A_1496 : vector<16xf32>
      %get3A_1498 = arith.constant 36 : i32
      %get3A_1499 = arith.index_cast %get3A_1498 : i32 to index
      %get3A_1500 = arith.constant 0 : index
      %get3A_1501 = tpu.vector_load %arg7[%get3A_1499, %get3A_1500] {strides = array<i32>} : memref<100x32xf32, #tpu.memory_space<vmem>>, vector<1x16xf32>,
      %get3A_1502 = vector.shape_cast %get3A_1501 : vector<1x16xf32> to vector<16xf32>
      %add3A_1503 = arith.addf %add3A_1497, %get3A_1502 : vector<16xf32>
      %get3A_1504 = arith.constant 37 : i32
      %get3A_1505 = arith.index_cast %get3A_1504 : i32 to index
      %get3A_1506 = arith.constant 0 : index
      %get3A_1507 = tpu.vector_load %arg7[%get3A_1505, %get3A_1506] {strides = array<i32>} : memref<100x32xf32, #tpu.memory_space<vmem>>, vector<1x16xf32>,
      %get3A_1508 = vector.shape_cast %get3A_1507 : vector<1x16xf32> to vector<16xf32>
      %add3A_1509 = arith.addf %add3A_1503, %get3A_1508 : vector<16xf32>
      %get3A_1510 = arith.constant 38 : i32
      %get3A_1511 = arith.index_cast %get3A_1510 : i32 to index
      %get3A_1512 = arith.constant 0 : index
      %get3A_1513 = tpu.vector_load %arg7[%get3A_1511, %get3A_1512] {strides = array<i32>} : memref<100x32xf32, #tpu.memory_space<vmem>>, vector<1x16xf32>,
      %get3A_1514 = vector.shape_cast %get3A_1513 : vector<1x16xf32> to vector<16xf32>
      %add3A_1515 = arith.addf %add3A_1509, %get3A_1514 : vector<16xf32>
      %get3A_1516 = arith.constant 39 : i32
      %get3A_1517 = arith.index_cast %get3A_1516 : i32 to index
      %get3A_1518 = arith.constant 0 : index
      %get3A_1519 = tpu.vector_load %arg7[%get3A_1517, %get3A_1518] {strides = array<i32>} : memref<100x32xf32, #tpu.memory_space<vmem>>, vector<1x16xf32>,
      %get3A_1520 = vector.shape_cast %get3A_1519 : vector<1x16xf32> to vector<16xf32>
      %add3A_1521 = arith.addf %add3A_1515, %get3A_1520 : vector<16xf32>
      %get3A_1522 = arith.constant 40 : i32
      %get3A_1523 = arith.index_cast %get3A_1522 : i32 to index
      %get3A_1524 = arith.constant 0 : index
      %get3A_1525 = tpu.vector_load %arg7[%get3A_1523, %get3A_1524] {strides = array<i32>} : memref<100x32xf32, #tpu.memory_space<vmem>>, vector<1x16xf32>,
      %get3A_1526 = vector.shape_cast %get3A_1525 : vector<1x16xf32> to vector<16xf32>
      %add3A_1527 = arith.addf %add3A_1521, %get3A_1526 : vector<16xf32>
      %get3A_1528 = arith.constant 41 : i32
      %get3A_1529 = arith.index_cast %get3A_1528 : i32 to index
      %get3A_1530 = arith.constant 0 : index
      %get3A_1531 = tpu.vector_load %arg7[%get3A_1529, %get3A_1530] {strides = array<i32>} : memref<100x32xf32, #tpu.memory_space<vmem>>, vector<1x16xf32>,
      %get3A_1532 = vector.shape_cast %get3A_1531 : vector<1x16xf32> to vector<16xf32>
      %add3A_1533 = arith.addf %add3A_1527, %get3A_1532 : vector<16xf32>
      %get3A_1534 = arith.constant 42 : i32
      %get3A_1535 = arith.index_cast %get3A_1534 : i32 to index
      %get3A_1536 = arith.constant 0 : index
      %get3A_1537 = tpu.vector_load %arg7[%get3A_1535, %get3A_1536] {strides = array<i32>} : memref<100x32xf32, #tpu.memory_space<vmem>>, vector<1x16xf32>,
      %get3A_1538 = vector.shape_cast %get3A_1537 : vector<1x16xf32> to vector<16xf32>
      %add3A_1539 = arith.addf %add3A_1533, %get3A_1538 : vector<16xf32>
      %get3A_1540 = arith.constant 43 : i32
      %get3A_1541 = arith.index_cast %get3A_1540 : i32 to index
      %get3A_1542 = arith.constant 0 : index
      %get3A_1543 = tpu.vector_load %arg7[%get3A_1541, %get3A_1542] {strides = array<i32>} : memref<100x32xf32, #tpu.memory_space<vmem>>, vector<1x16xf32>,
      %get3A_1544 = vector.shape_cast %get3A_1543 : vector<1x16xf32> to vector<16xf32>
      %add3A_1545 = arith.addf %add3A_1539, %get3A_1544 : vector<16xf32>
      %get3A_1546 = arith.constant 44 : i32
      %get3A_1547 = arith.index_cast %get3A_1546 : i32 to index
      %get3A_1548 = arith.constant 0 : index
      %get3A_1549 = tpu.vector_load %arg7[%get3A_1547, %get3A_1548] {strides = array<i32>} : memref<100x32xf32, #tpu.memory_space<vmem>>, vector<1x16xf32>,
      %get3A_1550 = vector.shape_cast %get3A_1549 : vector<1x16xf32> to vector<16xf32>
      %add3A_1551 = arith.addf %add3A_1545, %get3A_1550 : vector<16xf32>
      %get3A_1552 = arith.constant 45 : i32
      %get3A_1553 = arith.index_cast %get3A_1552 : i32 to index
      %get3A_1554 = arith.constant 0 : index
      %get3A_1555 = tpu.vector_load %arg7[%get3A_1553, %get3A_1554] {strides = array<i32>} : memref<100x32xf32, #tpu.memory_space<vmem>>, vector<1x16xf32>,
      %get3A_1556 = vector.shape_cast %get3A_1555 : vector<1x16xf32> to vector<16xf32>
      %add3A_1557 = arith.addf %add3A_1551, %get3A_1556 : vector<16xf32>
      %get3A_1558 = arith.constant 46 : i32
      %get3A_1559 = arith.index_cast %get3A_1558 : i32 to index
      %get3A_1560 = arith.constant 0 : index
      %get3A_1561 = tpu.vector_load %arg7[%get3A_1559, %get3A_1560] {strides = array<i32>} : memref<100x32xf32, #tpu.memory_space<vmem>>, vector<1x16xf32>,
      %get3A_1562 = vector.shape_cast %get3A_1561 : vector<1x16xf32> to vector<16xf32>
      %add3A_1563 = arith.addf %add3A_1557, %get3A_1562 : vector<16xf32>
      %get3A_1564 = arith.constant 47 : i32
      %get3A_1565 = arith.index_cast %get3A_1564 : i32 to index
      %get3A_1566 = arith.constant 0 : index
      %get3A_1567 = tpu.vector_load %arg7[%get3A_1565, %get3A_1566] {strides = array<i32>} : memref<100x32xf32, #tpu.memory_space<vmem>>, vector<1x16xf32>,
      %get3A_1568 = vector.shape_cast %get3A_1567 : vector<1x16xf32> to vector<16xf32>
      %add3A_1569 = arith.addf %add3A_1563, %get3A_1568 : vector<16xf32>
      %get3A_1570 = arith.constant 48 : i32
      %get3A_1571 = arith.index_cast %get3A_1570 : i32 to index
      %get3A_1572 = arith.constant 0 : index
      %get3A_1573 = tpu.vector_load %arg7[%get3A_1571, %get3A_1572] {strides = array<i32>} : memref<100x32xf32, #tpu.memory_space<vmem>>, vector<1x16xf32>,
      %get3A_1574 = vector.shape_cast %get3A_1573 : vector<1x16xf32> to vector<16xf32>
      %add3A_1575 = arith.addf %add3A_1569, %get3A_1574 : vector<16xf32>
      %get3A_1576 = arith.constant 49 : i32
      %get3A_1577 = arith.index_cast %get3A_1576 : i32 to index
      %get3A_1578 = arith.constant 0 : index
      %get3A_1579 = tpu.vector_load %arg7[%get3A_1577, %get3A_1578] {strides = array<i32>} : memref<100x32xf32, #tpu.memory_space<vmem>>, vector<1x16xf32>,
      %get3A_1580 = vector.shape_cast %get3A_1579 : vector<1x16xf32> to vector<16xf32>
      %add3A_1581 = arith.addf %add3A_1575, %get3A_1580 : vector<16xf32>
      %mul3A_1582 = arith.constant 2.000000e-02 : f32
      %mul3A_1583 = vector.broadcast %mul3A_1582 : f32 to vector<16xf32>
      %mul3A_1584 = arith.mulf %add3A_1581, %mul3A_1583 : vector<16xf32>
      %swap3A_1585 = arith.index_cast %add3A_1282 : i32 to index
      %swap3A_1586 = arith.constant 0 : index
      %swap3A_1587 = tpu.vector_load %arg8[%swap3A_1585, %swap3A_1586] {strides = array<i32>} : memref<128x32xf32, #tpu.memory_space<vmem>>, vector<1x16xf32>,
      %swap3A_1588 = vector.shape_cast %swap3A_1587 : vector<1x16xf32> to vector<16xf32>
      %swap3A_1589 = vector.shape_cast %mul3A_1584 : vector<16xf32> to vector<1x16xf32>
      tpu.vector_store %arg8[%swap3A_1585, %swap3A_1586], %swap3A_1589 {strides = array<i32>} : memref<128x32xf32, #tpu.memory_space<vmem>>, vector<1x16xf32>,
      %get3A_1590 = arith.constant 0 : i32
      %get3A_1591 = arith.index_cast %get3A_1590 : i32 to index
      %get3A_1592 = arith.constant 16 : index
      %get3A_1593 = tpu.vector_load %arg7[%get3A_1591, %get3A_1592] {strides = array<i32>} : memref<100x32xf32, #tpu.memory_space<vmem>>, vector<1x16xf32>,
      %get3A_1594 = vector.shape_cast %get3A_1593 : vector<1x16xf32> to vector<16xf32>
      %get3A_1595 = arith.constant 1 : i32
      %get3A_1596 = arith.index_cast %get3A_1595 : i32 to index
      %get3A_1597 = arith.constant 16 : index
      %get3A_1598 = tpu.vector_load %arg7[%get3A_1596, %get3A_1597] {strides = array<i32>} : memref<100x32xf32, #tpu.memory_space<vmem>>, vector<1x16xf32>,
      %get3A_1599 = vector.shape_cast %get3A_1598 : vector<1x16xf32> to vector<16xf32>
      %add3A_1600 = arith.addf %get3A_1594, %get3A_1599 : vector<16xf32>
      %get3A_1601 = arith.constant 2 : i32
      %get3A_1602 = arith.index_cast %get3A_1601 : i32 to index
      %get3A_1603 = arith.constant 16 : index
      %get3A_1604 = tpu.vector_load %arg7[%get3A_1602, %get3A_1603] {strides = array<i32>} : memref<100x32xf32, #tpu.memory_space<vmem>>, vector<1x16xf32>,
      %get3A_1605 = vector.shape_cast %get3A_1604 : vector<1x16xf32> to vector<16xf32>
      %add3A_1606 = arith.addf %add3A_1600, %get3A_1605 : vector<16xf32>
      %get3A_1607 = arith.constant 3 : i32
      %get3A_1608 = arith.index_cast %get3A_1607 : i32 to index
      %get3A_1609 = arith.constant 16 : index
      %get3A_1610 = tpu.vector_load %arg7[%get3A_1608, %get3A_1609] {strides = array<i32>} : memref<100x32xf32, #tpu.memory_space<vmem>>, vector<1x16xf32>,
      %get3A_1611 = vector.shape_cast %get3A_1610 : vector<1x16xf32> to vector<16xf32>
      %add3A_1612 = arith.addf %add3A_1606, %get3A_1611 : vector<16xf32>
      %get3A_1613 = arith.constant 4 : i32
      %get3A_1614 = arith.index_cast %get3A_1613 : i32 to index
      %get3A_1615 = arith.constant 16 : index
      %get3A_1616 = tpu.vector_load %arg7[%get3A_1614, %get3A_1615] {strides = array<i32>} : memref<100x32xf32, #tpu.memory_space<vmem>>, vector<1x16xf32>,
      %get3A_1617 = vector.shape_cast %get3A_1616 : vector<1x16xf32> to vector<16xf32>
      %add3A_1618 = arith.addf %add3A_1612, %get3A_1617 : vector<16xf32>
      %get3A_1619 = arith.constant 5 : i32
      %get3A_1620 = arith.index_cast %get3A_1619 : i32 to index
      %get3A_1621 = arith.constant 16 : index
      %get3A_1622 = tpu.vector_load %arg7[%get3A_1620, %get3A_1621] {strides = array<i32>} : memref<100x32xf32, #tpu.memory_space<vmem>>, vector<1x16xf32>,
      %get3A_1623 = vector.shape_cast %get3A_1622 : vector<1x16xf32> to vector<16xf32>
      %add3A_1624 = arith.addf %add3A_1618, %get3A_1623 : vector<16xf32>
      %get3A_1625 = arith.constant 6 : i32
      %get3A_1626 = arith.index_cast %get3A_1625 : i32 to index
      %get3A_1627 = arith.constant 16 : index
      %get3A_1628 = tpu.vector_load %arg7[%get3A_1626, %get3A_1627] {strides = array<i32>} : memref<100x32xf32, #tpu.memory_space<vmem>>, vector<1x16xf32>,
      %get3A_1629 = vector.shape_cast %get3A_1628 : vector<1x16xf32> to vector<16xf32>
      %add3A_1630 = arith.addf %add3A_1624, %get3A_1629 : vector<16xf32>
      %get3A_1631 = arith.constant 7 : i32
      %get3A_1632 = arith.index_cast %get3A_1631 : i32 to index
      %get3A_1633 = arith.constant 16 : index
      %get3A_1634 = tpu.vector_load %arg7[%get3A_1632, %get3A_1633] {strides = array<i32>} : memref<100x32xf32, #tpu.memory_space<vmem>>, vector<1x16xf32>,
      %get3A_1635 = vector.shape_cast %get3A_1634 : vector<1x16xf32> to vector<16xf32>
      %add3A_1636 = arith.addf %add3A_1630, %get3A_1635 : vector<16xf32>
      %get3A_1637 = arith.constant 8 : i32
      %get3A_1638 = arith.index_cast %get3A_1637 : i32 to index
      %get3A_1639 = arith.constant 16 : index
      %get3A_1640 = tpu.vector_load %arg7[%get3A_1638, %get3A_1639] {strides = array<i32>} : memref<100x32xf32, #tpu.memory_space<vmem>>, vector<1x16xf32>,
      %get3A_1641 = vector.shape_cast %get3A_1640 : vector<1x16xf32> to vector<16xf32>
      %add3A_1642 = arith.addf %add3A_1636, %get3A_1641 : vector<16xf32>
      %get3A_1643 = arith.constant 9 : i32
      %get3A_1644 = arith.index_cast %get3A_1643 : i32 to index
      %get3A_1645 = arith.constant 16 : index
      %get3A_1646 = tpu.vector_load %arg7[%get3A_1644, %get3A_1645] {strides = array<i32>} : memref<100x32xf32, #tpu.memory_space<vmem>>, vector<1x16xf32>,
      %get3A_1647 = vector.shape_cast %get3A_1646 : vector<1x16xf32> to vector<16xf32>
      %add3A_1648 = arith.addf %add3A_1642, %get3A_1647 : vector<16xf32>
      %get3A_1649 = arith.constant 10 : i32
      %get3A_1650 = arith.index_cast %get3A_1649 : i32 to index
      %get3A_1651 = arith.constant 16 : index
      %get3A_1652 = tpu.vector_load %arg7[%get3A_1650, %get3A_1651] {strides = array<i32>} : memref<100x32xf32, #tpu.memory_space<vmem>>, vector<1x16xf32>,
      %get3A_1653 = vector.shape_cast %get3A_1652 : vector<1x16xf32> to vector<16xf32>
      %add3A_1654 = arith.addf %add3A_1648, %get3A_1653 : vector<16xf32>
      %get3A_1655 = arith.constant 11 : i32
      %get3A_1656 = arith.index_cast %get3A_1655 : i32 to index
      %get3A_1657 = arith.constant 16 : index
      %get3A_1658 = tpu.vector_load %arg7[%get3A_1656, %get3A_1657] {strides = array<i32>} : memref<100x32xf32, #tpu.memory_space<vmem>>, vector<1x16xf32>,
      %get3A_1659 = vector.shape_cast %get3A_1658 : vector<1x16xf32> to vector<16xf32>
      %add3A_1660 = arith.addf %add3A_1654, %get3A_1659 : vector<16xf32>
      %get3A_1661 = arith.constant 12 : i32
      %get3A_1662 = arith.index_cast %get3A_1661 : i32 to index
      %get3A_1663 = arith.constant 16 : index
      %get3A_1664 = tpu.vector_load %arg7[%get3A_1662, %get3A_1663] {strides = array<i32>} : memref<100x32xf32, #tpu.memory_space<vmem>>, vector<1x16xf32>,
      %get3A_1665 = vector.shape_cast %get3A_1664 : vector<1x16xf32> to vector<16xf32>
      %add3A_1666 = arith.addf %add3A_1660, %get3A_1665 : vector<16xf32>
      %get3A_1667 = arith.constant 13 : i32
      %get3A_1668 = arith.index_cast %get3A_1667 : i32 to index
      %get3A_1669 = arith.constant 16 : index
      %get3A_1670 = tpu.vector_load %arg7[%get3A_1668, %get3A_1669] {strides = array<i32>} : memref<100x32xf32, #tpu.memory_space<vmem>>, vector<1x16xf32>,
      %get3A_1671 = vector.shape_cast %get3A_1670 : vector<1x16xf32> to vector<16xf32>
      %add3A_1672 = arith.addf %add3A_1666, %get3A_1671 : vector<16xf32>
      %get3A_1673 = arith.constant 14 : i32
      %get3A_1674 = arith.index_cast %get3A_1673 : i32 to index
      %get3A_1675 = arith.constant 16 : index
      %get3A_1676 = tpu.vector_load %arg7[%get3A_1674, %get3A_1675] {strides = array<i32>} : memref<100x32xf32, #tpu.memory_space<vmem>>, vector<1x16xf32>,
      %get3A_1677 = vector.shape_cast %get3A_1676 : vector<1x16xf32> to vector<16xf32>
      %add3A_1678 = arith.addf %add3A_1672, %get3A_1677 : vector<16xf32>
      %get3A_1679 = arith.constant 15 : i32
      %get3A_1680 = arith.index_cast %get3A_1679 : i32 to index
      %get3A_1681 = arith.constant 16 : index
      %get3A_1682 = tpu.vector_load %arg7[%get3A_1680, %get3A_1681] {strides = array<i32>} : memref<100x32xf32, #tpu.memory_space<vmem>>, vector<1x16xf32>,
      %get3A_1683 = vector.shape_cast %get3A_1682 : vector<1x16xf32> to vector<16xf32>
      %add3A_1684 = arith.addf %add3A_1678, %get3A_1683 : vector<16xf32>
      %get3A_1685 = arith.constant 16 : i32
      %get3A_1686 = arith.index_cast %get3A_1685 : i32 to index
      %get3A_1687 = arith.constant 16 : index
      %get3A_1688 = tpu.vector_load %arg7[%get3A_1686, %get3A_1687] {strides = array<i32>} : memref<100x32xf32, #tpu.memory_space<vmem>>, vector<1x16xf32>,
      %get3A_1689 = vector.shape_cast %get3A_1688 : vector<1x16xf32> to vector<16xf32>
      %add3A_1690 = arith.addf %add3A_1684, %get3A_1689 : vector<16xf32>
      %get3A_1691 = arith.constant 17 : i32
      %get3A_1692 = arith.index_cast %get3A_1691 : i32 to index
      %get3A_1693 = arith.constant 16 : index
      %get3A_1694 = tpu.vector_load %arg7[%get3A_1692, %get3A_1693] {strides = array<i32>} : memref<100x32xf32, #tpu.memory_space<vmem>>, vector<1x16xf32>,
      %get3A_1695 = vector.shape_cast %get3A_1694 : vector<1x16xf32> to vector<16xf32>
      %add3A_1696 = arith.addf %add3A_1690, %get3A_1695 : vector<16xf32>
      %get3A_1697 = arith.constant 18 : i32
      %get3A_1698 = arith.index_cast %get3A_1697 : i32 to index
      %get3A_1699 = arith.constant 16 : index
      %get3A_1700 = tpu.vector_load %arg7[%get3A_1698, %get3A_1699] {strides = array<i32>} : memref<100x32xf32, #tpu.memory_space<vmem>>, vector<1x16xf32>,
      %get3A_1701 = vector.shape_cast %get3A_1700 : vector<1x16xf32> to vector<16xf32>
      %add3A_1702 = arith.addf %add3A_1696, %get3A_1701 : vector<16xf32>
      %get3A_1703 = arith.constant 19 : i32
      %get3A_1704 = arith.index_cast %get3A_1703 : i32 to index
      %get3A_1705 = arith.constant 16 : index
      %get3A_1706 = tpu.vector_load %arg7[%get3A_1704, %get3A_1705] {strides = array<i32>} : memref<100x32xf32, #tpu.memory_space<vmem>>, vector<1x16xf32>,
      %get3A_1707 = vector.shape_cast %get3A_1706 : vector<1x16xf32> to vector<16xf32>
      %add3A_1708 = arith.addf %add3A_1702, %get3A_1707 : vector<16xf32>
      %get3A_1709 = arith.constant 20 : i32
      %get3A_1710 = arith.index_cast %get3A_1709 : i32 to index
      %get3A_1711 = arith.constant 16 : index
      %get3A_1712 = tpu.vector_load %arg7[%get3A_1710, %get3A_1711] {strides = array<i32>} : memref<100x32xf32, #tpu.memory_space<vmem>>, vector<1x16xf32>,
      %get3A_1713 = vector.shape_cast %get3A_1712 : vector<1x16xf32> to vector<16xf32>
      %add3A_1714 = arith.addf %add3A_1708, %get3A_1713 : vector<16xf32>
      %get3A_1715 = arith.constant 21 : i32
      %get3A_1716 = arith.index_cast %get3A_1715 : i32 to index
      %get3A_1717 = arith.constant 16 : index
      %get3A_1718 = tpu.vector_load %arg7[%get3A_1716, %get3A_1717] {strides = array<i32>} : memref<100x32xf32, #tpu.memory_space<vmem>>, vector<1x16xf32>,
      %get3A_1719 = vector.shape_cast %get3A_1718 : vector<1x16xf32> to vector<16xf32>
      %add3A_1720 = arith.addf %add3A_1714, %get3A_1719 : vector<16xf32>
      %get3A_1721 = arith.constant 22 : i32
      %get3A_1722 = arith.index_cast %get3A_1721 : i32 to index
      %get3A_1723 = arith.constant 16 : index
      %get3A_1724 = tpu.vector_load %arg7[%get3A_1722, %get3A_1723] {strides = array<i32>} : memref<100x32xf32, #tpu.memory_space<vmem>>, vector<1x16xf32>,
      %get3A_1725 = vector.shape_cast %get3A_1724 : vector<1x16xf32> to vector<16xf32>
      %add3A_1726 = arith.addf %add3A_1720, %get3A_1725 : vector<16xf32>
      %get3A_1727 = arith.constant 23 : i32
      %get3A_1728 = arith.index_cast %get3A_1727 : i32 to index
      %get3A_1729 = arith.constant 16 : index
      %get3A_1730 = tpu.vector_load %arg7[%get3A_1728, %get3A_1729] {strides = array<i32>} : memref<100x32xf32, #tpu.memory_space<vmem>>, vector<1x16xf32>,
      %get3A_1731 = vector.shape_cast %get3A_1730 : vector<1x16xf32> to vector<16xf32>
      %add3A_1732 = arith.addf %add3A_1726, %get3A_1731 : vector<16xf32>
      %get3A_1733 = arith.constant 24 : i32
      %get3A_1734 = arith.index_cast %get3A_1733 : i32 to index
      %get3A_1735 = arith.constant 16 : index
      %get3A_1736 = tpu.vector_load %arg7[%get3A_1734, %get3A_1735] {strides = array<i32>} : memref<100x32xf32, #tpu.memory_space<vmem>>, vector<1x16xf32>,
      %get3A_1737 = vector.shape_cast %get3A_1736 : vector<1x16xf32> to vector<16xf32>
      %add3A_1738 = arith.addf %add3A_1732, %get3A_1737 : vector<16xf32>
      %get3A_1739 = arith.constant 25 : i32
      %get3A_1740 = arith.index_cast %get3A_1739 : i32 to index
      %get3A_1741 = arith.constant 16 : index
      %get3A_1742 = tpu.vector_load %arg7[%get3A_1740, %get3A_1741] {strides = array<i32>} : memref<100x32xf32, #tpu.memory_space<vmem>>, vector<1x16xf32>,
      %get3A_1743 = vector.shape_cast %get3A_1742 : vector<1x16xf32> to vector<16xf32>
      %add3A_1744 = arith.addf %add3A_1738, %get3A_1743 : vector<16xf32>
      %get3A_1745 = arith.constant 26 : i32
      %get3A_1746 = arith.index_cast %get3A_1745 : i32 to index
      %get3A_1747 = arith.constant 16 : index
      %get3A_1748 = tpu.vector_load %arg7[%get3A_1746, %get3A_1747] {strides = array<i32>} : memref<100x32xf32, #tpu.memory_space<vmem>>, vector<1x16xf32>,
      %get3A_1749 = vector.shape_cast %get3A_1748 : vector<1x16xf32> to vector<16xf32>
      %add3A_1750 = arith.addf %add3A_1744, %get3A_1749 : vector<16xf32>
      %get3A_1751 = arith.constant 27 : i32
      %get3A_1752 = arith.index_cast %get3A_1751 : i32 to index
      %get3A_1753 = arith.constant 16 : index
      %get3A_1754 = tpu.vector_load %arg7[%get3A_1752, %get3A_1753] {strides = array<i32>} : memref<100x32xf32, #tpu.memory_space<vmem>>, vector<1x16xf32>,
      %get3A_1755 = vector.shape_cast %get3A_1754 : vector<1x16xf32> to vector<16xf32>
      %add3A_1756 = arith.addf %add3A_1750, %get3A_1755 : vector<16xf32>
      %get3A_1757 = arith.constant 28 : i32
      %get3A_1758 = arith.index_cast %get3A_1757 : i32 to index
      %get3A_1759 = arith.constant 16 : index
      %get3A_1760 = tpu.vector_load %arg7[%get3A_1758, %get3A_1759] {strides = array<i32>} : memref<100x32xf32, #tpu.memory_space<vmem>>, vector<1x16xf32>,
      %get3A_1761 = vector.shape_cast %get3A_1760 : vector<1x16xf32> to vector<16xf32>
      %add3A_1762 = arith.addf %add3A_1756, %get3A_1761 : vector<16xf32>
      %get3A_1763 = arith.constant 29 : i32
      %get3A_1764 = arith.index_cast %get3A_1763 : i32 to index
      %get3A_1765 = arith.constant 16 : index
      %get3A_1766 = tpu.vector_load %arg7[%get3A_1764, %get3A_1765] {strides = array<i32>} : memref<100x32xf32, #tpu.memory_space<vmem>>, vector<1x16xf32>,
      %get3A_1767 = vector.shape_cast %get3A_1766 : vector<1x16xf32> to vector<16xf32>
      %add3A_1768 = arith.addf %add3A_1762, %get3A_1767 : vector<16xf32>
      %get3A_1769 = arith.constant 30 : i32
      %get3A_1770 = arith.index_cast %get3A_1769 : i32 to index
      %get3A_1771 = arith.constant 16 : index
      %get3A_1772 = tpu.vector_load %arg7[%get3A_1770, %get3A_1771] {strides = array<i32>} : memref<100x32xf32, #tpu.memory_space<vmem>>, vector<1x16xf32>,
      %get3A_1773 = vector.shape_cast %get3A_1772 : vector<1x16xf32> to vector<16xf32>
      %add3A_1774 = arith.addf %add3A_1768, %get3A_1773 : vector<16xf32>
      %get3A_1775 = arith.constant 31 : i32
      %get3A_1776 = arith.index_cast %get3A_1775 : i32 to index
      %get3A_1777 = arith.constant 16 : index
      %get3A_1778 = tpu.vector_load %arg7[%get3A_1776, %get3A_1777] {strides = array<i32>} : memref<100x32xf32, #tpu.memory_space<vmem>>, vector<1x16xf32>,
      %get3A_1779 = vector.shape_cast %get3A_1778 : vector<1x16xf32> to vector<16xf32>
      %add3A_1780 = arith.addf %add3A_1774, %get3A_1779 : vector<16xf32>
      %get3A_1781 = arith.constant 32 : i32
      %get3A_1782 = arith.index_cast %get3A_1781 : i32 to index
      %get3A_1783 = arith.constant 16 : index
      %get3A_1784 = tpu.vector_load %arg7[%get3A_1782, %get3A_1783] {strides = array<i32>} : memref<100x32xf32, #tpu.memory_space<vmem>>, vector<1x16xf32>,
      %get3A_1785 = vector.shape_cast %get3A_1784 : vector<1x16xf32> to vector<16xf32>
      %add3A_1786 = arith.addf %add3A_1780, %get3A_1785 : vector<16xf32>
      %get3A_1787 = arith.constant 33 : i32
      %get3A_1788 = arith.index_cast %get3A_1787 : i32 to index
      %get3A_1789 = arith.constant 16 : index
      %get3A_1790 = tpu.vector_load %arg7[%get3A_1788, %get3A_1789] {strides = array<i32>} : memref<100x32xf32, #tpu.memory_space<vmem>>, vector<1x16xf32>,
      %get3A_1791 = vector.shape_cast %get3A_1790 : vector<1x16xf32> to vector<16xf32>
      %add3A_1792 = arith.addf %add3A_1786, %get3A_1791 : vector<16xf32>
      %get3A_1793 = arith.constant 34 : i32
      %get3A_1794 = arith.index_cast %get3A_1793 : i32 to index
      %get3A_1795 = arith.constant 16 : index
      %get3A_1796 = tpu.vector_load %arg7[%get3A_1794, %get3A_1795] {strides = array<i32>} : memref<100x32xf32, #tpu.memory_space<vmem>>, vector<1x16xf32>,
      %get3A_1797 = vector.shape_cast %get3A_1796 : vector<1x16xf32> to vector<16xf32>
      %add3A_1798 = arith.addf %add3A_1792, %get3A_1797 : vector<16xf32>
      %get3A_1799 = arith.constant 35 : i32
      %get3A_1800 = arith.index_cast %get3A_1799 : i32 to index
      %get3A_1801 = arith.constant 16 : index
      %get3A_1802 = tpu.vector_load %arg7[%get3A_1800, %get3A_1801] {strides = array<i32>} : memref<100x32xf32, #tpu.memory_space<vmem>>, vector<1x16xf32>,
      %get3A_1803 = vector.shape_cast %get3A_1802 : vector<1x16xf32> to vector<16xf32>
      %add3A_1804 = arith.addf %add3A_1798, %get3A_1803 : vector<16xf32>
      %get3A_1805 = arith.constant 36 : i32
      %get3A_1806 = arith.index_cast %get3A_1805 : i32 to index
      %get3A_1807 = arith.constant 16 : index
      %get3A_1808 = tpu.vector_load %arg7[%get3A_1806, %get3A_1807] {strides = array<i32>} : memref<100x32xf32, #tpu.memory_space<vmem>>, vector<1x16xf32>,
      %get3A_1809 = vector.shape_cast %get3A_1808 : vector<1x16xf32> to vector<16xf32>
      %add3A_1810 = arith.addf %add3A_1804, %get3A_1809 : vector<16xf32>
      %get3A_1811 = arith.constant 37 : i32
      %get3A_1812 = arith.index_cast %get3A_1811 : i32 to index
      %get3A_1813 = arith.constant 16 : index
      %get3A_1814 = tpu.vector_load %arg7[%get3A_1812, %get3A_1813] {strides = array<i32>} : memref<100x32xf32, #tpu.memory_space<vmem>>, vector<1x16xf32>,
      %get3A_1815 = vector.shape_cast %get3A_1814 : vector<1x16xf32> to vector<16xf32>
      %add3A_1816 = arith.addf %add3A_1810, %get3A_1815 : vector<16xf32>
      %get3A_1817 = arith.constant 38 : i32
      %get3A_1818 = arith.index_cast %get3A_1817 : i32 to index
      %get3A_1819 = arith.constant 16 : index
      %get3A_1820 = tpu.vector_load %arg7[%get3A_1818, %get3A_1819] {strides = array<i32>} : memref<100x32xf32, #tpu.memory_space<vmem>>, vector<1x16xf32>,
      %get3A_1821 = vector.shape_cast %get3A_1820 : vector<1x16xf32> to vector<16xf32>
      %add3A_1822 = arith.addf %add3A_1816, %get3A_1821 : vector<16xf32>
      %get3A_1823 = arith.constant 39 : i32
      %get3A_1824 = arith.index_cast %get3A_1823 : i32 to index
      %get3A_1825 = arith.constant 16 : index
      %get3A_1826 = tpu.vector_load %arg7[%get3A_1824, %get3A_1825] {strides = array<i32>} : memref<100x32xf32, #tpu.memory_space<vmem>>, vector<1x16xf32>,
      %get3A_1827 = vector.shape_cast %get3A_1826 : vector<1x16xf32> to vector<16xf32>
      %add3A_1828 = arith.addf %add3A_1822, %get3A_1827 : vector<16xf32>
      %get3A_1829 = arith.constant 40 : i32
      %get3A_1830 = arith.index_cast %get3A_1829 : i32 to index
      %get3A_1831 = arith.constant 16 : index
      %get3A_1832 = tpu.vector_load %arg7[%get3A_1830, %get3A_1831] {strides = array<i32>} : memref<100x32xf32, #tpu.memory_space<vmem>>, vector<1x16xf32>,
      %get3A_1833 = vector.shape_cast %get3A_1832 : vector<1x16xf32> to vector<16xf32>
      %add3A_1834 = arith.addf %add3A_1828, %get3A_1833 : vector<16xf32>
      %get3A_1835 = arith.constant 41 : i32
      %get3A_1836 = arith.index_cast %get3A_1835 : i32 to index
      %get3A_1837 = arith.constant 16 : index
      %get3A_1838 = tpu.vector_load %arg7[%get3A_1836, %get3A_1837] {strides = array<i32>} : memref<100x32xf32, #tpu.memory_space<vmem>>, vector<1x16xf32>,
      %get3A_1839 = vector.shape_cast %get3A_1838 : vector<1x16xf32> to vector<16xf32>
      %add3A_1840 = arith.addf %add3A_1834, %get3A_1839 : vector<16xf32>
      %get3A_1841 = arith.constant 42 : i32
      %get3A_1842 = arith.index_cast %get3A_1841 : i32 to index
      %get3A_1843 = arith.constant 16 : index
      %get3A_1844 = tpu.vector_load %arg7[%get3A_1842, %get3A_1843] {strides = array<i32>} : memref<100x32xf32, #tpu.memory_space<vmem>>, vector<1x16xf32>,
      %get3A_1845 = vector.shape_cast %get3A_1844 : vector<1x16xf32> to vector<16xf32>
      %add3A_1846 = arith.addf %add3A_1840, %get3A_1845 : vector<16xf32>
      %get3A_1847 = arith.constant 43 : i32
      %get3A_1848 = arith.index_cast %get3A_1847 : i32 to index
      %get3A_1849 = arith.constant 16 : index
      %get3A_1850 = tpu.vector_load %arg7[%get3A_1848, %get3A_1849] {strides = array<i32>} : memref<100x32xf32, #tpu.memory_space<vmem>>, vector<1x16xf32>,
      %get3A_1851 = vector.shape_cast %get3A_1850 : vector<1x16xf32> to vector<16xf32>
      %add3A_1852 = arith.addf %add3A_1846, %get3A_1851 : vector<16xf32>
      %get3A_1853 = arith.constant 44 : i32
      %get3A_1854 = arith.index_cast %get3A_1853 : i32 to index
      %get3A_1855 = arith.constant 16 : index
      %get3A_1856 = tpu.vector_load %arg7[%get3A_1854, %get3A_1855] {strides = array<i32>} : memref<100x32xf32, #tpu.memory_space<vmem>>, vector<1x16xf32>,
      %get3A_1857 = vector.shape_cast %get3A_1856 : vector<1x16xf32> to vector<16xf32>
      %add3A_1858 = arith.addf %add3A_1852, %get3A_1857 : vector<16xf32>
      %get3A_1859 = arith.constant 45 : i32
      %get3A_1860 = arith.index_cast %get3A_1859 : i32 to index
      %get3A_1861 = arith.constant 16 : index
      %get3A_1862 = tpu.vector_load %arg7[%get3A_1860, %get3A_1861] {strides = array<i32>} : memref<100x32xf32, #tpu.memory_space<vmem>>, vector<1x16xf32>,
      %get3A_1863 = vector.shape_cast %get3A_1862 : vector<1x16xf32> to vector<16xf32>
      %add3A_1864 = arith.addf %add3A_1858, %get3A_1863 : vector<16xf32>
      %get3A_1865 = arith.constant 46 : i32
      %get3A_1866 = arith.index_cast %get3A_1865 : i32 to index
      %get3A_1867 = arith.constant 16 : index
      %get3A_1868 = tpu.vector_load %arg7[%get3A_1866, %get3A_1867] {strides = array<i32>} : memref<100x32xf32, #tpu.memory_space<vmem>>, vector<1x16xf32>,
      %get3A_1869 = vector.shape_cast %get3A_1868 : vector<1x16xf32> to vector<16xf32>
      %add3A_1870 = arith.addf %add3A_1864, %get3A_1869 : vector<16xf32>
      %get3A_1871 = arith.constant 47 : i32
      %get3A_1872 = arith.index_cast %get3A_1871 : i32 to index
      %get3A_1873 = arith.constant 16 : index
      %get3A_1874 = tpu.vector_load %arg7[%get3A_1872, %get3A_1873] {strides = array<i32>} : memref<100x32xf32, #tpu.memory_space<vmem>>, vector<1x16xf32>,
      %get3A_1875 = vector.shape_cast %get3A_1874 : vector<1x16xf32> to vector<16xf32>
      %add3A_1876 = arith.addf %add3A_1870, %get3A_1875 : vector<16xf32>
      %get3A_1877 = arith.constant 48 : i32
      %get3A_1878 = arith.index_cast %get3A_1877 : i32 to index
      %get3A_1879 = arith.constant 16 : index
      %get3A_1880 = tpu.vector_load %arg7[%get3A_1878, %get3A_1879] {strides = array<i32>} : memref<100x32xf32, #tpu.memory_space<vmem>>, vector<1x16xf32>,
      %get3A_1881 = vector.shape_cast %get3A_1880 : vector<1x16xf32> to vector<16xf32>
      %add3A_1882 = arith.addf %add3A_1876, %get3A_1881 : vector<16xf32>
      %get3A_1883 = arith.constant 49 : i32
      %get3A_1884 = arith.index_cast %get3A_1883 : i32 to index
      %get3A_1885 = arith.constant 16 : index
      %get3A_1886 = tpu.vector_load %arg7[%get3A_1884, %get3A_1885] {strides = array<i32>} : memref<100x32xf32, #tpu.memory_space<vmem>>, vector<1x16xf32>,
      %get3A_1887 = vector.shape_cast %get3A_1886 : vector<1x16xf32> to vector<16xf32>
      %add3A_1888 = arith.addf %add3A_1882, %get3A_1887 : vector<16xf32>
      %mul3A_1889 = arith.constant 2.000000e-02 : f32
      %mul3A_1890 = vector.broadcast %mul3A_1889 : f32 to vector<16xf32>
      %mul3A_1891 = arith.mulf %add3A_1888, %mul3A_1890 : vector<16xf32>
      %swap3A_1892 = arith.index_cast %add3A_1282 : i32 to index
      %swap3A_1893 = arith.constant 16 : index
      %swap3A_1894 = tpu.vector_load %arg8[%swap3A_1892, %swap3A_1893] {strides = array<i32>} : memref<128x32xf32, #tpu.memory_space<vmem>>, vector<1x16xf32>,
      %swap3A_1895 = vector.shape_cast %swap3A_1894 : vector<1x16xf32> to vector<16xf32>
      %swap3A_1896 = vector.shape_cast %mul3A_1891 : vector<16xf32> to vector<1x16xf32>
      tpu.vector_store %arg8[%swap3A_1892, %swap3A_1893], %swap3A_1896 {strides = array<i32>} : memref<128x32xf32, #tpu.memory_space<vmem>>, vector<1x16xf32>,
      %mul3A_1897 = arith.constant 2 : i32
      %mul3A_1898 = arith.muli %add3A_1278, %mul3A_1897 : i32
      %add3A_1899 = arith.constant 1 : i32
      %add3A_1900 = arith.addi %mul3A_1898, %add3A_1899 : i32
      %get3A_1901 = arith.constant 50 : i32
      %get3A_1902 = arith.index_cast %get3A_1901 : i32 to index
      %get3A_1903 = arith.constant 0 : index
      %get3A_1904 = tpu.vector_load %arg7[%get3A_1902, %get3A_1903] {strides = array<i32>} : memref<100x32xf32, #tpu.memory_space<vmem>>, vector<1x16xf32>,
      %get3A_1905 = vector.shape_cast %get3A_1904 : vector<1x16xf32> to vector<16xf32>
      %get3A_1906 = arith.constant 51 : i32
      %get3A_1907 = arith.index_cast %get3A_1906 : i32 to index
      %get3A_1908 = arith.constant 0 : index
      %get3A_1909 = tpu.vector_load %arg7[%get3A_1907, %get3A_1908] {strides = array<i32>} : memref<100x32xf32, #tpu.memory_space<vmem>>, vector<1x16xf32>,
      %get3A_1910 = vector.shape_cast %get3A_1909 : vector<1x16xf32> to vector<16xf32>
      %add3A_1911 = arith.addf %get3A_1905, %get3A_1910 : vector<16xf32>
      %get3A_1912 = arith.constant 52 : i32
      %get3A_1913 = arith.index_cast %get3A_1912 : i32 to index
      %get3A_1914 = arith.constant 0 : index
      %get3A_1915 = tpu.vector_load %arg7[%get3A_1913, %get3A_1914] {strides = array<i32>} : memref<100x32xf32, #tpu.memory_space<vmem>>, vector<1x16xf32>,
      %get3A_1916 = vector.shape_cast %get3A_1915 : vector<1x16xf32> to vector<16xf32>
      %add3A_1917 = arith.addf %add3A_1911, %get3A_1916 : vector<16xf32>
      %get3A_1918 = arith.constant 53 : i32
      %get3A_1919 = arith.index_cast %get3A_1918 : i32 to index
      %get3A_1920 = arith.constant 0 : index
      %get3A_1921 = tpu.vector_load %arg7[%get3A_1919, %get3A_1920] {strides = array<i32>} : memref<100x32xf32, #tpu.memory_space<vmem>>, vector<1x16xf32>,
      %get3A_1922 = vector.shape_cast %get3A_1921 : vector<1x16xf32> to vector<16xf32>
      %add3A_1923 = arith.addf %add3A_1917, %get3A_1922 : vector<16xf32>
      %get3A_1924 = arith.constant 54 : i32
      %get3A_1925 = arith.index_cast %get3A_1924 : i32 to index
      %get3A_1926 = arith.constant 0 : index
      %get3A_1927 = tpu.vector_load %arg7[%get3A_1925, %get3A_1926] {strides = array<i32>} : memref<100x32xf32, #tpu.memory_space<vmem>>, vector<1x16xf32>,
      %get3A_1928 = vector.shape_cast %get3A_1927 : vector<1x16xf32> to vector<16xf32>
      %add3A_1929 = arith.addf %add3A_1923, %get3A_1928 : vector<16xf32>
      %get3A_1930 = arith.constant 55 : i32
      %get3A_1931 = arith.index_cast %get3A_1930 : i32 to index
      %get3A_1932 = arith.constant 0 : index
      %get3A_1933 = tpu.vector_load %arg7[%get3A_1931, %get3A_1932] {strides = array<i32>} : memref<100x32xf32, #tpu.memory_space<vmem>>, vector<1x16xf32>,
      %get3A_1934 = vector.shape_cast %get3A_1933 : vector<1x16xf32> to vector<16xf32>
      %add3A_1935 = arith.addf %add3A_1929, %get3A_1934 : vector<16xf32>
      %get3A_1936 = arith.constant 56 : i32
      %get3A_1937 = arith.index_cast %get3A_1936 : i32 to index
      %get3A_1938 = arith.constant 0 : index
      %get3A_1939 = tpu.vector_load %arg7[%get3A_1937, %get3A_1938] {strides = array<i32>} : memref<100x32xf32, #tpu.memory_space<vmem>>, vector<1x16xf32>,
      %get3A_1940 = vector.shape_cast %get3A_1939 : vector<1x16xf32> to vector<16xf32>
      %add3A_1941 = arith.addf %add3A_1935, %get3A_1940 : vector<16xf32>
      %get3A_1942 = arith.constant 57 : i32
      %get3A_1943 = arith.index_cast %get3A_1942 : i32 to index
      %get3A_1944 = arith.constant 0 : index
      %get3A_1945 = tpu.vector_load %arg7[%get3A_1943, %get3A_1944] {strides = array<i32>} : memref<100x32xf32, #tpu.memory_space<vmem>>, vector<1x16xf32>,
      %get3A_1946 = vector.shape_cast %get3A_1945 : vector<1x16xf32> to vector<16xf32>
      %add3A_1947 = arith.addf %add3A_1941, %get3A_1946 : vector<16xf32>
      %get3A_1948 = arith.constant 58 : i32
      %get3A_1949 = arith.index_cast %get3A_1948 : i32 to index
      %get3A_1950 = arith.constant 0 : index
      %get3A_1951 = tpu.vector_load %arg7[%get3A_1949, %get3A_1950] {strides = array<i32>} : memref<100x32xf32, #tpu.memory_space<vmem>>, vector<1x16xf32>,
      %get3A_1952 = vector.shape_cast %get3A_1951 : vector<1x16xf32> to vector<16xf32>
      %add3A_1953 = arith.addf %add3A_1947, %get3A_1952 : vector<16xf32>
      %get3A_1954 = arith.constant 59 : i32
      %get3A_1955 = arith.index_cast %get3A_1954 : i32 to index
      %get3A_1956 = arith.constant 0 : index
      %get3A_1957 = tpu.vector_load %arg7[%get3A_1955, %get3A_1956] {strides = array<i32>} : memref<100x32xf32, #tpu.memory_space<vmem>>, vector<1x16xf32>,
      %get3A_1958 = vector.shape_cast %get3A_1957 : vector<1x16xf32> to vector<16xf32>
      %add3A_1959 = arith.addf %add3A_1953, %get3A_1958 : vector<16xf32>
      %get3A_1960 = arith.constant 60 : i32
      %get3A_1961 = arith.index_cast %get3A_1960 : i32 to index
      %get3A_1962 = arith.constant 0 : index
      %get3A_1963 = tpu.vector_load %arg7[%get3A_1961, %get3A_1962] {strides = array<i32>} : memref<100x32xf32, #tpu.memory_space<vmem>>, vector<1x16xf32>,
      %get3A_1964 = vector.shape_cast %get3A_1963 : vector<1x16xf32> to vector<16xf32>
      %add3A_1965 = arith.addf %add3A_1959, %get3A_1964 : vector<16xf32>
      %get3A_1966 = arith.constant 61 : i32
      %get3A_1967 = arith.index_cast %get3A_1966 : i32 to index
      %get3A_1968 = arith.constant 0 : index
      %get3A_1969 = tpu.vector_load %arg7[%get3A_1967, %get3A_1968] {strides = array<i32>} : memref<100x32xf32, #tpu.memory_space<vmem>>, vector<1x16xf32>,
      %get3A_1970 = vector.shape_cast %get3A_1969 : vector<1x16xf32> to vector<16xf32>
      %add3A_1971 = arith.addf %add3A_1965, %get3A_1970 : vector<16xf32>
      %get3A_1972 = arith.constant 62 : i32
      %get3A_1973 = arith.index_cast %get3A_1972 : i32 to index
      %get3A_1974 = arith.constant 0 : index
      %get3A_1975 = tpu.vector_load %arg7[%get3A_1973, %get3A_1974] {strides = array<i32>} : memref<100x32xf32, #tpu.memory_space<vmem>>, vector<1x16xf32>,
      %get3A_1976 = vector.shape_cast %get3A_1975 : vector<1x16xf32> to vector<16xf32>
      %add3A_1977 = arith.addf %add3A_1971, %get3A_1976 : vector<16xf32>
      %get3A_1978 = arith.constant 63 : i32
      %get3A_1979 = arith.index_cast %get3A_1978 : i32 to index
      %get3A_1980 = arith.constant 0 : index
      %get3A_1981 = tpu.vector_load %arg7[%get3A_1979, %get3A_1980] {strides = array<i32>} : memref<100x32xf32, #tpu.memory_space<vmem>>, vector<1x16xf32>,
      %get3A_1982 = vector.shape_cast %get3A_1981 : vector<1x16xf32> to vector<16xf32>
      %add3A_1983 = arith.addf %add3A_1977, %get3A_1982 : vector<16xf32>
      %get3A_1984 = arith.constant 64 : i32
      %get3A_1985 = arith.index_cast %get3A_1984 : i32 to index
      %get3A_1986 = arith.constant 0 : index
      %get3A_1987 = tpu.vector_load %arg7[%get3A_1985, %get3A_1986] {strides = array<i32>} : memref<100x32xf32, #tpu.memory_space<vmem>>, vector<1x16xf32>,
      %get3A_1988 = vector.shape_cast %get3A_1987 : vector<1x16xf32> to vector<16xf32>
      %add3A_1989 = arith.addf %add3A_1983, %get3A_1988 : vector<16xf32>
      %get3A_1990 = arith.constant 65 : i32
      %get3A_1991 = arith.index_cast %get3A_1990 : i32 to index
      %get3A_1992 = arith.constant 0 : index
      %get3A_1993 = tpu.vector_load %arg7[%get3A_1991, %get3A_1992] {strides = array<i32>} : memref<100x32xf32, #tpu.memory_space<vmem>>, vector<1x16xf32>,
      %get3A_1994 = vector.shape_cast %get3A_1993 : vector<1x16xf32> to vector<16xf32>
      %add3A_1995 = arith.addf %add3A_1989, %get3A_1994 : vector<16xf32>
      %get3A_1996 = arith.constant 66 : i32
      %get3A_1997 = arith.index_cast %get3A_1996 : i32 to index
      %get3A_1998 = arith.constant 0 : index
      %get3A_1999 = tpu.vector_load %arg7[%get3A_1997, %get3A_1998] {strides = array<i32>} : memref<100x32xf32, #tpu.memory_space<vmem>>, vector<1x16xf32>,
      %get3A_2000 = vector.shape_cast %get3A_1999 : vector<1x16xf32> to vector<16xf32>
      %add3A_2001 = arith.addf %add3A_1995, %get3A_2000 : vector<16xf32>
      %get3A_2002 = arith.constant 67 : i32
      %get3A_2003 = arith.index_cast %get3A_2002 : i32 to index
      %get3A_2004 = arith.constant 0 : index
      %get3A_2005 = tpu.vector_load %arg7[%get3A_2003, %get3A_2004] {strides = array<i32>} : memref<100x32xf32, #tpu.memory_space<vmem>>, vector<1x16xf32>,
      %get3A_2006 = vector.shape_cast %get3A_2005 : vector<1x16xf32> to vector<16xf32>
      %add3A_2007 = arith.addf %add3A_2001, %get3A_2006 : vector<16xf32>
      %get3A_2008 = arith.constant 68 : i32
      %get3A_2009 = arith.index_cast %get3A_2008 : i32 to index
      %get3A_2010 = arith.constant 0 : index
      %get3A_2011 = tpu.vector_load %arg7[%get3A_2009, %get3A_2010] {strides = array<i32>} : memref<100x32xf32, #tpu.memory_space<vmem>>, vector<1x16xf32>,
      %get3A_2012 = vector.shape_cast %get3A_2011 : vector<1x16xf32> to vector<16xf32>
      %add3A_2013 = arith.addf %add3A_2007, %get3A_2012 : vector<16xf32>
      %get3A_2014 = arith.constant 69 : i32
      %get3A_2015 = arith.index_cast %get3A_2014 : i32 to index
      %get3A_2016 = arith.constant 0 : index
      %get3A_2017 = tpu.vector_load %arg7[%get3A_2015, %get3A_2016] {strides = array<i32>} : memref<100x32xf32, #tpu.memory_space<vmem>>, vector<1x16xf32>,
      %get3A_2018 = vector.shape_cast %get3A_2017 : vector<1x16xf32> to vector<16xf32>
      %add3A_2019 = arith.addf %add3A_2013, %get3A_2018 : vector<16xf32>
      %get3A_2020 = arith.constant 70 : i32
      %get3A_2021 = arith.index_cast %get3A_2020 : i32 to index
      %get3A_2022 = arith.constant 0 : index
      %get3A_2023 = tpu.vector_load %arg7[%get3A_2021, %get3A_2022] {strides = array<i32>} : memref<100x32xf32, #tpu.memory_space<vmem>>, vector<1x16xf32>,
      %get3A_2024 = vector.shape_cast %get3A_2023 : vector<1x16xf32> to vector<16xf32>
      %add3A_2025 = arith.addf %add3A_2019, %get3A_2024 : vector<16xf32>
      %get3A_2026 = arith.constant 71 : i32
      %get3A_2027 = arith.index_cast %get3A_2026 : i32 to index
      %get3A_2028 = arith.constant 0 : index
      %get3A_2029 = tpu.vector_load %arg7[%get3A_2027, %get3A_2028] {strides = array<i32>} : memref<100x32xf32, #tpu.memory_space<vmem>>, vector<1x16xf32>,
      %get3A_2030 = vector.shape_cast %get3A_2029 : vector<1x16xf32> to vector<16xf32>
      %add3A_2031 = arith.addf %add3A_2025, %get3A_2030 : vector<16xf32>
      %get3A_2032 = arith.constant 72 : i32
      %get3A_2033 = arith.index_cast %get3A_2032 : i32 to index
      %get3A_2034 = arith.constant 0 : index
      %get3A_2035 = tpu.vector_load %arg7[%get3A_2033, %get3A_2034] {strides = array<i32>} : memref<100x32xf32, #tpu.memory_space<vmem>>, vector<1x16xf32>,
      %get3A_2036 = vector.shape_cast %get3A_2035 : vector<1x16xf32> to vector<16xf32>
      %add3A_2037 = arith.addf %add3A_2031, %get3A_2036 : vector<16xf32>
      %get3A_2038 = arith.constant 73 : i32
      %get3A_2039 = arith.index_cast %get3A_2038 : i32 to index
      %get3A_2040 = arith.constant 0 : index
      %get3A_2041 = tpu.vector_load %arg7[%get3A_2039, %get3A_2040] {strides = array<i32>} : memref<100x32xf32, #tpu.memory_space<vmem>>, vector<1x16xf32>,
      %get3A_2042 = vector.shape_cast %get3A_2041 : vector<1x16xf32> to vector<16xf32>
      %add3A_2043 = arith.addf %add3A_2037, %get3A_2042 : vector<16xf32>
      %get3A_2044 = arith.constant 74 : i32
      %get3A_2045 = arith.index_cast %get3A_2044 : i32 to index
      %get3A_2046 = arith.constant 0 : index
      %get3A_2047 = tpu.vector_load %arg7[%get3A_2045, %get3A_2046] {strides = array<i32>} : memref<100x32xf32, #tpu.memory_space<vmem>>, vector<1x16xf32>,
      %get3A_2048 = vector.shape_cast %get3A_2047 : vector<1x16xf32> to vector<16xf32>
      %add3A_2049 = arith.addf %add3A_2043, %get3A_2048 : vector<16xf32>
      %get3A_2050 = arith.constant 75 : i32
      %get3A_2051 = arith.index_cast %get3A_2050 : i32 to index
      %get3A_2052 = arith.constant 0 : index
      %get3A_2053 = tpu.vector_load %arg7[%get3A_2051, %get3A_2052] {strides = array<i32>} : memref<100x32xf32, #tpu.memory_space<vmem>>, vector<1x16xf32>,
      %get3A_2054 = vector.shape_cast %get3A_2053 : vector<1x16xf32> to vector<16xf32>
      %add3A_2055 = arith.addf %add3A_2049, %get3A_2054 : vector<16xf32>
      %get3A_2056 = arith.constant 76 : i32
      %get3A_2057 = arith.index_cast %get3A_2056 : i32 to index
      %get3A_2058 = arith.constant 0 : index
      %get3A_2059 = tpu.vector_load %arg7[%get3A_2057, %get3A_2058] {strides = array<i32>} : memref<100x32xf32, #tpu.memory_space<vmem>>, vector<1x16xf32>,
      %get3A_2060 = vector.shape_cast %get3A_2059 : vector<1x16xf32> to vector<16xf32>
      %add3A_2061 = arith.addf %add3A_2055, %get3A_2060 : vector<16xf32>
      %get3A_2062 = arith.constant 77 : i32
      %get3A_2063 = arith.index_cast %get3A_2062 : i32 to index
      %get3A_2064 = arith.constant 0 : index
      %get3A_2065 = tpu.vector_load %arg7[%get3A_2063, %get3A_2064] {strides = array<i32>} : memref<100x32xf32, #tpu.memory_space<vmem>>, vector<1x16xf32>,
      %get3A_2066 = vector.shape_cast %get3A_2065 : vector<1x16xf32> to vector<16xf32>
      %add3A_2067 = arith.addf %add3A_2061, %get3A_2066 : vector<16xf32>
      %get3A_2068 = arith.constant 78 : i32
      %get3A_2069 = arith.index_cast %get3A_2068 : i32 to index
      %get3A_2070 = arith.constant 0 : index
      %get3A_2071 = tpu.vector_load %arg7[%get3A_2069, %get3A_2070] {strides = array<i32>} : memref<100x32xf32, #tpu.memory_space<vmem>>, vector<1x16xf32>,
      %get3A_2072 = vector.shape_cast %get3A_2071 : vector<1x16xf32> to vector<16xf32>
      %add3A_2073 = arith.addf %add3A_2067, %get3A_2072 : vector<16xf32>
      %get3A_2074 = arith.constant 79 : i32
      %get3A_2075 = arith.index_cast %get3A_2074 : i32 to index
      %get3A_2076 = arith.constant 0 : index
      %get3A_2077 = tpu.vector_load %arg7[%get3A_2075, %get3A_2076] {strides = array<i32>} : memref<100x32xf32, #tpu.memory_space<vmem>>, vector<1x16xf32>,
      %get3A_2078 = vector.shape_cast %get3A_2077 : vector<1x16xf32> to vector<16xf32>
      %add3A_2079 = arith.addf %add3A_2073, %get3A_2078 : vector<16xf32>
      %get3A_2080 = arith.constant 80 : i32
      %get3A_2081 = arith.index_cast %get3A_2080 : i32 to index
      %get3A_2082 = arith.constant 0 : index
      %get3A_2083 = tpu.vector_load %arg7[%get3A_2081, %get3A_2082] {strides = array<i32>} : memref<100x32xf32, #tpu.memory_space<vmem>>, vector<1x16xf32>,
      %get3A_2084 = vector.shape_cast %get3A_2083 : vector<1x16xf32> to vector<16xf32>
      %add3A_2085 = arith.addf %add3A_2079, %get3A_2084 : vector<16xf32>
      %get3A_2086 = arith.constant 81 : i32
      %get3A_2087 = arith.index_cast %get3A_2086 : i32 to index
      %get3A_2088 = arith.constant 0 : index
      %get3A_2089 = tpu.vector_load %arg7[%get3A_2087, %get3A_2088] {strides = array<i32>} : memref<100x32xf32, #tpu.memory_space<vmem>>, vector<1x16xf32>,
      %get3A_2090 = vector.shape_cast %get3A_2089 : vector<1x16xf32> to vector<16xf32>
      %add3A_2091 = arith.addf %add3A_2085, %get3A_2090 : vector<16xf32>
      %get3A_2092 = arith.constant 82 : i32
      %get3A_2093 = arith.index_cast %get3A_2092 : i32 to index
      %get3A_2094 = arith.constant 0 : index
      %get3A_2095 = tpu.vector_load %arg7[%get3A_2093, %get3A_2094] {strides = array<i32>} : memref<100x32xf32, #tpu.memory_space<vmem>>, vector<1x16xf32>,
      %get3A_2096 = vector.shape_cast %get3A_2095 : vector<1x16xf32> to vector<16xf32>
      %add3A_2097 = arith.addf %add3A_2091, %get3A_2096 : vector<16xf32>
      %get3A_2098 = arith.constant 83 : i32
      %get3A_2099 = arith.index_cast %get3A_2098 : i32 to index
      %get3A_2100 = arith.constant 0 : index
      %get3A_2101 = tpu.vector_load %arg7[%get3A_2099, %get3A_2100] {strides = array<i32>} : memref<100x32xf32, #tpu.memory_space<vmem>>, vector<1x16xf32>,
      %get3A_2102 = vector.shape_cast %get3A_2101 : vector<1x16xf32> to vector<16xf32>
      %add3A_2103 = arith.addf %add3A_2097, %get3A_2102 : vector<16xf32>
      %get3A_2104 = arith.constant 84 : i32
      %get3A_2105 = arith.index_cast %get3A_2104 : i32 to index
      %get3A_2106 = arith.constant 0 : index
      %get3A_2107 = tpu.vector_load %arg7[%get3A_2105, %get3A_2106] {strides = array<i32>} : memref<100x32xf32, #tpu.memory_space<vmem>>, vector<1x16xf32>,
      %get3A_2108 = vector.shape_cast %get3A_2107 : vector<1x16xf32> to vector<16xf32>
      %add3A_2109 = arith.addf %add3A_2103, %get3A_2108 : vector<16xf32>
      %get3A_2110 = arith.constant 85 : i32
      %get3A_2111 = arith.index_cast %get3A_2110 : i32 to index
      %get3A_2112 = arith.constant 0 : index
      %get3A_2113 = tpu.vector_load %arg7[%get3A_2111, %get3A_2112] {strides = array<i32>} : memref<100x32xf32, #tpu.memory_space<vmem>>, vector<1x16xf32>,
      %get3A_2114 = vector.shape_cast %get3A_2113 : vector<1x16xf32> to vector<16xf32>
      %add3A_2115 = arith.addf %add3A_2109, %get3A_2114 : vector<16xf32>
      %get3A_2116 = arith.constant 86 : i32
      %get3A_2117 = arith.index_cast %get3A_2116 : i32 to index
      %get3A_2118 = arith.constant 0 : index
      %get3A_2119 = tpu.vector_load %arg7[%get3A_2117, %get3A_2118] {strides = array<i32>} : memref<100x32xf32, #tpu.memory_space<vmem>>, vector<1x16xf32>,
      %get3A_2120 = vector.shape_cast %get3A_2119 : vector<1x16xf32> to vector<16xf32>
      %add3A_2121 = arith.addf %add3A_2115, %get3A_2120 : vector<16xf32>
      %get3A_2122 = arith.constant 87 : i32
      %get3A_2123 = arith.index_cast %get3A_2122 : i32 to index
      %get3A_2124 = arith.constant 0 : index
      %get3A_2125 = tpu.vector_load %arg7[%get3A_2123, %get3A_2124] {strides = array<i32>} : memref<100x32xf32, #tpu.memory_space<vmem>>, vector<1x16xf32>,
      %get3A_2126 = vector.shape_cast %get3A_2125 : vector<1x16xf32> to vector<16xf32>
      %add3A_2127 = arith.addf %add3A_2121, %get3A_2126 : vector<16xf32>
      %get3A_2128 = arith.constant 88 : i32
      %get3A_2129 = arith.index_cast %get3A_2128 : i32 to index
      %get3A_2130 = arith.constant 0 : index
      %get3A_2131 = tpu.vector_load %arg7[%get3A_2129, %get3A_2130] {strides = array<i32>} : memref<100x32xf32, #tpu.memory_space<vmem>>, vector<1x16xf32>,
      %get3A_2132 = vector.shape_cast %get3A_2131 : vector<1x16xf32> to vector<16xf32>
      %add3A_2133 = arith.addf %add3A_2127, %get3A_2132 : vector<16xf32>
      %get3A_2134 = arith.constant 89 : i32
      %get3A_2135 = arith.index_cast %get3A_2134 : i32 to index
      %get3A_2136 = arith.constant 0 : index
      %get3A_2137 = tpu.vector_load %arg7[%get3A_2135, %get3A_2136] {strides = array<i32>} : memref<100x32xf32, #tpu.memory_space<vmem>>, vector<1x16xf32>,
      %get3A_2138 = vector.shape_cast %get3A_2137 : vector<1x16xf32> to vector<16xf32>
      %add3A_2139 = arith.addf %add3A_2133, %get3A_2138 : vector<16xf32>
      %get3A_2140 = arith.constant 90 : i32
      %get3A_2141 = arith.index_cast %get3A_2140 : i32 to index
      %get3A_2142 = arith.constant 0 : index
      %get3A_2143 = tpu.vector_load %arg7[%get3A_2141, %get3A_2142] {strides = array<i32>} : memref<100x32xf32, #tpu.memory_space<vmem>>, vector<1x16xf32>,
      %get3A_2144 = vector.shape_cast %get3A_2143 : vector<1x16xf32> to vector<16xf32>
      %add3A_2145 = arith.addf %add3A_2139, %get3A_2144 : vector<16xf32>
      %get3A_2146 = arith.constant 91 : i32
      %get3A_2147 = arith.index_cast %get3A_2146 : i32 to index
      %get3A_2148 = arith.constant 0 : index
      %get3A_2149 = tpu.vector_load %arg7[%get3A_2147, %get3A_2148] {strides = array<i32>} : memref<100x32xf32, #tpu.memory_space<vmem>>, vector<1x16xf32>,
      %get3A_2150 = vector.shape_cast %get3A_2149 : vector<1x16xf32> to vector<16xf32>
      %add3A_2151 = arith.addf %add3A_2145, %get3A_2150 : vector<16xf32>
      %get3A_2152 = arith.constant 92 : i32
      %get3A_2153 = arith.index_cast %get3A_2152 : i32 to index
      %get3A_2154 = arith.constant 0 : index
      %get3A_2155 = tpu.vector_load %arg7[%get3A_2153, %get3A_2154] {strides = array<i32>} : memref<100x32xf32, #tpu.memory_space<vmem>>, vector<1x16xf32>,
      %get3A_2156 = vector.shape_cast %get3A_2155 : vector<1x16xf32> to vector<16xf32>
      %add3A_2157 = arith.addf %add3A_2151, %get3A_2156 : vector<16xf32>
      %get3A_2158 = arith.constant 93 : i32
      %get3A_2159 = arith.index_cast %get3A_2158 : i32 to index
      %get3A_2160 = arith.constant 0 : index
      %get3A_2161 = tpu.vector_load %arg7[%get3A_2159, %get3A_2160] {strides = array<i32>} : memref<100x32xf32, #tpu.memory_space<vmem>>, vector<1x16xf32>,
      %get3A_2162 = vector.shape_cast %get3A_2161 : vector<1x16xf32> to vector<16xf32>
      %add3A_2163 = arith.addf %add3A_2157, %get3A_2162 : vector<16xf32>
      %get3A_2164 = arith.constant 94 : i32
      %get3A_2165 = arith.index_cast %get3A_2164 : i32 to index
      %get3A_2166 = arith.constant 0 : index
      %get3A_2167 = tpu.vector_load %arg7[%get3A_2165, %get3A_2166] {strides = array<i32>} : memref<100x32xf32, #tpu.memory_space<vmem>>, vector<1x16xf32>,
      %get3A_2168 = vector.shape_cast %get3A_2167 : vector<1x16xf32> to vector<16xf32>
      %add3A_2169 = arith.addf %add3A_2163, %get3A_2168 : vector<16xf32>
      %get3A_2170 = arith.constant 95 : i32
      %get3A_2171 = arith.index_cast %get3A_2170 : i32 to index
      %get3A_2172 = arith.constant 0 : index
      %get3A_2173 = tpu.vector_load %arg7[%get3A_2171, %get3A_2172] {strides = array<i32>} : memref<100x32xf32, #tpu.memory_space<vmem>>, vector<1x16xf32>,
      %get3A_2174 = vector.shape_cast %get3A_2173 : vector<1x16xf32> to vector<16xf32>
      %add3A_2175 = arith.addf %add3A_2169, %get3A_2174 : vector<16xf32>
      %get3A_2176 = arith.constant 96 : i32
      %get3A_2177 = arith.index_cast %get3A_2176 : i32 to index
      %get3A_2178 = arith.constant 0 : index
      %get3A_2179 = tpu.vector_load %arg7[%get3A_2177, %get3A_2178] {strides = array<i32>} : memref<100x32xf32, #tpu.memory_space<vmem>>, vector<1x16xf32>,
      %get3A_2180 = vector.shape_cast %get3A_2179 : vector<1x16xf32> to vector<16xf32>
      %add3A_2181 = arith.addf %add3A_2175, %get3A_2180 : vector<16xf32>
      %get3A_2182 = arith.constant 97 : i32
      %get3A_2183 = arith.index_cast %get3A_2182 : i32 to index
      %get3A_2184 = arith.constant 0 : index
      %get3A_2185 = tpu.vector_load %arg7[%get3A_2183, %get3A_2184] {strides = array<i32>} : memref<100x32xf32, #tpu.memory_space<vmem>>, vector<1x16xf32>,
      %get3A_2186 = vector.shape_cast %get3A_2185 : vector<1x16xf32> to vector<16xf32>
      %add3A_2187 = arith.addf %add3A_2181, %get3A_2186 : vector<16xf32>
      %get3A_2188 = arith.constant 98 : i32
      %get3A_2189 = arith.index_cast %get3A_2188 : i32 to index
      %get3A_2190 = arith.constant 0 : index
      %get3A_2191 = tpu.vector_load %arg7[%get3A_2189, %get3A_2190] {strides = array<i32>} : memref<100x32xf32, #tpu.memory_space<vmem>>, vector<1x16xf32>,
      %get3A_2192 = vector.shape_cast %get3A_2191 : vector<1x16xf32> to vector<16xf32>
      %add3A_2193 = arith.addf %add3A_2187, %get3A_2192 : vector<16xf32>
      %get3A_2194 = arith.constant 99 : i32
      %get3A_2195 = arith.index_cast %get3A_2194 : i32 to index
      %get3A_2196 = arith.constant 0 : index
      %get3A_2197 = tpu.vector_load %arg7[%get3A_2195, %get3A_2196] {strides = array<i32>} : memref<100x32xf32, #tpu.memory_space<vmem>>, vector<1x16xf32>,
      %get3A_2198 = vector.shape_cast %get3A_2197 : vector<1x16xf32> to vector<16xf32>
      %add3A_2199 = arith.addf %add3A_2193, %get3A_2198 : vector<16xf32>
      %mul3A_2200 = arith.constant 2.000000e-02 : f32
      %mul3A_2201 = vector.broadcast %mul3A_2200 : f32 to vector<16xf32>
      %mul3A_2202 = arith.mulf %add3A_2199, %mul3A_2201 : vector<16xf32>
      %swap3A_2203 = arith.index_cast %add3A_1900 : i32 to index
      %swap3A_2204 = arith.constant 0 : index
      %swap3A_2205 = tpu.vector_load %arg8[%swap3A_2203, %swap3A_2204] {strides = array<i32>} : memref<128x32xf32, #tpu.memory_space<vmem>>, vector<1x16xf32>,
      %swap3A_2206 = vector.shape_cast %swap3A_2205 : vector<1x16xf32> to vector<16xf32>
      %swap3A_2207 = vector.shape_cast %mul3A_2202 : vector<16xf32> to vector<1x16xf32>
      tpu.vector_store %arg8[%swap3A_2203, %swap3A_2204], %swap3A_2207 {strides = array<i32>} : memref<128x32xf32, #tpu.memory_space<vmem>>, vector<1x16xf32>,
      %get3A_2208 = arith.constant 50 : i32
      %get3A_2209 = arith.index_cast %get3A_2208 : i32 to index
      %get3A_2210 = arith.constant 16 : index
      %get3A_2211 = tpu.vector_load %arg7[%get3A_2209, %get3A_2210] {strides = array<i32>} : memref<100x32xf32, #tpu.memory_space<vmem>>, vector<1x16xf32>,
      %get3A_2212 = vector.shape_cast %get3A_2211 : vector<1x16xf32> to vector<16xf32>
      %get3A_2213 = arith.constant 51 : i32
      %get3A_2214 = arith.index_cast %get3A_2213 : i32 to index
      %get3A_2215 = arith.constant 16 : index
      %get3A_2216 = tpu.vector_load %arg7[%get3A_2214, %get3A_2215] {strides = array<i32>} : memref<100x32xf32, #tpu.memory_space<vmem>>, vector<1x16xf32>,
      %get3A_2217 = vector.shape_cast %get3A_2216 : vector<1x16xf32> to vector<16xf32>
      %add3A_2218 = arith.addf %get3A_2212, %get3A_2217 : vector<16xf32>
      %get3A_2219 = arith.constant 52 : i32
      %get3A_2220 = arith.index_cast %get3A_2219 : i32 to index
      %get3A_2221 = arith.constant 16 : index
      %get3A_2222 = tpu.vector_load %arg7[%get3A_2220, %get3A_2221] {strides = array<i32>} : memref<100x32xf32, #tpu.memory_space<vmem>>, vector<1x16xf32>,
      %get3A_2223 = vector.shape_cast %get3A_2222 : vector<1x16xf32> to vector<16xf32>
      %add3A_2224 = arith.addf %add3A_2218, %get3A_2223 : vector<16xf32>
      %get3A_2225 = arith.constant 53 : i32
      %get3A_2226 = arith.index_cast %get3A_2225 : i32 to index
      %get3A_2227 = arith.constant 16 : index
      %get3A_2228 = tpu.vector_load %arg7[%get3A_2226, %get3A_2227] {strides = array<i32>} : memref<100x32xf32, #tpu.memory_space<vmem>>, vector<1x16xf32>,
      %get3A_2229 = vector.shape_cast %get3A_2228 : vector<1x16xf32> to vector<16xf32>
      %add3A_2230 = arith.addf %add3A_2224, %get3A_2229 : vector<16xf32>
      %get3A_2231 = arith.constant 54 : i32
      %get3A_2232 = arith.index_cast %get3A_2231 : i32 to index
      %get3A_2233 = arith.constant 16 : index
      %get3A_2234 = tpu.vector_load %arg7[%get3A_2232, %get3A_2233] {strides = array<i32>} : memref<100x32xf32, #tpu.memory_space<vmem>>, vector<1x16xf32>,
      %get3A_2235 = vector.shape_cast %get3A_2234 : vector<1x16xf32> to vector<16xf32>
      %add3A_2236 = arith.addf %add3A_2230, %get3A_2235 : vector<16xf32>
      %get3A_2237 = arith.constant 55 : i32
      %get3A_2238 = arith.index_cast %get3A_2237 : i32 to index
      %get3A_2239 = arith.constant 16 : index
      %get3A_2240 = tpu.vector_load %arg7[%get3A_2238, %get3A_2239] {strides = array<i32>} : memref<100x32xf32, #tpu.memory_space<vmem>>, vector<1x16xf32>,
      %get3A_2241 = vector.shape_cast %get3A_2240 : vector<1x16xf32> to vector<16xf32>
      %add3A_2242 = arith.addf %add3A_2236, %get3A_2241 : vector<16xf32>
      %get3A_2243 = arith.constant 56 : i32
      %get3A_2244 = arith.index_cast %get3A_2243 : i32 to index
      %get3A_2245 = arith.constant 16 : index
      %get3A_2246 = tpu.vector_load %arg7[%get3A_2244, %get3A_2245] {strides = array<i32>} : memref<100x32xf32, #tpu.memory_space<vmem>>, vector<1x16xf32>,
      %get3A_2247 = vector.shape_cast %get3A_2246 : vector<1x16xf32> to vector<16xf32>
      %add3A_2248 = arith.addf %add3A_2242, %get3A_2247 : vector<16xf32>
      %get3A_2249 = arith.constant 57 : i32
      %get3A_2250 = arith.index_cast %get3A_2249 : i32 to index
      %get3A_2251 = arith.constant 16 : index
      %get3A_2252 = tpu.vector_load %arg7[%get3A_2250, %get3A_2251] {strides = array<i32>} : memref<100x32xf32, #tpu.memory_space<vmem>>, vector<1x16xf32>,
      %get3A_2253 = vector.shape_cast %get3A_2252 : vector<1x16xf32> to vector<16xf32>
      %add3A_2254 = arith.addf %add3A_2248, %get3A_2253 : vector<16xf32>
      %get3A_2255 = arith.constant 58 : i32
      %get3A_2256 = arith.index_cast %get3A_2255 : i32 to index
      %get3A_2257 = arith.constant 16 : index
      %get3A_2258 = tpu.vector_load %arg7[%get3A_2256, %get3A_2257] {strides = array<i32>} : memref<100x32xf32, #tpu.memory_space<vmem>>, vector<1x16xf32>,
      %get3A_2259 = vector.shape_cast %get3A_2258 : vector<1x16xf32> to vector<16xf32>
      %add3A_2260 = arith.addf %add3A_2254, %get3A_2259 : vector<16xf32>
      %get3A_2261 = arith.constant 59 : i32
      %get3A_2262 = arith.index_cast %get3A_2261 : i32 to index
      %get3A_2263 = arith.constant 16 : index
      %get3A_2264 = tpu.vector_load %arg7[%get3A_2262, %get3A_2263] {strides = array<i32>} : memref<100x32xf32, #tpu.memory_space<vmem>>, vector<1x16xf32>,
      %get3A_2265 = vector.shape_cast %get3A_2264 : vector<1x16xf32> to vector<16xf32>
      %add3A_2266 = arith.addf %add3A_2260, %get3A_2265 : vector<16xf32>
      %get3A_2267 = arith.constant 60 : i32
      %get3A_2268 = arith.index_cast %get3A_2267 : i32 to index
      %get3A_2269 = arith.constant 16 : index
      %get3A_2270 = tpu.vector_load %arg7[%get3A_2268, %get3A_2269] {strides = array<i32>} : memref<100x32xf32, #tpu.memory_space<vmem>>, vector<1x16xf32>,
      %get3A_2271 = vector.shape_cast %get3A_2270 : vector<1x16xf32> to vector<16xf32>
      %add3A_2272 = arith.addf %add3A_2266, %get3A_2271 : vector<16xf32>
      %get3A_2273 = arith.constant 61 : i32
      %get3A_2274 = arith.index_cast %get3A_2273 : i32 to index
      %get3A_2275 = arith.constant 16 : index
      %get3A_2276 = tpu.vector_load %arg7[%get3A_2274, %get3A_2275] {strides = array<i32>} : memref<100x32xf32, #tpu.memory_space<vmem>>, vector<1x16xf32>,
      %get3A_2277 = vector.shape_cast %get3A_2276 : vector<1x16xf32> to vector<16xf32>
      %add3A_2278 = arith.addf %add3A_2272, %get3A_2277 : vector<16xf32>
      %get3A_2279 = arith.constant 62 : i32
      %get3A_2280 = arith.index_cast %get3A_2279 : i32 to index
      %get3A_2281 = arith.constant 16 : index
      %get3A_2282 = tpu.vector_load %arg7[%get3A_2280, %get3A_2281] {strides = array<i32>} : memref<100x32xf32, #tpu.memory_space<vmem>>, vector<1x16xf32>,
      %get3A_2283 = vector.shape_cast %get3A_2282 : vector<1x16xf32> to vector<16xf32>
      %add3A_2284 = arith.addf %add3A_2278, %get3A_2283 : vector<16xf32>
      %get3A_2285 = arith.constant 63 : i32
      %get3A_2286 = arith.index_cast %get3A_2285 : i32 to index
      %get3A_2287 = arith.constant 16 : index
      %get3A_2288 = tpu.vector_load %arg7[%get3A_2286, %get3A_2287] {strides = array<i32>} : memref<100x32xf32, #tpu.memory_space<vmem>>, vector<1x16xf32>,
      %get3A_2289 = vector.shape_cast %get3A_2288 : vector<1x16xf32> to vector<16xf32>
      %add3A_2290 = arith.addf %add3A_2284, %get3A_2289 : vector<16xf32>
      %get3A_2291 = arith.constant 64 : i32
      %get3A_2292 = arith.index_cast %get3A_2291 : i32 to index
      %get3A_2293 = arith.constant 16 : index
      %get3A_2294 = tpu.vector_load %arg7[%get3A_2292, %get3A_2293] {strides = array<i32>} : memref<100x32xf32, #tpu.memory_space<vmem>>, vector<1x16xf32>,
      %get3A_2295 = vector.shape_cast %get3A_2294 : vector<1x16xf32> to vector<16xf32>
      %add3A_2296 = arith.addf %add3A_2290, %get3A_2295 : vector<16xf32>
      %get3A_2297 = arith.constant 65 : i32
      %get3A_2298 = arith.index_cast %get3A_2297 : i32 to index
      %get3A_2299 = arith.constant 16 : index
      %get3A_2300 = tpu.vector_load %arg7[%get3A_2298, %get3A_2299] {strides = array<i32>} : memref<100x32xf32, #tpu.memory_space<vmem>>, vector<1x16xf32>,
      %get3A_2301 = vector.shape_cast %get3A_2300 : vector<1x16xf32> to vector<16xf32>
      %add3A_2302 = arith.addf %add3A_2296, %get3A_2301 : vector<16xf32>
      %get3A_2303 = arith.constant 66 : i32
      %get3A_2304 = arith.index_cast %get3A_2303 : i32 to index
      %get3A_2305 = arith.constant 16 : index
      %get3A_2306 = tpu.vector_load %arg7[%get3A_2304, %get3A_2305] {strides = array<i32>} : memref<100x32xf32, #tpu.memory_space<vmem>>, vector<1x16xf32>,
      %get3A_2307 = vector.shape_cast %get3A_2306 : vector<1x16xf32> to vector<16xf32>
      %add3A_2308 = arith.addf %add3A_2302, %get3A_2307 : vector<16xf32>
      %get3A_2309 = arith.constant 67 : i32
      %get3A_2310 = arith.index_cast %get3A_2309 : i32 to index
      %get3A_2311 = arith.constant 16 : index
      %get3A_2312 = tpu.vector_load %arg7[%get3A_2310, %get3A_2311] {strides = array<i32>} : memref<100x32xf32, #tpu.memory_space<vmem>>, vector<1x16xf32>,
      %get3A_2313 = vector.shape_cast %get3A_2312 : vector<1x16xf32> to vector<16xf32>
      %add3A_2314 = arith.addf %add3A_2308, %get3A_2313 : vector<16xf32>
      %get3A_2315 = arith.constant 68 : i32
      %get3A_2316 = arith.index_cast %get3A_2315 : i32 to index
      %get3A_2317 = arith.constant 16 : index
      %get3A_2318 = tpu.vector_load %arg7[%get3A_2316, %get3A_2317] {strides = array<i32>} : memref<100x32xf32, #tpu.memory_space<vmem>>, vector<1x16xf32>,
      %get3A_2319 = vector.shape_cast %get3A_2318 : vector<1x16xf32> to vector<16xf32>
      %add3A_2320 = arith.addf %add3A_2314, %get3A_2319 : vector<16xf32>
      %get3A_2321 = arith.constant 69 : i32
      %get3A_2322 = arith.index_cast %get3A_2321 : i32 to index
      %get3A_2323 = arith.constant 16 : index
      %get3A_2324 = tpu.vector_load %arg7[%get3A_2322, %get3A_2323] {strides = array<i32>} : memref<100x32xf32, #tpu.memory_space<vmem>>, vector<1x16xf32>,
      %get3A_2325 = vector.shape_cast %get3A_2324 : vector<1x16xf32> to vector<16xf32>
      %add3A_2326 = arith.addf %add3A_2320, %get3A_2325 : vector<16xf32>
      %get3A_2327 = arith.constant 70 : i32
      %get3A_2328 = arith.index_cast %get3A_2327 : i32 to index
      %get3A_2329 = arith.constant 16 : index
      %get3A_2330 = tpu.vector_load %arg7[%get3A_2328, %get3A_2329] {strides = array<i32>} : memref<100x32xf32, #tpu.memory_space<vmem>>, vector<1x16xf32>,
      %get3A_2331 = vector.shape_cast %get3A_2330 : vector<1x16xf32> to vector<16xf32>
      %add3A_2332 = arith.addf %add3A_2326, %get3A_2331 : vector<16xf32>
      %get3A_2333 = arith.constant 71 : i32
      %get3A_2334 = arith.index_cast %get3A_2333 : i32 to index
      %get3A_2335 = arith.constant 16 : index
      %get3A_2336 = tpu.vector_load %arg7[%get3A_2334, %get3A_2335] {strides = array<i32>} : memref<100x32xf32, #tpu.memory_space<vmem>>, vector<1x16xf32>,
      %get3A_2337 = vector.shape_cast %get3A_2336 : vector<1x16xf32> to vector<16xf32>
      %add3A_2338 = arith.addf %add3A_2332, %get3A_2337 : vector<16xf32>
      %get3A_2339 = arith.constant 72 : i32
      %get3A_2340 = arith.index_cast %get3A_2339 : i32 to index
      %get3A_2341 = arith.constant 16 : index
      %get3A_2342 = tpu.vector_load %arg7[%get3A_2340, %get3A_2341] {strides = array<i32>} : memref<100x32xf32, #tpu.memory_space<vmem>>, vector<1x16xf32>,
      %get3A_2343 = vector.shape_cast %get3A_2342 : vector<1x16xf32> to vector<16xf32>
      %add3A_2344 = arith.addf %add3A_2338, %get3A_2343 : vector<16xf32>
      %get3A_2345 = arith.constant 73 : i32
      %get3A_2346 = arith.index_cast %get3A_2345 : i32 to index
      %get3A_2347 = arith.constant 16 : index
      %get3A_2348 = tpu.vector_load %arg7[%get3A_2346, %get3A_2347] {strides = array<i32>} : memref<100x32xf32, #tpu.memory_space<vmem>>, vector<1x16xf32>,
      %get3A_2349 = vector.shape_cast %get3A_2348 : vector<1x16xf32> to vector<16xf32>
      %add3A_2350 = arith.addf %add3A_2344, %get3A_2349 : vector<16xf32>
      %get3A_2351 = arith.constant 74 : i32
      %get3A_2352 = arith.index_cast %get3A_2351 : i32 to index
      %get3A_2353 = arith.constant 16 : index
      %get3A_2354 = tpu.vector_load %arg7[%get3A_2352, %get3A_2353] {strides = array<i32>} : memref<100x32xf32, #tpu.memory_space<vmem>>, vector<1x16xf32>,
      %get3A_2355 = vector.shape_cast %get3A_2354 : vector<1x16xf32> to vector<16xf32>
      %add3A_2356 = arith.addf %add3A_2350, %get3A_2355 : vector<16xf32>
      %get3A_2357 = arith.constant 75 : i32
      %get3A_2358 = arith.index_cast %get3A_2357 : i32 to index
      %get3A_2359 = arith.constant 16 : index
      %get3A_2360 = tpu.vector_load %arg7[%get3A_2358, %get3A_2359] {strides = array<i32>} : memref<100x32xf32, #tpu.memory_space<vmem>>, vector<1x16xf32>,
      %get3A_2361 = vector.shape_cast %get3A_2360 : vector<1x16xf32> to vector<16xf32>
      %add3A_2362 = arith.addf %add3A_2356, %get3A_2361 : vector<16xf32>
      %get3A_2363 = arith.constant 76 : i32
      %get3A_2364 = arith.index_cast %get3A_2363 : i32 to index
      %get3A_2365 = arith.constant 16 : index
      %get3A_2366 = tpu.vector_load %arg7[%get3A_2364, %get3A_2365] {strides = array<i32>} : memref<100x32xf32, #tpu.memory_space<vmem>>, vector<1x16xf32>,
      %get3A_2367 = vector.shape_cast %get3A_2366 : vector<1x16xf32> to vector<16xf32>
      %add3A_2368 = arith.addf %add3A_2362, %get3A_2367 : vector<16xf32>
      %get3A_2369 = arith.constant 77 : i32
      %get3A_2370 = arith.index_cast %get3A_2369 : i32 to index
      %get3A_2371 = arith.constant 16 : index
      %get3A_2372 = tpu.vector_load %arg7[%get3A_2370, %get3A_2371] {strides = array<i32>} : memref<100x32xf32, #tpu.memory_space<vmem>>, vector<1x16xf32>,
      %get3A_2373 = vector.shape_cast %get3A_2372 : vector<1x16xf32> to vector<16xf32>
      %add3A_2374 = arith.addf %add3A_2368, %get3A_2373 : vector<16xf32>
      %get3A_2375 = arith.constant 78 : i32
      %get3A_2376 = arith.index_cast %get3A_2375 : i32 to index
      %get3A_2377 = arith.constant 16 : index
      %get3A_2378 = tpu.vector_load %arg7[%get3A_2376, %get3A_2377] {strides = array<i32>} : memref<100x32xf32, #tpu.memory_space<vmem>>, vector<1x16xf32>,
      %get3A_2379 = vector.shape_cast %get3A_2378 : vector<1x16xf32> to vector<16xf32>
      %add3A_2380 = arith.addf %add3A_2374, %get3A_2379 : vector<16xf32>
      %get3A_2381 = arith.constant 79 : i32
      %get3A_2382 = arith.index_cast %get3A_2381 : i32 to index
      %get3A_2383 = arith.constant 16 : index
      %get3A_2384 = tpu.vector_load %arg7[%get3A_2382, %get3A_2383] {strides = array<i32>} : memref<100x32xf32, #tpu.memory_space<vmem>>, vector<1x16xf32>,
      %get3A_2385 = vector.shape_cast %get3A_2384 : vector<1x16xf32> to vector<16xf32>
      %add3A_2386 = arith.addf %add3A_2380, %get3A_2385 : vector<16xf32>
      %get3A_2387 = arith.constant 80 : i32
      %get3A_2388 = arith.index_cast %get3A_2387 : i32 to index
      %get3A_2389 = arith.constant 16 : index
      %get3A_2390 = tpu.vector_load %arg7[%get3A_2388, %get3A_2389] {strides = array<i32>} : memref<100x32xf32, #tpu.memory_space<vmem>>, vector<1x16xf32>,
      %get3A_2391 = vector.shape_cast %get3A_2390 : vector<1x16xf32> to vector<16xf32>
      %add3A_2392 = arith.addf %add3A_2386, %get3A_2391 : vector<16xf32>
      %get3A_2393 = arith.constant 81 : i32
      %get3A_2394 = arith.index_cast %get3A_2393 : i32 to index
      %get3A_2395 = arith.constant 16 : index
      %get3A_2396 = tpu.vector_load %arg7[%get3A_2394, %get3A_2395] {strides = array<i32>} : memref<100x32xf32, #tpu.memory_space<vmem>>, vector<1x16xf32>,
      %get3A_2397 = vector.shape_cast %get3A_2396 : vector<1x16xf32> to vector<16xf32>
      %add3A_2398 = arith.addf %add3A_2392, %get3A_2397 : vector<16xf32>
      %get3A_2399 = arith.constant 82 : i32
      %get3A_2400 = arith.index_cast %get3A_2399 : i32 to index
      %get3A_2401 = arith.constant 16 : index
      %get3A_2402 = tpu.vector_load %arg7[%get3A_2400, %get3A_2401] {strides = array<i32>} : memref<100x32xf32, #tpu.memory_space<vmem>>, vector<1x16xf32>,
      %get3A_2403 = vector.shape_cast %get3A_2402 : vector<1x16xf32> to vector<16xf32>
      %add3A_2404 = arith.addf %add3A_2398, %get3A_2403 : vector<16xf32>
      %get3A_2405 = arith.constant 83 : i32
      %get3A_2406 = arith.index_cast %get3A_2405 : i32 to index
      %get3A_2407 = arith.constant 16 : index
      %get3A_2408 = tpu.vector_load %arg7[%get3A_2406, %get3A_2407] {strides = array<i32>} : memref<100x32xf32, #tpu.memory_space<vmem>>, vector<1x16xf32>,
      %get3A_2409 = vector.shape_cast %get3A_2408 : vector<1x16xf32> to vector<16xf32>
      %add3A_2410 = arith.addf %add3A_2404, %get3A_2409 : vector<16xf32>
      %get3A_2411 = arith.constant 84 : i32
      %get3A_2412 = arith.index_cast %get3A_2411 : i32 to index
      %get3A_2413 = arith.constant 16 : index
      %get3A_2414 = tpu.vector_load %arg7[%get3A_2412, %get3A_2413] {strides = array<i32>} : memref<100x32xf32, #tpu.memory_space<vmem>>, vector<1x16xf32>,
      %get3A_2415 = vector.shape_cast %get3A_2414 : vector<1x16xf32> to vector<16xf32>
      %add3A_2416 = arith.addf %add3A_2410, %get3A_2415 : vector<16xf32>
      %get3A_2417 = arith.constant 85 : i32
      %get3A_2418 = arith.index_cast %get3A_2417 : i32 to index
      %get3A_2419 = arith.constant 16 : index
      %get3A_2420 = tpu.vector_load %arg7[%get3A_2418, %get3A_2419] {strides = array<i32>} : memref<100x32xf32, #tpu.memory_space<vmem>>, vector<1x16xf32>,
      %get3A_2421 = vector.shape_cast %get3A_2420 : vector<1x16xf32> to vector<16xf32>
      %add3A_2422 = arith.addf %add3A_2416, %get3A_2421 : vector<16xf32>
      %get3A_2423 = arith.constant 86 : i32
      %get3A_2424 = arith.index_cast %get3A_2423 : i32 to index
      %get3A_2425 = arith.constant 16 : index
      %get3A_2426 = tpu.vector_load %arg7[%get3A_2424, %get3A_2425] {strides = array<i32>} : memref<100x32xf32, #tpu.memory_space<vmem>>, vector<1x16xf32>,
      %get3A_2427 = vector.shape_cast %get3A_2426 : vector<1x16xf32> to vector<16xf32>
      %add3A_2428 = arith.addf %add3A_2422, %get3A_2427 : vector<16xf32>
      %get3A_2429 = arith.constant 87 : i32
      %get3A_2430 = arith.index_cast %get3A_2429 : i32 to index
      %get3A_2431 = arith.constant 16 : index
      %get3A_2432 = tpu.vector_load %arg7[%get3A_2430, %get3A_2431] {strides = array<i32>} : memref<100x32xf32, #tpu.memory_space<vmem>>, vector<1x16xf32>,
      %get3A_2433 = vector.shape_cast %get3A_2432 : vector<1x16xf32> to vector<16xf32>
      %add3A_2434 = arith.addf %add3A_2428, %get3A_2433 : vector<16xf32>
      %get3A_2435 = arith.constant 88 : i32
      %get3A_2436 = arith.index_cast %get3A_2435 : i32 to index
      %get3A_2437 = arith.constant 16 : index
      %get3A_2438 = tpu.vector_load %arg7[%get3A_2436, %get3A_2437] {strides = array<i32>} : memref<100x32xf32, #tpu.memory_space<vmem>>, vector<1x16xf32>,
      %get3A_2439 = vector.shape_cast %get3A_2438 : vector<1x16xf32> to vector<16xf32>
      %add3A_2440 = arith.addf %add3A_2434, %get3A_2439 : vector<16xf32>
      %get3A_2441 = arith.constant 89 : i32
      %get3A_2442 = arith.index_cast %get3A_2441 : i32 to index
      %get3A_2443 = arith.constant 16 : index
      %get3A_2444 = tpu.vector_load %arg7[%get3A_2442, %get3A_2443] {strides = array<i32>} : memref<100x32xf32, #tpu.memory_space<vmem>>, vector<1x16xf32>,
      %get3A_2445 = vector.shape_cast %get3A_2444 : vector<1x16xf32> to vector<16xf32>
      %add3A_2446 = arith.addf %add3A_2440, %get3A_2445 : vector<16xf32>
      %get3A_2447 = arith.constant 90 : i32
      %get3A_2448 = arith.index_cast %get3A_2447 : i32 to index
      %get3A_2449 = arith.constant 16 : index
      %get3A_2450 = tpu.vector_load %arg7[%get3A_2448, %get3A_2449] {strides = array<i32>} : memref<100x32xf32, #tpu.memory_space<vmem>>, vector<1x16xf32>,
      %get3A_2451 = vector.shape_cast %get3A_2450 : vector<1x16xf32> to vector<16xf32>
      %add3A_2452 = arith.addf %add3A_2446, %get3A_2451 : vector<16xf32>
      %get3A_2453 = arith.constant 91 : i32
      %get3A_2454 = arith.index_cast %get3A_2453 : i32 to index
      %get3A_2455 = arith.constant 16 : index
      %get3A_2456 = tpu.vector_load %arg7[%get3A_2454, %get3A_2455] {strides = array<i32>} : memref<100x32xf32, #tpu.memory_space<vmem>>, vector<1x16xf32>,
      %get3A_2457 = vector.shape_cast %get3A_2456 : vector<1x16xf32> to vector<16xf32>
      %add3A_2458 = arith.addf %add3A_2452, %get3A_2457 : vector<16xf32>
      %get3A_2459 = arith.constant 92 : i32
      %get3A_2460 = arith.index_cast %get3A_2459 : i32 to index
      %get3A_2461 = arith.constant 16 : index
      %get3A_2462 = tpu.vector_load %arg7[%get3A_2460, %get3A_2461] {strides = array<i32>} : memref<100x32xf32, #tpu.memory_space<vmem>>, vector<1x16xf32>,
      %get3A_2463 = vector.shape_cast %get3A_2462 : vector<1x16xf32> to vector<16xf32>
      %add3A_2464 = arith.addf %add3A_2458, %get3A_2463 : vector<16xf32>
      %get3A_2465 = arith.constant 93 : i32
      %get3A_2466 = arith.index_cast %get3A_2465 : i32 to index
      %get3A_2467 = arith.constant 16 : index
      %get3A_2468 = tpu.vector_load %arg7[%get3A_2466, %get3A_2467] {strides = array<i32>} : memref<100x32xf32, #tpu.memory_space<vmem>>, vector<1x16xf32>,
      %get3A_2469 = vector.shape_cast %get3A_2468 : vector<1x16xf32> to vector<16xf32>
      %add3A_2470 = arith.addf %add3A_2464, %get3A_2469 : vector<16xf32>
      %get3A_2471 = arith.constant 94 : i32
      %get3A_2472 = arith.index_cast %get3A_2471 : i32 to index
      %get3A_2473 = arith.constant 16 : index
      %get3A_2474 = tpu.vector_load %arg7[%get3A_2472, %get3A_2473] {strides = array<i32>} : memref<100x32xf32, #tpu.memory_space<vmem>>, vector<1x16xf32>,
      %get3A_2475 = vector.shape_cast %get3A_2474 : vector<1x16xf32> to vector<16xf32>
      %add3A_2476 = arith.addf %add3A_2470, %get3A_2475 : vector<16xf32>
      %get3A_2477 = arith.constant 95 : i32
      %get3A_2478 = arith.index_cast %get3A_2477 : i32 to index
      %get3A_2479 = arith.constant 16 : index
      %get3A_2480 = tpu.vector_load %arg7[%get3A_2478, %get3A_2479] {strides = array<i32>} : memref<100x32xf32, #tpu.memory_space<vmem>>, vector<1x16xf32>,
      %get3A_2481 = vector.shape_cast %get3A_2480 : vector<1x16xf32> to vector<16xf32>
      %add3A_2482 = arith.addf %add3A_2476, %get3A_2481 : vector<16xf32>
      %get3A_2483 = arith.constant 96 : i32
      %get3A_2484 = arith.index_cast %get3A_2483 : i32 to index
      %get3A_2485 = arith.constant 16 : index
      %get3A_2486 = tpu.vector_load %arg7[%get3A_2484, %get3A_2485] {strides = array<i32>} : memref<100x32xf32, #tpu.memory_space<vmem>>, vector<1x16xf32>,
      %get3A_2487 = vector.shape_cast %get3A_2486 : vector<1x16xf32> to vector<16xf32>
      %add3A_2488 = arith.addf %add3A_2482, %get3A_2487 : vector<16xf32>
      %get3A_2489 = arith.constant 97 : i32
      %get3A_2490 = arith.index_cast %get3A_2489 : i32 to index
      %get3A_2491 = arith.constant 16 : index
      %get3A_2492 = tpu.vector_load %arg7[%get3A_2490, %get3A_2491] {strides = array<i32>} : memref<100x32xf32, #tpu.memory_space<vmem>>, vector<1x16xf32>,
      %get3A_2493 = vector.shape_cast %get3A_2492 : vector<1x16xf32> to vector<16xf32>
      %add3A_2494 = arith.addf %add3A_2488, %get3A_2493 : vector<16xf32>
      %get3A_2495 = arith.constant 98 : i32
      %get3A_2496 = arith.index_cast %get3A_2495 : i32 to index
      %get3A_2497 = arith.constant 16 : index
      %get3A_2498 = tpu.vector_load %arg7[%get3A_2496, %get3A_2497] {strides = array<i32>} : memref<100x32xf32, #tpu.memory_space<vmem>>, vector<1x16xf32>,
      %get3A_2499 = vector.shape_cast %get3A_2498 : vector<1x16xf32> to vector<16xf32>
      %add3A_2500 = arith.addf %add3A_2494, %get3A_2499 : vector<16xf32>
      %get3A_2501 = arith.constant 99 : i32
      %get3A_2502 = arith.index_cast %get3A_2501 : i32 to index
      %get3A_2503 = arith.constant 16 : index
      %get3A_2504 = tpu.vector_load %arg7[%get3A_2502, %get3A_2503] {strides = array<i32>} : memref<100x32xf32, #tpu.memory_space<vmem>>, vector<1x16xf32>,
      %get3A_2505 = vector.shape_cast %get3A_2504 : vector<1x16xf32> to vector<16xf32>
      %add3A_2506 = arith.addf %add3A_2500, %get3A_2505 : vector<16xf32>
      %mul3A_2507 = arith.constant 2.000000e-02 : f32
      %mul3A_2508 = vector.broadcast %mul3A_2507 : f32 to vector<16xf32>
      %mul3A_2509 = arith.mulf %add3A_2506, %mul3A_2508 : vector<16xf32>
      %swap3A_2510 = arith.index_cast %add3A_1900 : i32 to index
      %swap3A_2511 = arith.constant 16 : index
      %swap3A_2512 = tpu.vector_load %arg8[%swap3A_2510, %swap3A_2511] {strides = array<i32>} : memref<128x32xf32, #tpu.memory_space<vmem>>, vector<1x16xf32>,
      %swap3A_2513 = vector.shape_cast %swap3A_2512 : vector<1x16xf32> to vector<16xf32>
      %swap3A_2514 = vector.shape_cast %mul3A_2509 : vector<16xf32> to vector<1x16xf32>
      tpu.vector_store %arg8[%swap3A_2510, %swap3A_2511], %swap3A_2514 {strides = array<i32>} : memref<128x32xf32, #tpu.memory_space<vmem>>, vector<1x16xf32>,
    }
    %scan3A_10 = arith.constant 32 : i32
    %mul3A_11 = arith.constant 128 : i32
    %mul3A_12 = arith.muli %add3A, %mul3A_11 : i32
    "tpu.region"() ({
      %run_scoped3A = tpu.sem_alloc : memref<!tpu.dma_semaphore, #tpu.memory_space<semaphore_mem>>
      %dma_start3A_13 = arith.constant 0 : i32
      %dma_start3A_14 = tpu.memref_slice %arg4[%mul3A_12, %dma_start3A_13] : memref<4096x32xf32, #tpu.memory_space<hbm>> -> memref<128x32xf32, #tpu.memory_space<hbm>>
      %dma_start3A_15 = arith.constant 0 : i32
      %dma_start3A_16 = tpu.memref_slice %arg4[%mul3A_12, %dma_start3A_15] : memref<4096x32xf32, #tpu.memory_space<hbm>> -> memref<128x32xf32, #tpu.memory_space<hbm>>
      tpu.enqueue_dma source(%arg8 : memref<128x32xf32, #tpu.memory_space<vmem>>) target(%dma_start3A_16 : memref<128x32xf32, #tpu.memory_space<hbm>>) target_semaphore(%run_scoped3A : memref<!tpu.dma_semaphore, #tpu.memory_space<semaphore_mem>>)
      %dma_wait3A = arith.constant 0 : i32
      %dma_wait3A_17 = tpu.memref_slice %arg4[%mul3A_12, %dma_wait3A] : memref<4096x32xf32, #tpu.memory_space<hbm>> -> memref<128x32xf32, #tpu.memory_space<hbm>>
      %dma_wait3A_18 = arith.constant 0 : i32
      %dma_wait3A_19 = tpu.memref_slice %arg4[%mul3A_12, %dma_wait3A_18] : memref<4096x32xf32, #tpu.memory_space<hbm>> -> memref<128x32xf32, #tpu.memory_space<hbm>>
      tpu.wait_dma2 semaphore(%run_scoped3A : memref<!tpu.dma_semaphore, #tpu.memory_space<semaphore_mem>>) src(%arg8 : memref<128x32xf32, #tpu.memory_space<vmem>>) dst(%dma_wait3A_19 : memref<128x32xf32, #tpu.memory_space<hbm>>)
      tpu.yield
    }) : () -> ()
    return
  }
}

</mosaic_0001>

<sc_bundles>
// kernel: _emb_mean.3.cloned.1.call-start
scs
__scs_entry_jumppad:
0x0: {  	(pc) =	sbr.rel $0x88, $3  }
0x1: {  	(tag) =	ssettag $0x0;
	lr =	simm.s32 $0x1  }
0x2: {  	[smem:$0x3F9F] =	sst lr;
	_ =	strace $0xD0000000  }
0x3: {  	_ = 	snop  }
0x4: {  	_ = 	snop  }
0x5: {  	_ = 	snop  }
0x6: {  	_ = 	snop  }
0x7: {  	_ = 	snop  }
__scs_overlays_trampoline_lowered:
0x8: {  	[smem:$0x3FAE] =	sst s0  }
0x9: {  	[smem:$0x3FAF] =	sst s1  }
0xa: {  	[smem:$0x3FB0] =	sst s2  }
0xb: {  	[smem:$0x3FB1] =	sst s3  }
0xc: {  	[smem:$0x3FB2] =	sst s4  }
0xd: {  	[smem:$0x3FB3] =	sst s5  }
0xe: {  	[smem:$0x3FB4] =	sst s6  }
0xf: {  	[smem:$0x3FB5] =	sst s7  }
0x10: {  	[smem:$0x3FB6] =	sst s8  }
0x11: {  	[smem:$0x3FB7] =	sst s9;
	s0 =	simm.s32 @!p0 $0x0  }
0x12: {  	s1 =	sld [smem:$0x3F9D];
	s0 =	simm.s32 @p0 $0x1  }
0x13: {  	[smem:$0x3FB8] =	sst s0;
	s0 =	simm.s32 @!p1 $0x0  }
0x14: {  	s2 =	sld [smem:$0x3F9C];
	s0 =	simm.s32 @p1 $0x1  }
0x15: {  	[smem:$0x3FB9] =	sst s0;
	s0 =	simm.s32 @!p2 $0x0  }
0x16: {  	s3 =	sld [smem:$0x3FDB];
	s0 =	simm.s32 @p2 $0x1  }
0x17: {  	s4 =	simm.s32 $0x1BF5;
	[smem:$0x3FBB] =	sst s0  }
0x18: {  	s0 =	sld [smem:$0x3F9E];
	_ =	swait.ge [sflag:s4], $0x0  }
0x19: {  	s7 =	sld [smem:$0x3F9F]  }
0x1a: {  	s8 =	sadd.s32 $0xFFFFE003, lr  }
0x1b: {  	s9 =	sadd.s32 $0xFFFFFEF7, lr;
	s5 =	simm.s32 $0xFFFFFFFF;
	p2 =	slt.u32 s8, $0xFFFFF086  }
0x1c: {  	p1 =	slt.u32 s9, $0xF7A;
	s5 =	simm.s32 @!p2 $0x0  }
0x1d: {  	s5 =	simm.s32 @p1 $0x1;
	p0 =	seq.s32 s7, s2  }
0x1e: {  	s7 =	smul.u32 @!p0 $0xF7A, s2;
	p2 =	seq.s32 @!p0 s5, $0x0  }
0x1f: {  	s9 =	smul.u32 $0xF7A, s1;
	s8 =	simm.s32 @!p0 $0x1BF5;
	p2 =	por !p2, p0  }
0x20: {  	[sflag:s8] =	ssyncset.s32 @!p0 $0xFFFFF086;
	s6 =	sadd.s32 @!p0 s3, s7;
	s7 =	simm.s32 @!p0 $0x108  }
0x21: {  	s3 =	sadd.s32 s3, s9;
	s6 =	sadd.s32 @!p0 $0x88, s6;
	s7 =	simm.s32 @p2 $0x1082  }
0x22: {  	[simem:s7], [sflag:s8] =	dma.local @!p0 [hbm:s6], $0xF7A  }
0x23: {  	s9 =	sor.u32 $0xD0000000, s2;
	s6 =	simm.s32 $0x108;
	_ =	swait.ge @!p0 [sflag:s8], $0x0  }
0x24: {  	s3 =	sadd.s32 $0x88, s3;
	s6 =	simm.s32 @!p1 $0x1082;
	[sflag:s4] =	ssyncset.s32 $0xFFFFF086  }
0x25: {  	[simem:s6], [sflag:s4] =	dma.local [hbm:s3], $0xF7A  }
0x26: {  	[smem:$0x3F9F] =	sst s1;
	(tag) =	ssettag s2;
	_ =	strace s9  }
0x27: {  	s1 =	sld [smem:$0x3FAF]  }
0x28: {  	s2 =	sld [smem:$0x3FB0]  }
0x29: {  	s4 =	sld [smem:$0x3FB2]  }
0x2a: {  	p0 =	seq.s32 s5, $0x0;
	s5 =	sld [smem:$0x3FB3]  }
0x2b: {  	s6 =	sld [smem:$0x3FB4]  }
0x2c: {  	s7 =	sld [smem:$0x3FB5]  }
0x2d: {  	s3 =	simm.s32 $0x108;
	s8 =	sld [smem:$0x3FB6]  }
0x2e: {  	s3 =	simm.s32 @!p0 $0x1082;
	s9 =	sld [smem:$0x3FB7]  }
0x2f: {  	lr =	sadd.s32 s0, s3;
	s0 =	sld [smem:$0x3FAE]  }
0x30: {  	s3 =	sld [smem:$0x3FB1]  }
0x31: {  	[smem:$0x3FBA] =	sst s10  }
0x32: {  	s10 =	sld [smem:$0x3FB8];
	_ =	sdelay $0x3  }
0x33: {  	p0 =	seq.s32 s10, $0x1;
	s10 =	sld [smem:$0x3FBA];
	_ =	sdelay $0x3  }
0x34: {  	[smem:$0x3FBA] =	sst s10  }
0x35: {  	s10 =	sld [smem:$0x3FB9];
	_ =	sdelay $0x3  }
0x36: {  	p1 =	seq.s32 s10, $0x1;
	s10 =	sld [smem:$0x3FBA];
	_ =	sdelay $0x3  }
0x37: {  	[smem:$0x3FBA] =	sst s10  }
0x38: {  	s10 =	sld [smem:$0x3FBB]  }
0x39: {  	_ = 	snop;
	(pc) =	sbr.ind lr, $3  }
0x3a: {  	_ = 	snop  }
0x3b: {  	_ = 	snop  }
0x3c: {  	p2 =	seq.s32 s10, $0x1;
	s10 =	sld [smem:$0x3FBA]  }
0x3d: {  	_ =	shalt  }
0x3e: {  	_ =	shalt  }
0x3f: {  	_ =	shalt  }
0x40: {  	_ =	shalt  }
0x41: {  	_ =	shalt  }
0x42: {  	_ =	shalt  }
0x43: {  	_ =	shalt  }
0x44: {  	_ =	shalt  }
0x45: {  	_ =	shalt  }
0x46: {  	_ =	shalt  }
0x47: {  	_ =	shalt  }
0x48: {  	_ =	shalt  }
0x49: {  	_ =	shalt  }
0x4a: {  	_ =	shalt  }
0x4b: {  	_ =	shalt  }
0x4c: {  	_ =	shalt  }
0x4d: {  	_ =	shalt  }
0x4e: {  	_ =	shalt  }
0x4f: {  	_ =	shalt  }
0x50: {  	_ =	shalt  }
0x51: {  	_ =	shalt  }
0x52: {  	_ =	shalt  }
0x53: {  	_ =	shalt  }
0x54: {  	_ =	shalt  }
0x55: {  	_ =	shalt  }
0x56: {  	_ =	shalt  }
0x57: {  	_ =	shalt  }
0x58: {  	_ =	shalt  }
0x59: {  	_ =	shalt  }
0x5a: {  	_ =	shalt  }
0x5b: {  	_ =	shalt  }
0x5c: {  	_ =	shalt  }
0x5d: {  	_ =	shalt  }
0x5e: {  	_ =	shalt  }
0x5f: {  	_ =	shalt  }
0x60: {  	_ =	shalt  }
0x61: {  	_ =	shalt  }
0x62: {  	_ =	shalt  }
0x63: {  	_ =	shalt  }
0x64: {  	_ =	shalt  }
0x65: {  	_ =	shalt  }
0x66: {  	_ =	shalt  }
0x67: {  	_ =	shalt  }
0x68: {  	_ =	shalt  }
0x69: {  	_ =	shalt  }
0x6a: {  	_ =	shalt  }
0x6b: {  	_ =	shalt  }
0x6c: {  	_ =	shalt  }
0x6d: {  	_ =	shalt  }
0x6e: {  	_ =	shalt  }
0x6f: {  	_ =	shalt  }
0x70: {  	_ =	shalt  }
0x71: {  	_ =	shalt  }
0x72: {  	_ =	shalt  }
0x73: {  	_ =	shalt  }
0x74: {  	_ =	shalt  }
0x75: {  	_ =	shalt  }
0x76: {  	_ =	shalt  }
0x77: {  	_ =	shalt  }
0x78: {  	_ =	shalt  }
0x79: {  	_ =	shalt  }
0x7a: {  	_ =	shalt  }
0x7b: {  	_ =	shalt  }
0x7c: {  	_ =	shalt  }
0x7d: {  	_ =	shalt  }
0x7e: {  	_ =	shalt  }
0x7f: {  	_ =	shalt  }
0x80: {  	_ =	shalt  }
0x81: {  	_ =	shalt  }
0x82: {  	_ =	shalt  }
0x83: {  	_ =	shalt  }
0x84: {  	_ =	shalt  }
0x85: {  	_ =	shalt  }
0x86: {  	_ =	shalt  }
0x87: {  	_ =	shalt  }
.Lfunc_end0:
.L_simem_size_0:
called_computation_lowered:
.L_overlay_start_0:
0x88: {  	s2 =	sld [smem:$0x3FD9]  }
0x89: {  	s3 =	sld [smem:$0x3FFE];
	_ =	sdelay $0x1  }
0x8a: {  	s1 =	srdreg.scid  }
0x8b: {  	s0 =	sand.u32 $0x1, s1  }
0x8c: {  	s17 =	sshll.u32 s0, $0xA;
	s2 =	sadd.s32 s3, s2  }
0x8d: {  	s2 =	sadd.s32 s2, s17  }
0x8e: {  	[smem:$0x3FC6] =	sst s2  }
0x8f: {  	_ = 	snop  }
0x90: {  	s2 =	sld [smem:$0x3FD0];
	(tm) =	ssettm $0x1  }
0x91: {  	s18 =	sld [smem:$0x3FFB];
	_ =	sdelay $0x3  }
0x92: {  	_ =	strace s18  }
0x93: {  	s3 =	sld [smem:$0x3FFC];
	_ =	sdelay $0x3  }
0x94: {  	_ =	strace s3  }
0x95: {  	s3 =	sld [smem:$0x3FFD];
	_ =	sdelay $0x3  }
0x96: {  	_ =	strace s3  }
0x97: {  	_ =	strace $0x8FFFFFFF  }
0x98: {  	s19 =	sld [smem:$0x3FDB];
	_ =	sdelay $0x1  }
0x99: {  	s4 =	simm.s32 $_scs_section_size  }
0x9a: {  	s5 =	simm.s32 $_size__tile_overlayer_lowered;
	s6 =	simm.s32 $_tile_overlayer_lowered  }
0x9b: {  	s22 =	simm.s32 $0x1BFF;
	s21 =	sshll.u32 s6, $0x1;
	s3 =	sadd.s32 s4, s19  }
0x9c: {  	s7 =	simm.s32 $0x0;
	s20 =	sshll.u32 s5, $0x1;
	s5 =	sadd.s32 s21, s3  }
0x9d: {  	[timem:s7], [sflag:s22] =	dma.local [hbm:s5], s20  }
0x9e: {  	_ =	swait.ge [sflag:s22], s20  }
0x9f: {  	s4 =	ssub.s32 $0x0, s20;
	[sflag:s22] =	ssyncset.done $0x0  }
0xa0: {  	[sflag:s22] =	ssyncadd.s32 s4;
	_ =	sdelay $0x1  }
0xa1: {  	s23 =	simm.s32 $0x1B8B  }
0xa2: {  	_ =	swait.ge [sflag:s23], $0x1  }
0xa3: {  	[sflag:s23] =	ssyncset.done $0x0  }
0xa4: {  	s25 =	simm.s32 $0x1B8E;
	s24 =	sld [smem:$0x3FFE];
	[sflag:s23] =	ssyncadd.s32 $0xFFFFFFFF  }
0xa5: {  	s26 =	simm.s32 $execute0_lowered;
	[smem:$0x3FD2] =	sst s25  }
0xa6: {  	s5 =	sshll.u32 s26, $0x1;
	_ =	strace $0x80000046;
	[dreg:$0x1] =	wrdreg $0xFFFFFFFF  }
0xa7: {  	s28 =	simm.s32 $_size_execute0_lowered;
	s3 =	sadd.s32 s3, s5;
	[dreg:$0x0] =	wrdreg $0x0  }
0xa8: {  	s5 =	sshll.u32 s28, $0x1;
	[dreg:$0x2] =	wrdreg s3  }
0xa9: {  	[dreg:$0x3] =	wrdreg s5  }
0xaa: {  	[dreg:$0x4] =	wrdreg $0xC0  }
0xab: {  	_ =	task [dreg:s7], $0x5FFFF  }
0xac: {  	[dreg:$0x1] =	wrdreg $0xFFFFFFFF  }
0xad: {  	[dreg:$0x0] =	wrdreg $0x60  }
0xae: {  	[dreg:$0x2] =	wrdreg s24  }
0xaf: {  	[dreg:$0x3] =	wrdreg s2  }
0xb0: {  	[dreg:$0x4] =	wrdreg $0x9  }
0xb1: {  	_ =	task.clear_ibuf [dreg:s7], $0x5FFFF;
	_ =	strace $0x90000046  }
0xb2: {  	s29 =	simm.s32 $0x9;
	_ =	strace $0x80000048  }
0xb3: {  	_ =	swait.ge [sflag:s29], $0x1  }
0xb4: {  	[sflag:s29] =	ssyncadd.s32 $0xFFFFFFFF  }
0xb5: {  	_ =	strace $0x90000048  }
0xb6: {  	_ =	sfence  }
0xb7: {  	s30 =	sld [smem:$0x0];
	_ =	sdelay $0x2  }
0xb8: {  	s31 =	sshll.u32 s1, $0xD;
	s1 =	sshrl.u32 s1, $0x2  }
0xb9: {  	s3 =	sand.u32 $0x4000, s31;
	s1 =	sadd.s32 s1, s30  }
0xba: {  	s0 =	sor.u32 s3, s0;
	s1 =	sshll.u32 s1, $0x11  }
0xbb: {  	s0 =	sor.u32 s1, s0  }
0xbc: {  	s0 =	sadd.s32 $0x8F2B, s0  }
0xbd: {  	[sflag:s0] =	ssyncadd.remote.s32 $0x1  }
0xbe: {  	_ =	sfence.sel $0xFFFF  }
0xbf: {  	[dreg:$0x0] =	wrdreg $0xFFFFFFFF;
	(pc) =	sbr.abs _section_cstart, $3  }
0xc0: {  	[dreg:$0x1] =	wrdreg $0xFFFFFFFF  }
0xc1: {  	_ =	task.clear_ibuf [dreg:s7], $0x2FFFF;
	_ =	strace $0x9FFFFFFF  }
0xc2: {  	(tm) =	ssettm $0x7FFFFFFF  }
0xc3: {  	_ =	shalt  }
tec
execute0_lowered:
.L_overlay_start_1:
0x0: {  	(tag) =	ssettag $0x1  }
0x1: {  	s1 =	srdreg.scid;
	s3 =	rddreg [dreg:$0x0]  }
0x2: {  	s0 =	stileid.u32;
	s5 =	rddreg [dreg:$0x1];
	s2 =	simm.s32 $0x0  }
0x3: {  	s9 =	simm.s32 $0x1A00;
	s10 =	simm.s32 $0x2680;
	s11 =	simm.s32 $0x1  }
0x4: {  	s12 =	simm.s32 $0x2;
	s13 =	simm.s32 $0x3300;
	s14 =	simm.s32 $0x0  }
0x5: {  	s4 =	sand.u32 $0x1, s1;
	s31 =	sshll.u32 s0, $0x1;
	s1 =	rddreg [dreg:$0x2]  }
0x6: {  	[smem:$0x7FF] =	sst s2;
	s6 =	sor.u32 s4, s31;
	s4 =	ssub.s32 $0x2, s4  }
0x7: {  	s7 =	smul.u32 $0x340, s6;
	s8 =	sshrl.u32 s4, $0x1;
	s6 =	sshll.u32 s6, $0x9  }
0x8: {  	_ =	strace $0x80000047;
	s8 =	ssub.s32 s4, s8;
	s5 =	sadd.s32 s5, s6  }
0x9: {  	s7 =	sadd.s32 s7, s3;
	s3 =	sadd.s32 $0x1000600, s3;
	s6 =	smax.u32 s8, $0x1  }
0xa: {  	s8 =	simm.s32 $0x64;
	s4 =	sadd.s32 $0x600, s7;
	s7 =	simm.s32 $0x3  }
.LBB2_1:
0xb: {  	[tilespmem:s2], [sflag:$0x3] =	stream.linear.gather [hbm4b:s4+s2], $0x1A00, $0x38;
	[tilespmem:$0x4300] =	vst v63  }
0xc: {  	_ =	swait.ge [sflag:s7], $0x1A00  }
0xd: {  	[sflag:s7] =	ssyncset.done $0x0  }
0xe: {  	s15 =	simm.s32 $0xFFFF9800;
	s16 =	simm.s32 $0x3340;
	[sflag:s7] =	ssyncadd.s32 $0xFFFFE600  }
0xf: {  	[tilespmem:s9], [sflag:$0x1] =	stream.indirect.gather [hbm4b:s3+s8], $0x20, s2, s8, $0xb8;
	[tilespmem:$0x4300] =	vst v63  }
.LBB2_2:
0x10: {  	s17 =	sshra.s32 s15, $0x2  }
0x11: {  	s17 =	sadd.s32 $0x1A68, s17  }
0x12: {  	[tilespmem:s10], [sflag:$0x2] =	stream.indirect.gather [hbm4b:s3+s8], $0x20, s17, s8, $0xb8;
	[tilespmem:$0x4300] =	vst v63  }
0x13: {  	_ =	swait.ge [sflag:s11], $0xC80  }
0x14: {  	[sflag:s11] =	ssyncset.done $0x0  }
0x15: {  	[sflag:s11] =	ssyncadd.s32 $0xFFFFF380  }
0x16: {  	v0 =	vld [tilespmem:$0x1A00]  }
0x17: {  	v1 =	vld [tilespmem:$0x1A20];
	_ =	sdelay $0x1  }
0x18: {  	v2 =	vld [tilespmem:$0x1A40];
	_ =	sdelay $0x1  }
0x19: {  	v3 =	vld [tilespmem:$0x1A60]  }
0x1a: {  	v0 =	vadd.f32 v1, v0  }
0x1b: {  	v22 =	vld [tilespmem:$0x1A80]  }
0x1c: {  	v0 =	vadd.f32 v2, v0  }
0x1d: {  	v23 =	vld [tilespmem:$0x1AA0]  }
0x1e: {  	v0 =	vadd.f32 v3, v0  }
0x1f: {  	v24 =	vld [tilespmem:$0x1AC0]  }
0x20: {  	v0 =	vadd.f32 v22, v0  }
0x21: {  	v25 =	vld [tilespmem:$0x1AE0]  }
0x22: {  	v0 =	vadd.f32 v23, v0  }
0x23: {  	v26 =	vld [tilespmem:$0x1B00]  }
0x24: {  	v0 =	vadd.f32 v24, v0  }
0x25: {  	v27 =	vld [tilespmem:$0x1B20]  }
0x26: {  	v0 =	vadd.f32 v25, v0  }
0x27: {  	v28 =	vld [tilespmem:$0x1B40]  }
0x28: {  	v0 =	vadd.f32 v26, v0  }
0x29: {  	v29 =	vld [tilespmem:$0x1B60]  }
0x2a: {  	v0 =	vadd.f32 v27, v0  }
0x2b: {  	v30 =	vld [tilespmem:$0x1B80]  }
0x2c: {  	v0 =	vadd.f32 v28, v0  }
0x2d: {  	v31 =	vld [tilespmem:$0x1BA0]  }
0x2e: {  	v0 =	vadd.f32 v29, v0  }
0x2f: {  	v32 =	vld [tilespmem:$0x1BC0]  }
0x30: {  	v0 =	vadd.f32 v30, v0  }
0x31: {  	v33 =	vld [tilespmem:$0x1BE0]  }
0x32: {  	v0 =	vadd.f32 v31, v0  }
0x33: {  	v34 =	vld [tilespmem:$0x1C00]  }
0x34: {  	v0 =	vadd.f32 v32, v0  }
0x35: {  	v35 =	vld [tilespmem:$0x1C20]  }
0x36: {  	v0 =	vadd.f32 v33, v0  }
0x37: {  	v36 =	vld [tilespmem:$0x1C40]  }
0x38: {  	v0 =	vadd.f32 v34, v0  }
0x39: {  	v37 =	vld [tilespmem:$0x1C60]  }
0x3a: {  	v0 =	vadd.f32 v35, v0  }
0x3b: {  	v38 =	vld [tilespmem:$0x1C80]  }
0x3c: {  	v0 =	vadd.f32 v36, v0  }
0x3d: {  	v39 =	vld [tilespmem:$0x1CA0]  }
0x3e: {  	v0 =	vadd.f32 v37, v0  }
0x3f: {  	v40 =	vld [tilespmem:$0x1CC0]  }
0x40: {  	v0 =	vadd.f32 v38, v0  }
0x41: {  	v41 =	vld [tilespmem:$0x1CE0]  }
0x42: {  	v0 =	vadd.f32 v39, v0  }
0x43: {  	v42 =	vld [tilespmem:$0x1D00]  }
0x44: {  	v0 =	vadd.f32 v40, v0  }
0x45: {  	v43 =	vld [tilespmem:$0x1D20]  }
0x46: {  	v0 =	vadd.f32 v41, v0  }
0x47: {  	v44 =	vld [tilespmem:$0x1D40]  }
0x48: {  	v0 =	vadd.f32 v42, v0  }
0x49: {  	v45 =	vld [tilespmem:$0x1D60]  }
0x4a: {  	v0 =	vadd.f32 v43, v0  }
0x4b: {  	v46 =	vld [tilespmem:$0x1D80]  }
0x4c: {  	v0 =	vadd.f32 v44, v0  }
0x4d: {  	v47 =	vld [tilespmem:$0x1DA0]  }
0x4e: {  	v0 =	vadd.f32 v45, v0  }
0x4f: {  	v48 =	vld [tilespmem:$0x1DC0]  }
0x50: {  	v0 =	vadd.f32 v46, v0  }
0x51: {  	v49 =	vld [tilespmem:$0x1DE0]  }
0x52: {  	v0 =	vadd.f32 v47, v0  }
0x53: {  	v50 =	vld [tilespmem:$0x1E00]  }
0x54: {  	v0 =	vadd.f32 v48, v0  }
0x55: {  	v51 =	vld [tilespmem:$0x1E20]  }
0x56: {  	v0 =	vadd.f32 v49, v0  }
0x57: {  	v52 =	vld [tilespmem:$0x1E40]  }
0x58: {  	v0 =	vadd.f32 v50, v0  }
0x59: {  	v53 =	vld [tilespmem:$0x1E60]  }
0x5a: {  	v0 =	vadd.f32 v51, v0  }
0x5b: {  	v54 =	vld [tilespmem:$0x1E80]  }
0x5c: {  	v0 =	vadd.f32 v52, v0  }
0x5d: {  	v55 =	vld [tilespmem:$0x1EA0]  }
0x5e: {  	v0 =	vadd.f32 v53, v0  }
0x5f: {  	v56 =	vld [tilespmem:$0x1EC0]  }
0x60: {  	v0 =	vadd.f32 v54, v0  }
0x61: {  	v57 =	vld [tilespmem:$0x1EE0]  }
0x62: {  	v0 =	vadd.f32 v55, v0  }
0x63: {  	v58 =	vld [tilespmem:$0x1F00]  }
0x64: {  	v0 =	vadd.f32 v56, v0  }
0x65: {  	v59 =	vld [tilespmem:$0x1F20]  }
0x66: {  	v0 =	vadd.f32 v57, v0  }
0x67: {  	v60 =	vld [tilespmem:$0x1F40]  }
0x68: {  	v0 =	vadd.f32 v58, v0  }
0x69: {  	v61 =	vld [tilespmem:$0x1F60]  }
0x6a: {  	v0 =	vadd.f32 v59, v0  }
0x6b: {  	v62 =	vld [tilespmem:$0x1F80]  }
0x6c: {  	v0 =	vadd.f32 v60, v0  }
0x6d: {  	v63 =	vld [tilespmem:$0x1FA0]  }
0x6e: {  	v0 =	vadd.f32 v61, v0  }
0x6f: {  	v6 =	vld [tilespmem:$0x1FC0]  }
0x70: {  	v0 =	vadd.f32 v62, v0  }
0x71: {  	v7 =	vld [tilespmem:$0x1FE0]  }
0x72: {  	v0 =	vadd.f32 v63, v0  }
0x73: {  	v8 =	vld [tilespmem:$0x2000]  }
0x74: {  	v0 =	vadd.f32 v6, v0  }
0x75: {  	v9 =	vld [tilespmem:$0x2020]  }
0x76: {  	v0 =	vadd.f32 v7, v0;
	_ =	sdelay $0x1  }
0x77: {  	v0 =	vadd.f32 v8, v0;
	_ =	sdelay $0x1  }
0x78: {  	v0 =	vadd.f32 v9, v0;
	_ =	sdelay $0x1  }
0x79: {  	v0 =	vmul.f32 $1.999999960e-02, v0;
	_ =	sdelay $0x1  }
0x7a: {  	[tilespmem:s16+$0xFFFFFFC0] =	vst v0  }
0x7b: {  	v0 =	vld [tilespmem:$0x1A10]  }
0x7c: {  	v10 =	vld [tilespmem:$0x1A30];
	_ =	sdelay $0x1  }
0x7d: {  	v11 =	vld [tilespmem:$0x1A50];
	_ =	sdelay $0x1  }
0x7e: {  	v12 =	vld [tilespmem:$0x1A70]  }
0x7f: {  	v0 =	vadd.f32 v10, v0  }
0x80: {  	v13 =	vld [tilespmem:$0x1A90]  }
0x81: {  	v0 =	vadd.f32 v11, v0  }
0x82: {  	v14 =	vld [tilespmem:$0x1AB0]  }
0x83: {  	v0 =	vadd.f32 v12, v0  }
0x84: {  	v15 =	vld [tilespmem:$0x1AD0]  }
0x85: {  	v0 =	vadd.f32 v13, v0  }
0x86: {  	v16 =	vld [tilespmem:$0x1AF0]  }
0x87: {  	v0 =	vadd.f32 v14, v0  }
0x88: {  	v17 =	vld [tilespmem:$0x1B10]  }
0x89: {  	v0 =	vadd.f32 v15, v0  }
0x8a: {  	v18 =	vld [tilespmem:$0x1B30]  }
0x8b: {  	v0 =	vadd.f32 v16, v0  }
0x8c: {  	v19 =	vld [tilespmem:$0x1B50]  }
0x8d: {  	v0 =	vadd.f32 v17, v0  }
0x8e: {  	v20 =	vld [tilespmem:$0x1B70]  }
0x8f: {  	v0 =	vadd.f32 v18, v0  }
0x90: {  	v21 =	vld [tilespmem:$0x1B90]  }
0x91: {  	v0 =	vadd.f32 v19, v0  }
0x92: {  	v22 =	vld [tilespmem:$0x1BB0]  }
0x93: {  	v0 =	vadd.f32 v20, v0  }
0x94: {  	v23 =	vld [tilespmem:$0x1BD0]  }
0x95: {  	v0 =	vadd.f32 v21, v0  }
0x96: {  	v24 =	vld [tilespmem:$0x1BF0]  }
0x97: {  	v0 =	vadd.f32 v22, v0  }
0x98: {  	v25 =	vld [tilespmem:$0x1C10]  }
0x99: {  	v0 =	vadd.f32 v23, v0  }
0x9a: {  	v26 =	vld [tilespmem:$0x1C30]  }
0x9b: {  	v0 =	vadd.f32 v24, v0  }
0x9c: {  	v27 =	vld [tilespmem:$0x1C50]  }
0x9d: {  	v0 =	vadd.f32 v25, v0  }
0x9e: {  	v28 =	vld [tilespmem:$0x1C70]  }
0x9f: {  	v0 =	vadd.f32 v26, v0  }
0xa0: {  	v29 =	vld [tilespmem:$0x1C90]  }
0xa1: {  	v0 =	vadd.f32 v27, v0  }
0xa2: {  	v30 =	vld [tilespmem:$0x1CB0]  }
0xa3: {  	v0 =	vadd.f32 v28, v0  }
0xa4: {  	v31 =	vld [tilespmem:$0x1CD0]  }
0xa5: {  	v0 =	vadd.f32 v29, v0  }
0xa6: {  	v32 =	vld [tilespmem:$0x1CF0]  }
0xa7: {  	v0 =	vadd.f32 v30, v0  }
0xa8: {  	v33 =	vld [tilespmem:$0x1D10]  }
0xa9: {  	v0 =	vadd.f32 v31, v0  }
0xaa: {  	v34 =	vld [tilespmem:$0x1D30]  }
0xab: {  	v0 =	vadd.f32 v32, v0  }
0xac: {  	v35 =	vld [tilespmem:$0x1D50]  }
0xad: {  	v0 =	vadd.f32 v33, v0  }
0xae: {  	v36 =	vld [tilespmem:$0x1D70]  }
0xaf: {  	v0 =	vadd.f32 v34, v0  }
0xb0: {  	v37 =	vld [tilespmem:$0x1D90]  }
0xb1: {  	v0 =	vadd.f32 v35, v0  }
0xb2: {  	v38 =	vld [tilespmem:$0x1DB0]  }
0xb3: {  	v0 =	vadd.f32 v36, v0  }
0xb4: {  	v39 =	vld [tilespmem:$0x1DD0]  }
0xb5: {  	v0 =	vadd.f32 v37, v0  }
0xb6: {  	v40 =	vld [tilespmem:$0x1DF0]  }
0xb7: {  	v0 =	vadd.f32 v38, v0  }
0xb8: {  	v41 =	vld [tilespmem:$0x1E10]  }
0xb9: {  	v0 =	vadd.f32 v39, v0  }
0xba: {  	v42 =	vld [tilespmem:$0x1E30]  }
0xbb: {  	v0 =	vadd.f32 v40, v0  }
0xbc: {  	v43 =	vld [tilespmem:$0x1E50]  }
0xbd: {  	v0 =	vadd.f32 v41, v0  }
0xbe: {  	v44 =	vld [tilespmem:$0x1E70]  }
0xbf: {  	v0 =	vadd.f32 v42, v0  }
0xc0: {  	v45 =	vld [tilespmem:$0x1E90]  }
0xc1: {  	v0 =	vadd.f32 v43, v0  }
0xc2: {  	v46 =	vld [tilespmem:$0x1EB0]  }
0xc3: {  	v0 =	vadd.f32 v44, v0  }
0xc4: {  	v47 =	vld [tilespmem:$0x1ED0]  }
0xc5: {  	v0 =	vadd.f32 v45, v0  }
0xc6: {  	v48 =	vld [tilespmem:$0x1EF0]  }
0xc7: {  	v0 =	vadd.f32 v46, v0  }
0xc8: {  	v49 =	vld [tilespmem:$0x1F10]  }
0xc9: {  	v0 =	vadd.f32 v47, v0  }
0xca: {  	v50 =	vld [tilespmem:$0x1F30]  }
0xcb: {  	v0 =	vadd.f32 v48, v0  }
0xcc: {  	v51 =	vld [tilespmem:$0x1F50]  }
0xcd: {  	v0 =	vadd.f32 v49, v0  }
0xce: {  	v52 =	vld [tilespmem:$0x1F70]  }
0xcf: {  	v0 =	vadd.f32 v50, v0  }
0xd0: {  	v53 =	vld [tilespmem:$0x1F90]  }
0xd1: {  	v0 =	vadd.f32 v51, v0  }
0xd2: {  	v54 =	vld [tilespmem:$0x1FB0]  }
0xd3: {  	v0 =	vadd.f32 v52, v0  }
0xd4: {  	v55 =	vld [tilespmem:$0x1FD0]  }
0xd5: {  	v0 =	vadd.f32 v53, v0  }
0xd6: {  	v56 =	vld [tilespmem:$0x1FF0]  }
0xd7: {  	v0 =	vadd.f32 v54, v0  }
0xd8: {  	v57 =	vld [tilespmem:$0x2010]  }
0xd9: {  	v0 =	vadd.f32 v55, v0  }
0xda: {  	v58 =	vld [tilespmem:$0x2030]  }
0xdb: {  	v0 =	vadd.f32 v56, v0;
	_ =	sdelay $0x1  }
0xdc: {  	v0 =	vadd.f32 v57, v0;
	_ =	sdelay $0x1  }
0xdd: {  	v0 =	vadd.f32 v58, v0;
	_ =	sdelay $0x1  }
0xde: {  	v0 =	vmul.f32 $1.999999960e-02, v0;
	_ =	sdelay $0x1  }
0xdf: {  	[tilespmem:s16+$0xFFFFFFD0] =	vst v0  }
0xe0: {  	v0 =	vld [tilespmem:$0x2040]  }
0xe1: {  	v59 =	vld [tilespmem:$0x2060];
	_ =	sdelay $0x1  }
0xe2: {  	v60 =	vld [tilespmem:$0x2080];
	_ =	sdelay $0x1  }
0xe3: {  	v61 =	vld [tilespmem:$0x20A0]  }
0xe4: {  	v0 =	vadd.f32 v59, v0  }
0xe5: {  	v62 =	vld [tilespmem:$0x20C0]  }
0xe6: {  	v0 =	vadd.f32 v60, v0  }
0xe7: {  	v63 =	vld [tilespmem:$0x20E0]  }
0xe8: {  	v0 =	vadd.f32 v61, v0  }
0xe9: {  	v6 =	vld [tilespmem:$0x2100]  }
0xea: {  	v0 =	vadd.f32 v62, v0  }
0xeb: {  	v7 =	vld [tilespmem:$0x2120]  }
0xec: {  	v0 =	vadd.f32 v63, v0  }
0xed: {  	v8 =	vld [tilespmem:$0x2140]  }
0xee: {  	v0 =	vadd.f32 v6, v0  }
0xef: {  	v9 =	vld [tilespmem:$0x2160]  }
0xf0: {  	v0 =	vadd.f32 v7, v0  }
0xf1: {  	v10 =	vld [tilespmem:$0x2180]  }
0xf2: {  	v0 =	vadd.f32 v8, v0  }
0xf3: {  	v11 =	vld [tilespmem:$0x21A0]  }
0xf4: {  	v0 =	vadd.f32 v9, v0  }
0xf5: {  	v12 =	vld [tilespmem:$0x21C0]  }
0xf6: {  	v0 =	vadd.f32 v10, v0  }
0xf7: {  	v13 =	vld [tilespmem:$0x21E0]  }
0xf8: {  	v0 =	vadd.f32 v11, v0  }
0xf9: {  	v14 =	vld [tilespmem:$0x2200]  }
0xfa: {  	v0 =	vadd.f32 v12, v0  }
0xfb: {  	v15 =	vld [tilespmem:$0x2220]  }
0xfc: {  	v0 =	vadd.f32 v13, v0  }
0xfd: {  	v16 =	vld [tilespmem:$0x2240]  }
0xfe: {  	v0 =	vadd.f32 v14, v0  }
0xff: {  	v17 =	vld [tilespmem:$0x2260]  }
0x100: {  	v0 =	vadd.f32 v15, v0  }
0x101: {  	v18 =	vld [tilespmem:$0x2280]  }
0x102: {  	v0 =	vadd.f32 v16, v0  }
0x103: {  	v19 =	vld [tilespmem:$0x22A0]  }
0x104: {  	v0 =	vadd.f32 v17, v0  }
0x105: {  	v20 =	vld [tilespmem:$0x22C0]  }
0x106: {  	v0 =	vadd.f32 v18, v0  }
0x107: {  	v21 =	vld [tilespmem:$0x22E0]  }
0x108: {  	v0 =	vadd.f32 v19, v0  }
0x109: {  	v22 =	vld [tilespmem:$0x2300]  }
0x10a: {  	v0 =	vadd.f32 v20, v0  }
0x10b: {  	v23 =	vld [tilespmem:$0x2320]  }
0x10c: {  	v0 =	vadd.f32 v21, v0  }
0x10d: {  	v24 =	vld [tilespmem:$0x2340]  }
0x10e: {  	v0 =	vadd.f32 v22, v0  }
0x10f: {  	v25 =	vld [tilespmem:$0x2360]  }
0x110: {  	v0 =	vadd.f32 v23, v0  }
0x111: {  	v26 =	vld [tilespmem:$0x2380]  }
0x112: {  	v0 =	vadd.f32 v24, v0  }
0x113: {  	v27 =	vld [tilespmem:$0x23A0]  }
0x114: {  	v0 =	vadd.f32 v25, v0  }
0x115: {  	v28 =	vld [tilespmem:$0x23C0]  }
0x116: {  	v0 =	vadd.f32 v26, v0  }
0x117: {  	v29 =	vld [tilespmem:$0x23E0]  }
0x118: {  	v0 =	vadd.f32 v27, v0  }
0x119: {  	v30 =	vld [tilespmem:$0x2400]  }
0x11a: {  	v0 =	vadd.f32 v28, v0  }
0x11b: {  	v31 =	vld [tilespmem:$0x2420]  }
0x11c: {  	v0 =	vadd.f32 v29, v0  }
0x11d: {  	v32 =	vld [tilespmem:$0x2440]  }
0x11e: {  	v0 =	vadd.f32 v30, v0  }
0x11f: {  	v33 =	vld [tilespmem:$0x2460]  }
0x120: {  	v0 =	vadd.f32 v31, v0  }
0x121: {  	v34 =	vld [tilespmem:$0x2480]  }
0x122: {  	v0 =	vadd.f32 v32, v0  }
0x123: {  	v35 =	vld [tilespmem:$0x24A0]  }
0x124: {  	v0 =	vadd.f32 v33, v0  }
0x125: {  	v36 =	vld [tilespmem:$0x24C0]  }
0x126: {  	v0 =	vadd.f32 v34, v0  }
0x127: {  	v37 =	vld [tilespmem:$0x24E0]  }
0x128: {  	v0 =	vadd.f32 v35, v0  }
0x129: {  	v38 =	vld [tilespmem:$0x2500]  }
0x12a: {  	v0 =	vadd.f32 v36, v0  }
0x12b: {  	v39 =	vld [tilespmem:$0x2520]  }
0x12c: {  	v0 =	vadd.f32 v37, v0  }
0x12d: {  	v40 =	vld [tilespmem:$0x2540]  }
0x12e: {  	v0 =	vadd.f32 v38, v0  }
0x12f: {  	v41 =	vld [tilespmem:$0x2560]  }
0x130: {  	v0 =	vadd.f32 v39, v0  }
0x131: {  	v42 =	vld [tilespmem:$0x2580]  }
0x132: {  	v0 =	vadd.f32 v40, v0  }
0x133: {  	v43 =	vld [tilespmem:$0x25A0]  }
0x134: {  	v0 =	vadd.f32 v41, v0  }
0x135: {  	v44 =	vld [tilespmem:$0x25C0]  }
0x136: {  	v0 =	vadd.f32 v42, v0  }
0x137: {  	v45 =	vld [tilespmem:$0x25E0]  }
0x138: {  	v0 =	vadd.f32 v43, v0  }
0x139: {  	v46 =	vld [tilespmem:$0x2600]  }
0x13a: {  	v0 =	vadd.f32 v44, v0  }
0x13b: {  	v47 =	vld [tilespmem:$0x2620]  }
0x13c: {  	v0 =	vadd.f32 v45, v0  }
0x13d: {  	v48 =	vld [tilespmem:$0x2640]  }
0x13e: {  	v0 =	vadd.f32 v46, v0  }
0x13f: {  	v49 =	vld [tilespmem:$0x2660]  }
0x140: {  	v0 =	vadd.f32 v47, v0;
	_ =	sdelay $0x1  }
0x141: {  	v0 =	vadd.f32 v48, v0;
	_ =	sdelay $0x1  }
0x142: {  	v0 =	vadd.f32 v49, v0;
	_ =	sdelay $0x1  }
0x143: {  	v0 =	vmul.f32 $1.999999960e-02, v0;
	_ =	sdelay $0x1  }
0x144: {  	[tilespmem:s16+$0xFFFFFFE0] =	vst v0  }
0x145: {  	v0 =	vld [tilespmem:$0x2050]  }
0x146: {  	v50 =	vld [tilespmem:$0x2070];
	_ =	sdelay $0x1  }
0x147: {  	v51 =	vld [tilespmem:$0x2090];
	_ =	sdelay $0x1  }
0x148: {  	v52 =	vld [tilespmem:$0x20B0]  }
0x149: {  	v0 =	vadd.f32 v50, v0  }
0x14a: {  	v53 =	vld [tilespmem:$0x20D0]  }
0x14b: {  	v0 =	vadd.f32 v51, v0  }
0x14c: {  	v54 =	vld [tilespmem:$0x20F0]  }
0x14d: {  	v0 =	vadd.f32 v52, v0  }
0x14e: {  	v55 =	vld [tilespmem:$0x2110]  }
0x14f: {  	v0 =	vadd.f32 v53, v0  }
0x150: {  	v56 =	vld [tilespmem:$0x2130]  }
0x151: {  	v0 =	vadd.f32 v54, v0  }
0x152: {  	v57 =	vld [tilespmem:$0x2150]  }
0x153: {  	v0 =	vadd.f32 v55, v0  }
0x154: {  	v58 =	vld [tilespmem:$0x2170]  }
0x155: {  	v0 =	vadd.f32 v56, v0  }
0x156: {  	v59 =	vld [tilespmem:$0x2190]  }
0x157: {  	v0 =	vadd.f32 v57, v0  }
0x158: {  	v60 =	vld [tilespmem:$0x21B0]  }
0x159: {  	v0 =	vadd.f32 v58, v0  }
0x15a: {  	v61 =	vld [tilespmem:$0x21D0]  }
0x15b: {  	v0 =	vadd.f32 v59, v0  }
0x15c: {  	v62 =	vld [tilespmem:$0x21F0]  }
0x15d: {  	v0 =	vadd.f32 v60, v0  }
0x15e: {  	v63 =	vld [tilespmem:$0x2210]  }
0x15f: {  	v0 =	vadd.f32 v61, v0  }
0x160: {  	v6 =	vld [tilespmem:$0x2230]  }
0x161: {  	v0 =	vadd.f32 v62, v0  }
0x162: {  	v7 =	vld [tilespmem:$0x2250]  }
0x163: {  	v0 =	vadd.f32 v63, v0  }
0x164: {  	v8 =	vld [tilespmem:$0x2270]  }
0x165: {  	v0 =	vadd.f32 v6, v0  }
0x166: {  	v9 =	vld [tilespmem:$0x2290]  }
0x167: {  	v0 =	vadd.f32 v7, v0  }
0x168: {  	v10 =	vld [tilespmem:$0x22B0]  }
0x169: {  	v0 =	vadd.f32 v8, v0  }
0x16a: {  	v11 =	vld [tilespmem:$0x22D0]  }
0x16b: {  	v0 =	vadd.f32 v9, v0  }
0x16c: {  	v12 =	vld [tilespmem:$0x22F0]  }
0x16d: {  	v0 =	vadd.f32 v10, v0  }
0x16e: {  	v13 =	vld [tilespmem:$0x2310]  }
0x16f: {  	v0 =	vadd.f32 v11, v0  }
0x170: {  	v14 =	vld [tilespmem:$0x2330]  }
0x171: {  	v0 =	vadd.f32 v12, v0  }
0x172: {  	v15 =	vld [tilespmem:$0x2350]  }
0x173: {  	v0 =	vadd.f32 v13, v0  }
0x174: {  	v16 =	vld [tilespmem:$0x2370]  }
0x175: {  	v0 =	vadd.f32 v14, v0  }
0x176: {  	v17 =	vld [tilespmem:$0x2390]  }
0x177: {  	v0 =	vadd.f32 v15, v0  }
0x178: {  	v18 =	vld [tilespmem:$0x23B0]  }
0x179: {  	v0 =	vadd.f32 v16, v0  }
0x17a: {  	v19 =	vld [tilespmem:$0x23D0]  }
0x17b: {  	v0 =	vadd.f32 v17, v0  }
0x17c: {  	v20 =	vld [tilespmem:$0x23F0]  }
0x17d: {  	v0 =	vadd.f32 v18, v0  }
0x17e: {  	v21 =	vld [tilespmem:$0x2410]  }
0x17f: {  	v0 =	vadd.f32 v19, v0  }
0x180: {  	v22 =	vld [tilespmem:$0x2430]  }
0x181: {  	v0 =	vadd.f32 v20, v0  }
0x182: {  	v23 =	vld [tilespmem:$0x2450]  }
0x183: {  	v0 =	vadd.f32 v21, v0  }
0x184: {  	v24 =	vld [tilespmem:$0x2470]  }
0x185: {  	v0 =	vadd.f32 v22, v0  }
0x186: {  	v25 =	vld [tilespmem:$0x2490]  }
0x187: {  	v0 =	vadd.f32 v23, v0  }
0x188: {  	v26 =	vld [tilespmem:$0x24B0]  }
0x189: {  	v0 =	vadd.f32 v24, v0  }
0x18a: {  	v27 =	vld [tilespmem:$0x24D0]  }
0x18b: {  	v0 =	vadd.f32 v25, v0  }
0x18c: {  	v28 =	vld [tilespmem:$0x24F0]  }
0x18d: {  	v0 =	vadd.f32 v26, v0  }
0x18e: {  	v29 =	vld [tilespmem:$0x2510]  }
0x18f: {  	v0 =	vadd.f32 v27, v0  }
0x190: {  	v30 =	vld [tilespmem:$0x2530]  }
0x191: {  	v0 =	vadd.f32 v28, v0  }
0x192: {  	v31 =	vld [tilespmem:$0x2550]  }
0x193: {  	v0 =	vadd.f32 v29, v0  }
0x194: {  	v32 =	vld [tilespmem:$0x2570]  }
0x195: {  	v0 =	vadd.f32 v30, v0  }
0x196: {  	v33 =	vld [tilespmem:$0x2590]  }
0x197: {  	v0 =	vadd.f32 v31, v0  }
0x198: {  	v34 =	vld [tilespmem:$0x25B0]  }
0x199: {  	v0 =	vadd.f32 v32, v0  }
0x19a: {  	v35 =	vld [tilespmem:$0x25D0]  }
0x19b: {  	v0 =	vadd.f32 v33, v0  }
0x19c: {  	v36 =	vld [tilespmem:$0x25F0]  }
0x19d: {  	v0 =	vadd.f32 v34, v0  }
0x19e: {  	v37 =	vld [tilespmem:$0x2610]  }
0x19f: {  	v0 =	vadd.f32 v35, v0  }
0x1a0: {  	v38 =	vld [tilespmem:$0x2630]  }
0x1a1: {  	v0 =	vadd.f32 v36, v0  }
0x1a2: {  	v39 =	vld [tilespmem:$0x2650]  }
0x1a3: {  	v0 =	vadd.f32 v37, v0  }
0x1a4: {  	v40 =	vld [tilespmem:$0x2670]  }
0x1a5: {  	v0 =	vadd.f32 v38, v0;
	_ =	sdelay $0x1  }
0x1a6: {  	v0 =	vadd.f32 v39, v0;
	_ =	sdelay $0x1  }
0x1a7: {  	v0 =	vadd.f32 v40, v0;
	_ =	sdelay $0x1  }
0x1a8: {  	p0 =	seq.s32 s15, $0xFFFFFCC0;
	v0 =	vmul.f32 $1.999999960e-02, v0  }
0x1a9: {  	s17 =	sshra.s32 @!p0 s15, $0x2  }
0x1aa: {  	s18 =	simm.s32 @!p0 $0x64;
	s19 =	simm.s32 @!p0 $0x1A00;
	s17 =	sadd.s32 @!p0 $0x1AD0, s17;
	[tilespmem:s16+$0xFFFFFFF0] =	vst v0  }
0x1ab: {  	[tilespmem:s19], [sflag:$0x1] =	stream.indirect.gather @!p0 [hbm4b:s3+s18], $0x20, s17, s18, $0xb8;
	[tilespmem:$0x4300] =	vst v63  }
0x1ac: {  	_ =	swait.ge [sflag:s12], $0xC80  }
0x1ad: {  	[sflag:s12] =	ssyncset.done $0x0  }
0x1ae: {  	[sflag:s12] =	ssyncadd.s32 $0xFFFFF380  }
0x1af: {  	v41 =	vld [tilespmem:$0x2680]  }
0x1b0: {  	v42 =	vld [tilespmem:$0x26A0];
	_ =	sdelay $0x1  }
0x1b1: {  	v43 =	vld [tilespmem:$0x26C0];
	_ =	sdelay $0x1  }
0x1b2: {  	v44 =	vld [tilespmem:$0x26E0]  }
0x1b3: {  	v0 =	vadd.f32 v42, v41  }
0x1b4: {  	v45 =	vld [tilespmem:$0x2700]  }
0x1b5: {  	v0 =	vadd.f32 v43, v0  }
0x1b6: {  	v46 =	vld [tilespmem:$0x2720]  }
0x1b7: {  	v0 =	vadd.f32 v44, v0  }
0x1b8: {  	v47 =	vld [tilespmem:$0x2740]  }
0x1b9: {  	v0 =	vadd.f32 v45, v0  }
0x1ba: {  	v48 =	vld [tilespmem:$0x2760]  }
0x1bb: {  	v0 =	vadd.f32 v46, v0  }
0x1bc: {  	v49 =	vld [tilespmem:$0x2780]  }
0x1bd: {  	v0 =	vadd.f32 v47, v0  }
0x1be: {  	v50 =	vld [tilespmem:$0x27A0]  }
0x1bf: {  	v0 =	vadd.f32 v48, v0  }
0x1c0: {  	v51 =	vld [tilespmem:$0x27C0]  }
0x1c1: {  	v0 =	vadd.f32 v49, v0  }
0x1c2: {  	v52 =	vld [tilespmem:$0x27E0]  }
0x1c3: {  	v0 =	vadd.f32 v50, v0  }
0x1c4: {  	v53 =	vld [tilespmem:$0x2800]  }
0x1c5: {  	v0 =	vadd.f32 v51, v0  }
0x1c6: {  	v54 =	vld [tilespmem:$0x2820]  }
0x1c7: {  	v0 =	vadd.f32 v52, v0  }
0x1c8: {  	v55 =	vld [tilespmem:$0x2840]  }
0x1c9: {  	v0 =	vadd.f32 v53, v0  }
0x1ca: {  	v56 =	vld [tilespmem:$0x2860]  }
0x1cb: {  	v0 =	vadd.f32 v54, v0  }
0x1cc: {  	v57 =	vld [tilespmem:$0x2880]  }
0x1cd: {  	v0 =	vadd.f32 v55, v0  }
0x1ce: {  	v58 =	vld [tilespmem:$0x28A0]  }
0x1cf: {  	v0 =	vadd.f32 v56, v0  }
0x1d0: {  	v59 =	vld [tilespmem:$0x28C0]  }
0x1d1: {  	v0 =	vadd.f32 v57, v0  }
0x1d2: {  	v60 =	vld [tilespmem:$0x28E0]  }
0x1d3: {  	v0 =	vadd.f32 v58, v0  }
0x1d4: {  	v61 =	vld [tilespmem:$0x2900]  }
0x1d5: {  	v0 =	vadd.f32 v59, v0  }
0x1d6: {  	v62 =	vld [tilespmem:$0x2920]  }
0x1d7: {  	v0 =	vadd.f32 v60, v0  }
0x1d8: {  	v63 =	vld [tilespmem:$0x2940]  }
0x1d9: {  	v0 =	vadd.f32 v61, v0  }
0x1da: {  	v6 =	vld [tilespmem:$0x2960]  }
0x1db: {  	v0 =	vadd.f32 v62, v0  }
0x1dc: {  	v7 =	vld [tilespmem:$0x2980]  }
0x1dd: {  	v0 =	vadd.f32 v63, v0  }
0x1de: {  	v8 =	vld [tilespmem:$0x29A0]  }
0x1df: {  	v0 =	vadd.f32 v6, v0  }
0x1e0: {  	v9 =	vld [tilespmem:$0x29C0]  }
0x1e1: {  	v0 =	vadd.f32 v7, v0  }
0x1e2: {  	v10 =	vld [tilespmem:$0x29E0]  }
0x1e3: {  	v0 =	vadd.f32 v8, v0  }
0x1e4: {  	v11 =	vld [tilespmem:$0x2A00]  }
0x1e5: {  	v0 =	vadd.f32 v9, v0  }
0x1e6: {  	v12 =	vld [tilespmem:$0x2A20]  }
0x1e7: {  	v0 =	vadd.f32 v10, v0  }
0x1e8: {  	v13 =	vld [tilespmem:$0x2A40]  }
0x1e9: {  	v0 =	vadd.f32 v11, v0  }
0x1ea: {  	v14 =	vld [tilespmem:$0x2A60]  }
0x1eb: {  	v0 =	vadd.f32 v12, v0  }
0x1ec: {  	v15 =	vld [tilespmem:$0x2A80]  }
0x1ed: {  	v0 =	vadd.f32 v13, v0  }
0x1ee: {  	v16 =	vld [tilespmem:$0x2AA0]  }
0x1ef: {  	v0 =	vadd.f32 v14, v0  }
0x1f0: {  	v17 =	vld [tilespmem:$0x2AC0]  }
0x1f1: {  	v0 =	vadd.f32 v15, v0  }
0x1f2: {  	v18 =	vld [tilespmem:$0x2AE0]  }
0x1f3: {  	v0 =	vadd.f32 v16, v0  }
0x1f4: {  	v19 =	vld [tilespmem:$0x2B00]  }
0x1f5: {  	v0 =	vadd.f32 v17, v0  }
0x1f6: {  	v20 =	vld [tilespmem:$0x2B20]  }
0x1f7: {  	v0 =	vadd.f32 v18, v0  }
0x1f8: {  	v21 =	vld [tilespmem:$0x2B40]  }
0x1f9: {  	v0 =	vadd.f32 v19, v0  }
0x1fa: {  	v22 =	vld [tilespmem:$0x2B60]  }
0x1fb: {  	v0 =	vadd.f32 v20, v0  }
0x1fc: {  	v23 =	vld [tilespmem:$0x2B80]  }
0x1fd: {  	v0 =	vadd.f32 v21, v0  }
0x1fe: {  	v24 =	vld [tilespmem:$0x2BA0]  }
0x1ff: {  	v0 =	vadd.f32 v22, v0  }
0x200: {  	v25 =	vld [tilespmem:$0x2BC0]  }
0x201: {  	v0 =	vadd.f32 v23, v0  }
0x202: {  	v26 =	vld [tilespmem:$0x2BE0]  }
0x203: {  	v0 =	vadd.f32 v24, v0  }
0x204: {  	v27 =	vld [tilespmem:$0x2C00]  }
0x205: {  	v0 =	vadd.f32 v25, v0  }
0x206: {  	v28 =	vld [tilespmem:$0x2C20]  }
0x207: {  	v0 =	vadd.f32 v26, v0  }
0x208: {  	v29 =	vld [tilespmem:$0x2C40]  }
0x209: {  	v0 =	vadd.f32 v27, v0  }
0x20a: {  	v30 =	vld [tilespmem:$0x2C60]  }
0x20b: {  	v0 =	vadd.f32 v28, v0  }
0x20c: {  	v31 =	vld [tilespmem:$0x2C80]  }
0x20d: {  	v0 =	vadd.f32 v29, v0  }
0x20e: {  	v32 =	vld [tilespmem:$0x2CA0]  }
0x20f: {  	v0 =	vadd.f32 v30, v0;
	_ =	sdelay $0x1  }
0x210: {  	v0 =	vadd.f32 v31, v0;
	_ =	sdelay $0x1  }
0x211: {  	v0 =	vadd.f32 v32, v0;
	_ =	sdelay $0x1  }
0x212: {  	v0 =	vmul.f32 $1.999999960e-02, v0;
	_ =	sdelay $0x1  }
0x213: {  	[tilespmem:s16+$0x0] =	vst v0  }
0x214: {  	v0 =	vld [tilespmem:$0x2690]  }
0x215: {  	v33 =	vld [tilespmem:$0x26B0];
	_ =	sdelay $0x1  }
0x216: {  	v34 =	vld [tilespmem:$0x26D0];
	_ =	sdelay $0x1  }
0x217: {  	v35 =	vld [tilespmem:$0x26F0]  }
0x218: {  	v0 =	vadd.f32 v33, v0  }
0x219: {  	v36 =	vld [tilespmem:$0x2710]  }
0x21a: {  	v0 =	vadd.f32 v34, v0  }
0x21b: {  	v37 =	vld [tilespmem:$0x2730]  }
0x21c: {  	v0 =	vadd.f32 v35, v0  }
0x21d: {  	v38 =	vld [tilespmem:$0x2750]  }
0x21e: {  	v0 =	vadd.f32 v36, v0  }
0x21f: {  	v39 =	vld [tilespmem:$0x2770]  }
0x220: {  	v0 =	vadd.f32 v37, v0  }
0x221: {  	v40 =	vld [tilespmem:$0x2790]  }
0x222: {  	v0 =	vadd.f32 v38, v0  }
0x223: {  	v41 =	vld [tilespmem:$0x27B0]  }
0x224: {  	v0 =	vadd.f32 v39, v0  }
0x225: {  	v42 =	vld [tilespmem:$0x27D0]  }
0x226: {  	v0 =	vadd.f32 v40, v0  }
0x227: {  	v43 =	vld [tilespmem:$0x27F0]  }
0x228: {  	v0 =	vadd.f32 v41, v0  }
0x229: {  	v44 =	vld [tilespmem:$0x2810]  }
0x22a: {  	v0 =	vadd.f32 v42, v0  }
0x22b: {  	v45 =	vld [tilespmem:$0x2830]  }
0x22c: {  	v0 =	vadd.f32 v43, v0  }
0x22d: {  	v46 =	vld [tilespmem:$0x2850]  }
0x22e: {  	v0 =	vadd.f32 v44, v0  }
0x22f: {  	v47 =	vld [tilespmem:$0x2870]  }
0x230: {  	v0 =	vadd.f32 v45, v0  }
0x231: {  	v48 =	vld [tilespmem:$0x2890]  }
0x232: {  	v0 =	vadd.f32 v46, v0  }
0x233: {  	v49 =	vld [tilespmem:$0x28B0]  }
0x234: {  	v0 =	vadd.f32 v47, v0  }
0x235: {  	v50 =	vld [tilespmem:$0x28D0]  }
0x236: {  	v0 =	vadd.f32 v48, v0  }
0x237: {  	v51 =	vld [tilespmem:$0x28F0]  }
0x238: {  	v0 =	vadd.f32 v49, v0  }
0x239: {  	v52 =	vld [tilespmem:$0x2910]  }
0x23a: {  	v0 =	vadd.f32 v50, v0  }
0x23b: {  	v53 =	vld [tilespmem:$0x2930]  }
0x23c: {  	v0 =	vadd.f32 v51, v0  }
0x23d: {  	v54 =	vld [tilespmem:$0x2950]  }
0x23e: {  	v0 =	vadd.f32 v52, v0  }
0x23f: {  	v55 =	vld [tilespmem:$0x2970]  }
0x240: {  	v0 =	vadd.f32 v53, v0  }
0x241: {  	v56 =	vld [tilespmem:$0x2990]  }
0x242: {  	v0 =	vadd.f32 v54, v0  }
0x243: {  	v57 =	vld [tilespmem:$0x29B0]  }
0x244: {  	v0 =	vadd.f32 v55, v0  }
0x245: {  	v58 =	vld [tilespmem:$0x29D0]  }
0x246: {  	v0 =	vadd.f32 v56, v0  }
0x247: {  	v59 =	vld [tilespmem:$0x29F0]  }
0x248: {  	v0 =	vadd.f32 v57, v0  }
0x249: {  	v60 =	vld [tilespmem:$0x2A10]  }
0x24a: {  	v0 =	vadd.f32 v58, v0  }
0x24b: {  	v61 =	vld [tilespmem:$0x2A30]  }
0x24c: {  	v0 =	vadd.f32 v59, v0  }
0x24d: {  	v62 =	vld [tilespmem:$0x2A50]  }
0x24e: {  	v0 =	vadd.f32 v60, v0  }
0x24f: {  	v63 =	vld [tilespmem:$0x2A70]  }
0x250: {  	v0 =	vadd.f32 v61, v0  }
0x251: {  	v6 =	vld [tilespmem:$0x2A90]  }
0x252: {  	v0 =	vadd.f32 v62, v0  }
0x253: {  	v7 =	vld [tilespmem:$0x2AB0]  }
0x254: {  	v0 =	vadd.f32 v63, v0  }
0x255: {  	v8 =	vld [tilespmem:$0x2AD0]  }
0x256: {  	v0 =	vadd.f32 v6, v0  }
0x257: {  	v9 =	vld [tilespmem:$0x2AF0]  }
0x258: {  	v0 =	vadd.f32 v7, v0  }
0x259: {  	v10 =	vld [tilespmem:$0x2B10]  }
0x25a: {  	v0 =	vadd.f32 v8, v0  }
0x25b: {  	v11 =	vld [tilespmem:$0x2B30]  }
0x25c: {  	v0 =	vadd.f32 v9, v0  }
0x25d: {  	v12 =	vld [tilespmem:$0x2B50]  }
0x25e: {  	v0 =	vadd.f32 v10, v0  }
0x25f: {  	v13 =	vld [tilespmem:$0x2B70]  }
0x260: {  	v0 =	vadd.f32 v11, v0  }
0x261: {  	v14 =	vld [tilespmem:$0x2B90]  }
0x262: {  	v0 =	vadd.f32 v12, v0  }
0x263: {  	v15 =	vld [tilespmem:$0x2BB0]  }
0x264: {  	v0 =	vadd.f32 v13, v0  }
0x265: {  	v16 =	vld [tilespmem:$0x2BD0]  }
0x266: {  	v0 =	vadd.f32 v14, v0  }
0x267: {  	v17 =	vld [tilespmem:$0x2BF0]  }
0x268: {  	v0 =	vadd.f32 v15, v0  }
0x269: {  	v18 =	vld [tilespmem:$0x2C10]  }
0x26a: {  	v0 =	vadd.f32 v16, v0  }
0x26b: {  	v19 =	vld [tilespmem:$0x2C30]  }
0x26c: {  	v0 =	vadd.f32 v17, v0  }
0x26d: {  	v20 =	vld [tilespmem:$0x2C50]  }
0x26e: {  	v0 =	vadd.f32 v18, v0  }
0x26f: {  	v21 =	vld [tilespmem:$0x2C70]  }
0x270: {  	v0 =	vadd.f32 v19, v0  }
0x271: {  	v22 =	vld [tilespmem:$0x2C90]  }
0x272: {  	v0 =	vadd.f32 v20, v0  }
0x273: {  	v23 =	vld [tilespmem:$0x2CB0]  }
0x274: {  	v0 =	vadd.f32 v21, v0;
	_ =	sdelay $0x1  }
0x275: {  	v0 =	vadd.f32 v22, v0;
	_ =	sdelay $0x1  }
0x276: {  	v0 =	vadd.f32 v23, v0;
	_ =	sdelay $0x1  }
0x277: {  	v0 =	vmul.f32 $1.999999960e-02, v0;
	_ =	sdelay $0x1  }
0x278: {  	[tilespmem:s16+$0x10] =	vst v0  }
0x279: {  	v0 =	vld [tilespmem:$0x2CC0]  }
0x27a: {  	v24 =	vld [tilespmem:$0x2CE0];
	_ =	sdelay $0x1  }
0x27b: {  	v25 =	vld [tilespmem:$0x2D00];
	_ =	sdelay $0x1  }
0x27c: {  	v26 =	vld [tilespmem:$0x2D20]  }
0x27d: {  	v0 =	vadd.f32 v24, v0  }
0x27e: {  	v27 =	vld [tilespmem:$0x2D40]  }
0x27f: {  	v0 =	vadd.f32 v25, v0  }
0x280: {  	v28 =	vld [tilespmem:$0x2D60]  }
0x281: {  	v0 =	vadd.f32 v26, v0  }
0x282: {  	v29 =	vld [tilespmem:$0x2D80]  }
0x283: {  	v0 =	vadd.f32 v27, v0  }
0x284: {  	v30 =	vld [tilespmem:$0x2DA0]  }
0x285: {  	v0 =	vadd.f32 v28, v0  }
0x286: {  	v31 =	vld [tilespmem:$0x2DC0]  }
0x287: {  	v0 =	vadd.f32 v29, v0  }
0x288: {  	v32 =	vld [tilespmem:$0x2DE0]  }
0x289: {  	v0 =	vadd.f32 v30, v0  }
0x28a: {  	v33 =	vld [tilespmem:$0x2E00]  }
0x28b: {  	v0 =	vadd.f32 v31, v0  }
0x28c: {  	v34 =	vld [tilespmem:$0x2E20]  }
0x28d: {  	v0 =	vadd.f32 v32, v0  }
0x28e: {  	v35 =	vld [tilespmem:$0x2E40]  }
0x28f: {  	v0 =	vadd.f32 v33, v0  }
0x290: {  	v36 =	vld [tilespmem:$0x2E60]  }
0x291: {  	v0 =	vadd.f32 v34, v0  }
0x292: {  	v37 =	vld [tilespmem:$0x2E80]  }
0x293: {  	v0 =	vadd.f32 v35, v0  }
0x294: {  	v38 =	vld [tilespmem:$0x2EA0]  }
0x295: {  	v0 =	vadd.f32 v36, v0  }
0x296: {  	v39 =	vld [tilespmem:$0x2EC0]  }
0x297: {  	v0 =	vadd.f32 v37, v0  }
0x298: {  	v40 =	vld [tilespmem:$0x2EE0]  }
0x299: {  	v0 =	vadd.f32 v38, v0  }
0x29a: {  	v41 =	vld [tilespmem:$0x2F00]  }
0x29b: {  	v0 =	vadd.f32 v39, v0  }
0x29c: {  	v42 =	vld [tilespmem:$0x2F20]  }
0x29d: {  	v0 =	vadd.f32 v40, v0  }
0x29e: {  	v43 =	vld [tilespmem:$0x2F40]  }
0x29f: {  	v0 =	vadd.f32 v41, v0  }
0x2a0: {  	v44 =	vld [tilespmem:$0x2F60]  }
0x2a1: {  	v0 =	vadd.f32 v42, v0  }
0x2a2: {  	v45 =	vld [tilespmem:$0x2F80]  }
0x2a3: {  	v0 =	vadd.f32 v43, v0  }
0x2a4: {  	v46 =	vld [tilespmem:$0x2FA0]  }
0x2a5: {  	v0 =	vadd.f32 v44, v0  }
0x2a6: {  	v47 =	vld [tilespmem:$0x2FC0]  }
0x2a7: {  	v0 =	vadd.f32 v45, v0  }
0x2a8: {  	v48 =	vld [tilespmem:$0x2FE0]  }
0x2a9: {  	v0 =	vadd.f32 v46, v0  }
0x2aa: {  	v49 =	vld [tilespmem:$0x3000]  }
0x2ab: {  	v0 =	vadd.f32 v47, v0  }
0x2ac: {  	v50 =	vld [tilespmem:$0x3020]  }
0x2ad: {  	v0 =	vadd.f32 v48, v0  }
0x2ae: {  	v51 =	vld [tilespmem:$0x3040]  }
0x2af: {  	v0 =	vadd.f32 v49, v0  }
0x2b0: {  	v52 =	vld [tilespmem:$0x3060]  }
0x2b1: {  	v0 =	vadd.f32 v50, v0  }
0x2b2: {  	v53 =	vld [tilespmem:$0x3080]  }
0x2b3: {  	v0 =	vadd.f32 v51, v0  }
0x2b4: {  	v54 =	vld [tilespmem:$0x30A0]  }
0x2b5: {  	v0 =	vadd.f32 v52, v0  }
0x2b6: {  	v55 =	vld [tilespmem:$0x30C0]  }
0x2b7: {  	v0 =	vadd.f32 v53, v0  }
0x2b8: {  	v56 =	vld [tilespmem:$0x30E0]  }
0x2b9: {  	v0 =	vadd.f32 v54, v0  }
0x2ba: {  	v57 =	vld [tilespmem:$0x3100]  }
0x2bb: {  	v0 =	vadd.f32 v55, v0  }
0x2bc: {  	v58 =	vld [tilespmem:$0x3120]  }
0x2bd: {  	v0 =	vadd.f32 v56, v0  }
0x2be: {  	v59 =	vld [tilespmem:$0x3140]  }
0x2bf: {  	v0 =	vadd.f32 v57, v0  }
0x2c0: {  	v60 =	vld [tilespmem:$0x3160]  }
0x2c1: {  	v0 =	vadd.f32 v58, v0  }
0x2c2: {  	v61 =	vld [tilespmem:$0x3180]  }
0x2c3: {  	v0 =	vadd.f32 v59, v0  }
0x2c4: {  	v62 =	vld [tilespmem:$0x31A0]  }
0x2c5: {  	v0 =	vadd.f32 v60, v0  }
0x2c6: {  	v63 =	vld [tilespmem:$0x31C0]  }
0x2c7: {  	v0 =	vadd.f32 v61, v0  }
0x2c8: {  	v6 =	vld [tilespmem:$0x31E0]  }
0x2c9: {  	v0 =	vadd.f32 v62, v0  }
0x2ca: {  	v7 =	vld [tilespmem:$0x3200]  }
0x2cb: {  	v0 =	vadd.f32 v63, v0  }
0x2cc: {  	v8 =	vld [tilespmem:$0x3220]  }
0x2cd: {  	v0 =	vadd.f32 v6, v0  }
0x2ce: {  	v9 =	vld [tilespmem:$0x3240]  }
0x2cf: {  	v0 =	vadd.f32 v7, v0  }
0x2d0: {  	v10 =	vld [tilespmem:$0x3260]  }
0x2d1: {  	v0 =	vadd.f32 v8, v0  }
0x2d2: {  	v11 =	vld [tilespmem:$0x3280]  }
0x2d3: {  	v0 =	vadd.f32 v9, v0  }
0x2d4: {  	v12 =	vld [tilespmem:$0x32A0]  }
0x2d5: {  	v0 =	vadd.f32 v10, v0  }
0x2d6: {  	v13 =	vld [tilespmem:$0x32C0]  }
0x2d7: {  	v0 =	vadd.f32 v11, v0  }
0x2d8: {  	v14 =	vld [tilespmem:$0x32E0]  }
0x2d9: {  	v0 =	vadd.f32 v12, v0;
	_ =	sdelay $0x1  }
0x2da: {  	v0 =	vadd.f32 v13, v0;
	_ =	sdelay $0x1  }
0x2db: {  	v0 =	vadd.f32 v14, v0;
	_ =	sdelay $0x1  }
0x2dc: {  	v0 =	vmul.f32 $1.999999960e-02, v0;
	_ =	sdelay $0x1  }
0x2dd: {  	[tilespmem:s16+$0x20] =	vst v0  }
0x2de: {  	v0 =	vld [tilespmem:$0x2CD0]  }
0x2df: {  	v15 =	vld [tilespmem:$0x2CF0];
	_ =	sdelay $0x1  }
0x2e0: {  	v16 =	vld [tilespmem:$0x2D10];
	_ =	sdelay $0x1  }
0x2e1: {  	v17 =	vld [tilespmem:$0x2D30]  }
0x2e2: {  	v0 =	vadd.f32 v15, v0  }
0x2e3: {  	v18 =	vld [tilespmem:$0x2D50]  }
0x2e4: {  	v0 =	vadd.f32 v16, v0  }
0x2e5: {  	v19 =	vld [tilespmem:$0x2D70]  }
0x2e6: {  	v0 =	vadd.f32 v17, v0  }
0x2e7: {  	v20 =	vld [tilespmem:$0x2D90]  }
0x2e8: {  	v0 =	vadd.f32 v18, v0  }
0x2e9: {  	v21 =	vld [tilespmem:$0x2DB0]  }
0x2ea: {  	v0 =	vadd.f32 v19, v0  }
0x2eb: {  	v22 =	vld [tilespmem:$0x2DD0]  }
0x2ec: {  	v0 =	vadd.f32 v20, v0  }
0x2ed: {  	v23 =	vld [tilespmem:$0x2DF0]  }
0x2ee: {  	v0 =	vadd.f32 v21, v0  }
0x2ef: {  	v24 =	vld [tilespmem:$0x2E10]  }
0x2f0: {  	v0 =	vadd.f32 v22, v0  }
0x2f1: {  	v25 =	vld [tilespmem:$0x2E30]  }
0x2f2: {  	v0 =	vadd.f32 v23, v0  }
0x2f3: {  	v26 =	vld [tilespmem:$0x2E50]  }
0x2f4: {  	v0 =	vadd.f32 v24, v0  }
0x2f5: {  	v27 =	vld [tilespmem:$0x2E70]  }
0x2f6: {  	v0 =	vadd.f32 v25, v0  }
0x2f7: {  	v28 =	vld [tilespmem:$0x2E90]  }
0x2f8: {  	v0 =	vadd.f32 v26, v0  }
0x2f9: {  	v29 =	vld [tilespmem:$0x2EB0]  }
0x2fa: {  	v0 =	vadd.f32 v27, v0  }
0x2fb: {  	v30 =	vld [tilespmem:$0x2ED0]  }
0x2fc: {  	v0 =	vadd.f32 v28, v0  }
0x2fd: {  	v31 =	vld [tilespmem:$0x2EF0]  }
0x2fe: {  	v0 =	vadd.f32 v29, v0  }
0x2ff: {  	v32 =	vld [tilespmem:$0x2F10]  }
0x300: {  	v0 =	vadd.f32 v30, v0  }
0x301: {  	v33 =	vld [tilespmem:$0x2F30]  }
0x302: {  	v0 =	vadd.f32 v31, v0  }
0x303: {  	v34 =	vld [tilespmem:$0x2F50]  }
0x304: {  	v0 =	vadd.f32 v32, v0  }
0x305: {  	v35 =	vld [tilespmem:$0x2F70]  }
0x306: {  	v0 =	vadd.f32 v33, v0  }
0x307: {  	v36 =	vld [tilespmem:$0x2F90]  }
0x308: {  	v0 =	vadd.f32 v34, v0  }
0x309: {  	v37 =	vld [tilespmem:$0x2FB0]  }
0x30a: {  	v0 =	vadd.f32 v35, v0  }
0x30b: {  	v38 =	vld [tilespmem:$0x2FD0]  }
0x30c: {  	v0 =	vadd.f32 v36, v0  }
0x30d: {  	v39 =	vld [tilespmem:$0x2FF0]  }
0x30e: {  	v0 =	vadd.f32 v37, v0  }
0x30f: {  	v40 =	vld [tilespmem:$0x3010]  }
0x310: {  	v0 =	vadd.f32 v38, v0  }
0x311: {  	v41 =	vld [tilespmem:$0x3030]  }
0x312: {  	v0 =	vadd.f32 v39, v0  }
0x313: {  	v42 =	vld [tilespmem:$0x3050]  }
0x314: {  	v0 =	vadd.f32 v40, v0  }
0x315: {  	v43 =	vld [tilespmem:$0x3070]  }
0x316: {  	v0 =	vadd.f32 v41, v0  }
0x317: {  	v44 =	vld [tilespmem:$0x3090]  }
0x318: {  	v0 =	vadd.f32 v42, v0  }
0x319: {  	v45 =	vld [tilespmem:$0x30B0]  }
0x31a: {  	v0 =	vadd.f32 v43, v0  }
0x31b: {  	v46 =	vld [tilespmem:$0x30D0]  }
0x31c: {  	v0 =	vadd.f32 v44, v0  }
0x31d: {  	v47 =	vld [tilespmem:$0x30F0]  }
0x31e: {  	v0 =	vadd.f32 v45, v0  }
0x31f: {  	v48 =	vld [tilespmem:$0x3110]  }
0x320: {  	v0 =	vadd.f32 v46, v0  }
0x321: {  	v49 =	vld [tilespmem:$0x3130]  }
0x322: {  	v0 =	vadd.f32 v47, v0  }
0x323: {  	v50 =	vld [tilespmem:$0x3150]  }
0x324: {  	v0 =	vadd.f32 v48, v0  }
0x325: {  	v51 =	vld [tilespmem:$0x3170]  }
0x326: {  	v0 =	vadd.f32 v49, v0  }
0x327: {  	v52 =	vld [tilespmem:$0x3190]  }
0x328: {  	v0 =	vadd.f32 v50, v0  }
0x329: {  	v53 =	vld [tilespmem:$0x31B0]  }
0x32a: {  	v0 =	vadd.f32 v51, v0  }
0x32b: {  	v54 =	vld [tilespmem:$0x31D0]  }
0x32c: {  	v0 =	vadd.f32 v52, v0  }
0x32d: {  	v55 =	vld [tilespmem:$0x31F0]  }
0x32e: {  	v0 =	vadd.f32 v53, v0  }
0x32f: {  	v56 =	vld [tilespmem:$0x3210]  }
0x330: {  	v0 =	vadd.f32 v54, v0  }
0x331: {  	v57 =	vld [tilespmem:$0x3230]  }
0x332: {  	v0 =	vadd.f32 v55, v0  }
0x333: {  	v58 =	vld [tilespmem:$0x3250]  }
0x334: {  	v0 =	vadd.f32 v56, v0  }
0x335: {  	v59 =	vld [tilespmem:$0x3270]  }
0x336: {  	v0 =	vadd.f32 v57, v0  }
0x337: {  	v60 =	vld [tilespmem:$0x3290]  }
0x338: {  	v0 =	vadd.f32 v58, v0  }
0x339: {  	v61 =	vld [tilespmem:$0x32B0]  }
0x33a: {  	v0 =	vadd.f32 v59, v0  }
0x33b: {  	v62 =	vld [tilespmem:$0x32D0]  }
0x33c: {  	v0 =	vadd.f32 v60, v0  }
0x33d: {  	v63 =	vld [tilespmem:$0x32F0]  }
0x33e: {  	v0 =	vadd.f32 v61, v0;
	_ =	sdelay $0x1  }
0x33f: {  	s15 =	sadd.s32 $0x340, s15;
	v0 =	vadd.f32 v62, v0  }
0x340: {  	p0 =	sne.s32 s15, $0x0  }
.Ltmp0:
0x341: {  	v0 =	vadd.f32 v63, v0;
	(pc) =	sbr.rel @p0 .LBB2_2-.Ltmp0, $3  }
0x342: {  	_ = 	snop  }
0x343: {  	v0 =	vmul.f32 $1.999999960e-02, v0;
	_ =	sdelay $0x1  }
0x344: {  	[tilespmem:s16+$0x30] =	vst v0;
	s16 =	sadd.s32 $0x80, s16  }
0x345: {  	s14 =	sadd.s32 $0x1, s14  }
0x346: {  	p0 =	sne.s32 s14, s6  }
.Ltmp1:
0x347: {  	_ = 	snop;
	(pc) =	sbr.rel @p0 .LBB2_1-.Ltmp1, $4  }
0x348: {  	[hbm4b:s5+s2] =	stream.linear.scatter [tilespmem:s13], [sflag:$0x3], $0x1000, $0x38;
	[tilespmem:$0x4300] =	vst v63  }
0x349: {  	_ =	swait.ge [sflag:s7], $0x1000  }
0x34a: {  	[sflag:s7] =	ssyncset.done $0x0  }
0x34b: {  	[sflag:s7] =	ssyncadd.s32 $0xFFFFF000  }
0x34c: {  	_ =	sfence.sel $0x180000  }
0x34d: {  	[bflag:$0x0] =	sbarrier.arrive $0xFFFF  }
0x34e: {  	p0 =	sne.s32 s0, $0x0;
	_ =	strace $0x90000047  }
0x34f: {  	s0 =	sadd.s32 @!p0 $0x100000, s1;
	[bflag:$0x2] =	sbarrier.arrive $0xFFFF  }
0x350: {  	[sflag:s0] =	ssyncadd.tile.s32 @!p0 $0x1;
	_ =	shalt  }
.Lfunc_end2:
_tile_overlayer_lowered:
.L_overlay_start_2:
0x351: {  	(tag) =	ssettag $0x2  }
0x352: {  	s0 =	rddreg [dreg:$0x0];
	s2 =	stileid.u32  }
0x353: {  	s1 =	rddreg [dreg:$0x1];
	p0 =	sne.s32 s2, $0x0  }
0x354: {  	s3 =	rddreg [dreg:$0x2];
	[bflag:$0x3] =	sbarrier.arrive $0xFFFF;
	s2 =	simm.s32 @!p0 $0x1C03  }
0x355: {  	[timem:s3], [sflag:s2] =	dma.local @!p0 [hbm:s0], s1  }
0x356: {  	s0 =	simm.s32 @!p0 $0x3  }
0x357: {  	_ =	swait.ge @!p0 [sflag:s0], s1  }
0x358: {  	s1 =	ssub.s32 @!p0 $0x0, s1;
	[sflag:s0] =	ssyncset.done @!p0 $0x0  }
0x359: {  	[sflag:s0] =	ssyncadd.s32 @!p0 s1  }
0x35a: {  	[bflag:$0x3] =	sbarrier.arrive $0xFFFF  }
0x35b: {  	_ =	shalt  }

</sc_bundles>
